<compile_context>
chip_gen: v7x
topology: tpu7x:2x2x1
jax: 0.10.2.dev20260603
libtpu: 0.0.44.dev20260713+nightly
codegen_flags: <defaults>
</compile_context>

<pallas_src>
import functools

import jax
import jax.numpy as jnp
from jax import lax
from jax.experimental import pallas as pl
from jax.experimental.pallas import tpu as pltpu
from jax.experimental.pallas import tpu_sc as plsc

VX, VY = 0.4, 0.4
XMIN, YMIN = -51.2, -51.2
GX, GY = 256, 256
C = 64
NBATCH = 2
N = 100000
NSEG = GX * GY

NS = 16
NGRP = 16
GRP = 6272
NPB = NGRP * GRP
NPTOT = NBATCH * NPB
BLK = 2048
NBLK = NPTOT // BLK
BLKS_PER_BATCH = NPB // BLK
SB = 512

_SC_PARAMS = pltpu.CompilerParams(
    use_tc_tiling_on_sc=False, needs_layout_passes=False)


@functools.cache
def _mesh():
    return plsc.VectorSubcoreMesh(
        core_axis_name="c", subcore_axis_name="s",
        num_cores=2, num_subcores=NS)


def _prep_body(p0, p1, s0_ref, a0_ref, s1_ref, a1_ref):
    i = pl.program_id(0)
    inb = (i % BLKS_PER_BATCH) * BLK
    lane = lax.broadcasted_iota(jnp.int32, (1, BLK), 1)
    valid = (inb + lane) < N

    def one(p, s_ref, a_ref):
        x = p[0:1, :]
        y = p[1:2, :]
        z = p[2:3, :]
        cx = jnp.clip(jnp.floor((x - XMIN) / VX).astype(jnp.int32), 0, GX - 1)
        cy = jnp.clip(jnp.floor((y - YMIN) / VY).astype(jnp.int32), 0, GY - 1)
        s_ref[0] = jnp.where(valid, cy * GX + cx, 0)
        cxc = (cx.astype(jnp.float32) + 0.5) * VX + XMIN
        cyc = (cy.astype(jnp.float32) + 0.5) * VY + YMIN
        ones = jnp.ones((1, BLK), jnp.float32)
        zpad = jnp.zeros((2, BLK), jnp.float32)
        a = jnp.concatenate([ones, x, y, z, cxc, cyc, zpad], axis=0)
        a_ref[...] = jnp.where(valid, a, 0.0)

    one(p0[...], s0_ref, a0_ref)
    one(p1[...], s1_ref, a1_ref)


def _prep(P0, P1):
    pspec = pl.BlockSpec((8, BLK), lambda i: (0, i))
    sspec = pl.BlockSpec((1, 1, BLK), lambda i: (i, 0, 0))
    seg_shape = jax.ShapeDtypeStruct((NBLK, 1, BLK), jnp.int32)
    a_shape = jax.ShapeDtypeStruct((8, NPTOT), jnp.float32)
    return pl.pallas_call(
        _prep_body,
        grid=(NBLK,),
        in_specs=[pspec, pspec],
        out_specs=[sspec, pspec, sspec, pspec],
        out_shape=[seg_shape, a_shape, seg_shape, a_shape],
    )(P0, P1)


def _zero_acc(acc):
    zeros16 = jnp.zeros((16,), jnp.float32)

    @pl.loop(0, NSEG // 128)
    def _z(i):
        for u in range(8):
            acc[pl.ds(i * 128 + u * 16, 16)] = zeros16


def _scatter_grp(acc, seg_v, val_v):
    @plsc.parallel_loop(0, GRP, 16, unroll=8)
    def _i(off):
        plsc.addupdate_scatter(acc, [seg_v[pl.ds(off, 16)]],
                               val_v[pl.ds(off, 16)])


def _gather_grp(acc, seg_v, out_v):
    @plsc.parallel_loop(0, GRP, 16, unroll=8)
    def _i(off):
        out_v[pl.ds(off, 16)] = plsc.load_gather(
            acc, [seg_v[pl.ds(off, 16)]])


def _grp_ring(b, srcs, bufs, sems, body):
    def start(g, k):
        for src, bb, ss in zip(srcs, bufs, sems):
            pltpu.async_copy(src(g), bb[k], ss[k])

    def wait(g, k):
        for src, bb, ss in zip(srcs, bufs, sems):
            pltpu.make_async_copy(src(g), bb[k], ss[k]).wait()

    start(0, 0)

    @pl.loop(0, NGRP // 2)
    def _gp(gp):
        g = gp * 2
        start(g + 1, 1)
        wait(g, 0)
        body(0, g)

        @pl.when(gp + 1 < NGRP // 2)
        def _nxt():
            start(g + 2, 0)

        wait(g + 1, 1)
        body(1, g + 1)


@functools.cache
def _make_stats():
    @functools.partial(
        pl.kernel,
        mesh=_mesh(),
        compiler_params=_SC_PARAMS,
        out_type=(jax.ShapeDtypeStruct((NBATCH, 4, NSEG), jnp.float32),
                  jax.ShapeDtypeStruct((8, NPTOT), jnp.float32)) * 2,
        scratch_types=[
            pltpu.VMEM((GRP,), jnp.int32),
            pltpu.VMEM((GRP,), jnp.int32),
            pltpu.VMEM((GRP,), jnp.float32),
            pltpu.VMEM((GRP,), jnp.float32),
            pltpu.VMEM((GRP,), jnp.float32),
            pltpu.VMEM((GRP,), jnp.float32),
            pltpu.VMEM((NSEG,), jnp.float32),
            pltpu.SemaphoreType.DMA,
            pltpu.SemaphoreType.DMA,
            pltpu.SemaphoreType.DMA,
            pltpu.SemaphoreType.DMA,
            pltpu.SemaphoreType.DMA,
            pltpu.SemaphoreType.DMA,
        ],
    )
    def stats_k(a0, a1, s0, s1, S0, G0, S1, G1,
                seg_a, seg_b, val_a, val_b, out_a, out_b, acc,
                sem_sa, sem_sb, sem_va, sem_vb, sem_oa, sem_ob):
        cid = lax.axis_index("c")
        tid = lax.axis_index("s")
        b = tid // 4
        ch = tid % 4

        def run(a_hbm, s_hbm, S_hbm, G_hbm):
            _zero_acc(acc)
            seg_src = lambda g: s_hbm.at[b, pl.ds(g * GRP, GRP)]
            val_src = lambda g: a_hbm.at[ch, pl.ds(b * NPB + g * GRP, GRP)]

            def sc_body(k, g):
                _scatter_grp(acc, (seg_a, seg_b)[k], (val_a, val_b)[k])

            _grp_ring(b, [seg_src, val_src],
                      [(seg_a, seg_b), (val_a, val_b)],
                      [(sem_sa, sem_sb), (sem_va, sem_vb)], sc_body)
            pltpu.sync_copy(acc, S_hbm.at[b, ch])

            def g_dst(g):
                return G_hbm.at[ch, pl.ds(b * NPB + g * GRP, GRP)]

            def ga_body(k, g):
                ov = (out_a, out_b)[k]
                so = (sem_oa, sem_ob)[k]
                @pl.when(g >= 2)
                def _d():
                    pltpu.make_async_copy(ov, g_dst(g - 2), so).wait()
                _gather_grp(acc, (seg_a, seg_b)[k], ov)
                pltpu.async_copy(ov, g_dst(g), so)

            _grp_ring(b, [seg_src],
                      [(seg_a, seg_b)],
                      [(sem_sa, sem_sb)], ga_body)
            pltpu.make_async_copy(out_a, g_dst(NGRP - 2), sem_oa).wait()
            pltpu.make_async_copy(out_b, g_dst(NGRP - 1), sem_ob).wait()

        @pl.when(jnp.logical_and(cid == 0, tid < 8))
        def _c0():
            run(a0, s0, S0, G0)

        @pl.when(jnp.logical_and(cid == 1, tid < 8))
        def _c1():
            run(a1, s1, S1, G1)

    return stats_k


def _pfn_body(a0, g0, a1, g1, wt, f0_ref, f1_ref):
    w = wt[...]

    def one(a, g, f_ref):
        ones = a[0:1, :]
        x = a[1:2, :]
        y = a[2:3, :]
        z = a[3:4, :]
        cxc = a[4:5, :]
        cyc = a[5:6, :]
        cnt = jnp.maximum(g[0:1, :], 1.0)
        mx = g[1:2, :] / cnt
        my = g[2:3, :] / cnt
        mz = g[3:4, :] / cnt
        zpad = jnp.zeros((7, BLK), jnp.float32)
        feats = jnp.concatenate(
            [x, y, z, x - mx, y - my, z - mz, x - cxc, y - cyc, zpad, ones],
            axis=0)
        yv = jnp.dot(w, feats, preferred_element_type=jnp.float32)
        f_ref[...] = jnp.where(ones > 0.0, jnp.maximum(yv, 0.0), 0.0)

    one(a0[...], g0[...], f0_ref)
    one(a1[...], g1[...], f1_ref)


def _pfn(A0, G0, A1, G1, WT):
    pspec = pl.BlockSpec((8, BLK), lambda i: (0, i))
    wspec = pl.BlockSpec((C, 16), lambda i: (0, 0))
    fspec = pl.BlockSpec((C, BLK), lambda i: (0, i))
    f_shape = jax.ShapeDtypeStruct((C, NPTOT), jnp.float32)
    return pl.pallas_call(
        _pfn_body,
        grid=(NBLK,),
        in_specs=[pspec, pspec, pspec, pspec, wspec],
        out_specs=[fspec, fspec],
        out_shape=[f_shape, f_shape],
    )(A0, G0, A1, G1, WT)


@functools.cache
def _make_fsum():
    @functools.partial(
        pl.kernel,
        mesh=_mesh(),
        compiler_params=_SC_PARAMS,
        out_type=(jax.ShapeDtypeStruct((NBATCH, C, NSEG), jnp.float32),) * 2,
        scratch_types=[
            pltpu.VMEM((GRP,), jnp.int32),
            pltpu.VMEM((GRP,), jnp.int32),
            pltpu.VMEM((GRP,), jnp.float32),
            pltpu.VMEM((GRP,), jnp.float32),
            pltpu.VMEM((NSEG,), jnp.float32),
            pltpu.SemaphoreType.DMA,
            pltpu.SemaphoreType.DMA,
            pltpu.SemaphoreType.DMA,
            pltpu.SemaphoreType.DMA,
        ],
    )
    def fsum_k(f0, f1, s0, s1, o0, o1,
               seg_a, seg_b, val_a, val_b, acc,
               sem_sa, sem_sb, sem_va, sem_vb):
        cid = lax.axis_index("c")
        tid = lax.axis_index("s")
        b = tid // 8
        chbase = tid % 8

        def run(f_hbm, s_hbm, o_hbm):
            @pl.loop(0, C // 8)
            def _r(r):
                ch = r * 8 + chbase
                _zero_acc(acc)
                seg_src = lambda g: s_hbm.at[b, pl.ds(g * GRP, GRP)]
                val_src = lambda g: f_hbm.at[ch, pl.ds(b * NPB + g * GRP,
                                                       GRP)]

                def sc_body(k, g):
                    _scatter_grp(acc, (seg_a, seg_b)[k], (val_a, val_b)[k])

                _grp_ring(b, [seg_src, val_src],
                          [(seg_a, seg_b), (val_a, val_b)],
                          [(sem_sa, sem_sb), (sem_va, sem_vb)], sc_body)
                pltpu.sync_copy(acc, o_hbm.at[b, ch])

        @pl.when(cid == 0)
        def _c0():
            run(f0, s0, o0)

        @pl.when(cid == 1)
        def _c1():
            run(f1, s1, o1)

    return fsum_k


def _combine_body(sum0, sum1, s0, s1, out_ref):
    cnt0 = jnp.maximum(s0[0, 0:1, :], 1.0)
    cnt1 = jnp.maximum(s1[0, 0:1, :], 1.0)
    y = sum1[0] / cnt1 - sum0[0] / cnt0
    out_ref[...] = y.T


def _combine(sums0, sums1, S0, S1):
    sumspec = pl.BlockSpec((1, C, SB), lambda b, j: (b, 0, j))
    sspec = pl.BlockSpec((1, 4, SB), lambda b, j: (b, 0, j))
    ospec = pl.BlockSpec((SB, C), lambda b, j: (b * (NSEG // SB) + j, 0))
    return pl.pallas_call(
        _combine_body,
        grid=(NBATCH, NSEG // SB),
        in_specs=[sumspec, sumspec, sspec, sspec],
        out_specs=ospec,
        out_shape=jax.ShapeDtypeStruct((NBATCH * NSEG, C), jnp.float32),
    )(sums0, sums1, S0, S1)


def kernel(pc0s, pc1s, W, b):
    def planar(pc):
        pcp = jnp.pad(pc, ((0, 0), (0, NPB - N), (0, 0)))
        two = jnp.concatenate([pcp[0].T, pcp[1].T], axis=1)
        return jnp.pad(two, ((0, 5), (0, 0)))

    P0 = planar(pc0s)
    P1 = planar(pc1s)
    WT = jnp.concatenate(
        [W, jnp.zeros((7, C), jnp.float32), b[None, :]], axis=0).T

    sg0, A0, sg1, A1 = _prep(P0, P1)
    seg0 = sg0.reshape(NBATCH, NPB)
    seg1 = sg1.reshape(NBATCH, NPB)

    S0, G0, S1, G1 = _make_stats()(A0, A1, seg0, seg1)
    F0, F1 = _pfn(A0, G0, A1, G1, WT)
    sums0, sums1 = _make_fsum()(F0, F1, seg0, seg1)
    return _combine(sums0, sums1, S0, S1)

# --- scband reference (transcript-rebuilt; emitter-appended) ---
"""Pipeline reference for scband-acc-flow2-frame-encoder-16836271800627 (READ-ONLY COPY).

The authoritative reference and input builder live on the scoring server;
editing this copy changes nothing except your own understanding.
"""

import jax, jax.numpy as jnp
import numpy as np

VX, VY = 0.4, 0.4
XMIN, YMIN, ZMIN = -51.2, -51.2, -3.0
XMAX, YMAX, ZMAX = 51.2, 51.2, 3.0
GX, GY = 256, 256
C = 64
B, N = 2, 100000


def setup_inputs(seed: int = 0) -> dict:
    key = jax.random.key(seed)
    k0, k1, k2 = jax.random.split(key, 3)
    lo = jnp.array([XMIN, YMIN, ZMIN], dtype=jnp.float32)
    hi = jnp.array([XMAX, YMAX, ZMAX], dtype=jnp.float32)
    pc0s = jax.random.uniform(k0, (B, N, 3), dtype=jnp.float32) * (hi - lo) + lo
    pc1s = jax.random.uniform(k1, (B, N, 3), dtype=jnp.float32) * (hi - lo) + lo
    W = jax.random.normal(k2, (8, C), dtype=jnp.float32) * 0.05
    b = jnp.zeros((C,), dtype=jnp.float32)
    return {"pc0s": pc0s, "pc1s": pc1s, "W": W, "b": b}


def _encode(points, W, b):
    # DynamicVoxelizer + DynamicPillarFeatureNet(mode='avg') pipeline.
    Bz, Np, _ = points.shape
    pts = points.reshape(Bz * Np, 3)
    cx = jnp.clip(jnp.floor((pts[:, 0] - XMIN) / VX).astype(jnp.int32), 0, GX - 1)
    cy = jnp.clip(jnp.floor((pts[:, 1] - YMIN) / VY).astype(jnp.int32), 0, GY - 1)
    bidx = jnp.repeat(jnp.arange(Bz, dtype=jnp.int32), Np)
    seg = bidx * (GX * GY) + cy * GX + cx
    nseg = Bz * GX * GY
    ones = jnp.ones((Bz * Np,), dtype=jnp.float32)
    cnt = jax.ops.segment_sum(ones, seg, num_segments=nseg)
    cnt_safe = jnp.maximum(cnt, 1.0)
    # cluster-center offsets (with_cluster_center)
    vox_mean = jax.ops.segment_sum(pts, seg, num_segments=nseg) / cnt_safe[:, None]
    f_cluster = pts - vox_mean[seg]
    # pillar-center offsets (with_voxel_center, xy)
    center_x = (cx.astype(jnp.float32) + 0.5) * VX + XMIN
    center_y = (cy.astype(jnp.float32) + 0.5) * VY + YMIN
    f_center = jnp.stack([pts[:, 0] - center_x, pts[:, 1] - center_y], axis=1)
    feats = jnp.concatenate([pts, f_cluster, f_center], axis=1)  # [BN, 8]
    point_feats = jax.nn.relu(feats @ W + b)  # PFN layer
    # mode='avg': segment mean per pillar
    vox_feats = jax.ops.segment_sum(point_feats, seg, num_segments=nseg) / cnt_safe[:, None]
    return vox_feats


def reference(pc0s, pc1s, W, b):
    # sparse_pc1 - sparse_pc0 over the [B, GX, GY, C] grid (values of the COO diff)
    g0 = _encode(pc0s, W, b)
    g1 = _encode(pc1s, W, b)
    return g1 - g0  # [B*GX*GY, C]

if __name__ == "__main__":
    import jax
    _d = setup_inputs()
    print(jax.jit(kernel)(*tuple(_d.values())))

</pallas_src>

<mosaic_0001>
#map = affine_map<(d0, d1) -> (0, 0)>
#map1 = affine_map<(d0, d1) -> (0, 0, 0)>
module attributes {stable_mosaic.version = 14 : i64} {
  func.func @stats_k(%arg0: i32, %arg1: i32, %arg2: memref<8x200704xf32, #tpu.memory_space<hbm>>, %arg3: memref<8x200704xf32, #tpu.memory_space<hbm>>, %arg4: memref<2x100352xi32, #tpu.memory_space<hbm>>, %arg5: memref<2x100352xi32, #tpu.memory_space<hbm>>, %arg6: memref<2x4x65536xf32, #tpu.memory_space<hbm>>, %arg7: memref<8x200704xf32, #tpu.memory_space<hbm>>, %arg8: memref<2x4x65536xf32, #tpu.memory_space<hbm>>, %arg9: memref<8x200704xf32, #tpu.memory_space<hbm>>, %arg10: memref<6272xi32, #tpu.memory_space<vmem>>, %arg11: memref<6272xi32, #tpu.memory_space<vmem>>, %arg12: memref<6272xf32, #tpu.memory_space<vmem>>, %arg13: memref<6272xf32, #tpu.memory_space<vmem>>, %arg14: memref<6272xf32, #tpu.memory_space<vmem>>, %arg15: memref<6272xf32, #tpu.memory_space<vmem>>, %arg16: memref<65536xf32, #tpu.memory_space<vmem>>, %arg17: memref<!tpu.dma_semaphore, #tpu.memory_space<semaphore_mem>>, %arg18: memref<!tpu.dma_semaphore, #tpu.memory_space<semaphore_mem>>, %arg19: memref<!tpu.dma_semaphore, #tpu.memory_space<semaphore_mem>>, %arg20: memref<!tpu.dma_semaphore, #tpu.memory_space<semaphore_mem>>, %arg21: memref<!tpu.dma_semaphore, #tpu.memory_space<semaphore_mem>>, %arg22: memref<!tpu.dma_semaphore, #tpu.memory_space<semaphore_mem>>) attributes {dimension_semantics = [#tpu.dimension_semantics<core_parallel>, #tpu.dimension_semantics<subcore_parallel>], iteration_bounds = array<i64: 2, 16>, scalar_prefetch = 0 : i64, scratch_operands = 13 : i64, tpu.core_type = #tpu.core_type<sc_vector_subcore>, window_params = [{transform_indices = #map}, {transform_indices = #map}, {transform_indices = #map}, {transform_indices = #map}, {transform_indices = #map1}, {transform_indices = #map}, {transform_indices = #map1}, {transform_indices = #map}]} {
    %jit3A = arith.constant 4 : i32
    %div3A = arith.divsi %arg1, %jit3A : i32
    %sign3A = arith.constant 0 : i32
    %sign3A_0 = arith.cmpi sgt, %arg1, %sign3A : i32
    %sign3A_1 = arith.extui %sign3A_0 : i1 to i32
    %sign3A_2 = arith.constant 0 : i32
    %sign3A_3 = arith.cmpi slt, %arg1, %sign3A_2 : i32
    %sign3A_4 = arith.extui %sign3A_3 : i1 to i32
    %sign3A_5 = arith.subi %sign3A_1, %sign3A_4 : i32
    %sign3A_6 = arith.constant 0 : i32
    %sign3A_7 = arith.cmpi sgt, %jit3A, %sign3A_6 : i32
    %sign3A_8 = arith.extui %sign3A_7 : i1 to i32
    %sign3A_9 = arith.constant 0 : i32
    %sign3A_10 = arith.cmpi slt, %jit3A, %sign3A_9 : i32
    %sign3A_11 = arith.extui %sign3A_10 : i1 to i32
    %sign3A_12 = arith.subi %sign3A_8, %sign3A_11 : i32
    %ne3A = arith.cmpi ne, %sign3A_5, %sign3A_12 : i32
    %rem3A = arith.remsi %arg1, %jit3A : i32
    %ne3A_13 = arith.constant 0 : i32
    %ne3A_14 = arith.cmpi ne, %rem3A, %ne3A_13 : i32
    %and3A = arith.andi %ne3A, %ne3A_14 : i1
    %sub3A = arith.constant 1 : i32
    %sub3A_15 = arith.subi %div3A, %sub3A : i32
    %select_n3A = arith.select %and3A, %sub3A_15, %div3A : i32
    %jit3A_16 = arith.constant 4 : i32
    %eq3A = arith.constant 0 : i32
    %eq3A_17 = arith.cmpi eq, %jit3A_16, %eq3A : i32
    %jit3A_18 = arith.constant 1 : i32
    %select_n3A_19 = arith.select %eq3A_17, %jit3A_18, %jit3A_16 : i32
    %rem3A_20 = arith.remsi %arg1, %select_n3A_19 : i32
    %ne3A_21 = arith.constant 0 : i32
    %ne3A_22 = arith.cmpi ne, %rem3A_20, %ne3A_21 : i32
    %lt3A = arith.constant 0 : i32
    %lt3A_23 = arith.cmpi slt, %rem3A_20, %lt3A : i32
    %lt3A_24 = arith.constant 0 : i32
    %lt3A_25 = arith.cmpi slt, %select_n3A_19, %lt3A_24 : i32
    %ne3A_26 = arith.xori %lt3A_23, %lt3A_25 : i1
    %and3A_27 = arith.andi %ne3A_26, %ne3A_22 : i1
    %add3A = arith.addi %rem3A_20, %select_n3A_19 : i32
    %select_n3A_28 = arith.select %and3A_27, %add3A, %rem3A_20 : i32
    %eq3A_29 = arith.constant 0 : i32
    %eq3A_30 = arith.cmpi eq, %arg0, %eq3A_29 : i32
    %lt3A_31 = arith.constant 8 : i32
    %lt3A_32 = arith.cmpi slt, %arg1, %lt3A_31 : i32
    %and3A_33 = arith.andi %eq3A_30, %lt3A_32 : i1
    %convert_element_type3A = arith.extui %and3A_33 : i1 to i32
    %cond3A = arith.constant 0 : i32
    %cond3A_34 = arith.cmpi ne, %convert_element_type3A, %cond3A : i32
    scf.if %cond3A_34 {
      %broadcast_in_dim3A = arith.constant 0.000000e+00 : f32
      %broadcast_in_dim3A_43 = vector.broadcast %broadcast_in_dim3A : f32 to vector<16xf32>
      %scan3A = arith.constant 0 : i32
      %scan3A_44 = arith.constant 512 : i32
      %scan3A_45 = arith.addi %scan3A, %scan3A_44 : i32
      %scan3A_46 = arith.constant 1 : i32
      scf.for %scan3A_91 = %scan3A to %scan3A_45 step %scan3A_46  : i32 {
        %mul3A_92 = arith.constant 1 : i32
        %mul3A_93 = arith.muli %scan3A_91, %mul3A_92 : i32
        %add3A_94 = arith.constant 0 : i32
        %add3A_95 = arith.addi %add3A_94, %mul3A_93 : i32
        %mul3A_96 = arith.constant 128 : i32
        %mul3A_97 = arith.muli %add3A_95, %mul3A_96 : i32
        %add3A_98 = arith.constant 0 : i32
        %add3A_99 = arith.addi %mul3A_97, %add3A_98 : i32
        %swap3A = arith.index_cast %add3A_99 : i32 to index
        %swap3A_100 = tpu.vector_load %arg16[%swap3A] {strides = array<i32>} : memref<65536xf32, #tpu.memory_space<vmem>>, vector<16xf32>,
        tpu.vector_store %arg16[%swap3A], %broadcast_in_dim3A_43 {strides = array<i32>} : memref<65536xf32, #tpu.memory_space<vmem>>, vector<16xf32>,
        %mul3A_101 = arith.constant 128 : i32
        %mul3A_102 = arith.muli %add3A_95, %mul3A_101 : i32
        %add3A_103 = arith.constant 16 : i32
        %add3A_104 = arith.addi %mul3A_102, %add3A_103 : i32
        %swap3A_105 = arith.index_cast %add3A_104 : i32 to index
        %swap3A_106 = tpu.vector_load %arg16[%swap3A_105] {strides = array<i32>} : memref<65536xf32, #tpu.memory_space<vmem>>, vector<16xf32>,
        tpu.vector_store %arg16[%swap3A_105], %broadcast_in_dim3A_43 {strides = array<i32>} : memref<65536xf32, #tpu.memory_space<vmem>>, vector<16xf32>,
        %mul3A_107 = arith.constant 128 : i32
        %mul3A_108 = arith.muli %add3A_95, %mul3A_107 : i32
        %add3A_109 = arith.constant 32 : i32
        %add3A_110 = arith.addi %mul3A_108, %add3A_109 : i32
        %swap3A_111 = arith.index_cast %add3A_110 : i32 to index
        %swap3A_112 = tpu.vector_load %arg16[%swap3A_111] {strides = array<i32>} : memref<65536xf32, #tpu.memory_space<vmem>>, vector<16xf32>,
        tpu.vector_store %arg16[%swap3A_111], %broadcast_in_dim3A_43 {strides = array<i32>} : memref<65536xf32, #tpu.memory_space<vmem>>, vector<16xf32>,
        %mul3A_113 = arith.constant 128 : i32
        %mul3A_114 = arith.muli %add3A_95, %mul3A_113 : i32
        %add3A_115 = arith.constant 48 : i32
        %add3A_116 = arith.addi %mul3A_114, %add3A_115 : i32
        %swap3A_117 = arith.index_cast %add3A_116 : i32 to index
        %swap3A_118 = tpu.vector_load %arg16[%swap3A_117] {strides = array<i32>} : memref<65536xf32, #tpu.memory_space<vmem>>, vector<16xf32>,
        tpu.vector_store %arg16[%swap3A_117], %broadcast_in_dim3A_43 {strides = array<i32>} : memref<65536xf32, #tpu.memory_space<vmem>>, vector<16xf32>,
        %mul3A_119 = arith.constant 128 : i32
        %mul3A_120 = arith.muli %add3A_95, %mul3A_119 : i32
        %add3A_121 = arith.constant 64 : i32
        %add3A_122 = arith.addi %mul3A_120, %add3A_121 : i32
        %swap3A_123 = arith.index_cast %add3A_122 : i32 to index
        %swap3A_124 = tpu.vector_load %arg16[%swap3A_123] {strides = array<i32>} : memref<65536xf32, #tpu.memory_space<vmem>>, vector<16xf32>,
        tpu.vector_store %arg16[%swap3A_123], %broadcast_in_dim3A_43 {strides = array<i32>} : memref<65536xf32, #tpu.memory_space<vmem>>, vector<16xf32>,
        %mul3A_125 = arith.constant 128 : i32
        %mul3A_126 = arith.muli %add3A_95, %mul3A_125 : i32
        %add3A_127 = arith.constant 80 : i32
        %add3A_128 = arith.addi %mul3A_126, %add3A_127 : i32
        %swap3A_129 = arith.index_cast %add3A_128 : i32 to index
        %swap3A_130 = tpu.vector_load %arg16[%swap3A_129] {strides = array<i32>} : memref<65536xf32, #tpu.memory_space<vmem>>, vector<16xf32>,
        tpu.vector_store %arg16[%swap3A_129], %broadcast_in_dim3A_43 {strides = array<i32>} : memref<65536xf32, #tpu.memory_space<vmem>>, vector<16xf32>,
        %mul3A_131 = arith.constant 128 : i32
        %mul3A_132 = arith.muli %add3A_95, %mul3A_131 : i32
        %add3A_133 = arith.constant 96 : i32
        %add3A_134 = arith.addi %mul3A_132, %add3A_133 : i32
        %swap3A_135 = arith.index_cast %add3A_134 : i32 to index
        %swap3A_136 = tpu.vector_load %arg16[%swap3A_135] {strides = array<i32>} : memref<65536xf32, #tpu.memory_space<vmem>>, vector<16xf32>,
        tpu.vector_store %arg16[%swap3A_135], %broadcast_in_dim3A_43 {strides = array<i32>} : memref<65536xf32, #tpu.memory_space<vmem>>, vector<16xf32>,
        %mul3A_137 = arith.constant 128 : i32
        %mul3A_138 = arith.muli %add3A_95, %mul3A_137 : i32
        %add3A_139 = arith.constant 112 : i32
        %add3A_140 = arith.addi %mul3A_138, %add3A_139 : i32
        %swap3A_141 = arith.index_cast %add3A_140 : i32 to index
        %swap3A_142 = tpu.vector_load %arg16[%swap3A_141] {strides = array<i32>} : memref<65536xf32, #tpu.memory_space<vmem>>, vector<16xf32>,
        tpu.vector_store %arg16[%swap3A_141], %broadcast_in_dim3A_43 {strides = array<i32>} : memref<65536xf32, #tpu.memory_space<vmem>>, vector<16xf32>,
      }
      %scan3A_47 = arith.constant 512 : i32
      %dma_start3A = arith.constant 0 : i32
      %dma_start3A_48 = tpu.memref_slice %arg4[%select_n3A, %dma_start3A] : memref<2x100352xi32, #tpu.memory_space<hbm>> -> memref<1x6272xi32, #tpu.memory_space<hbm>>
      %dma_start3A_49 = tpu.memref_squeeze %dma_start3A_48 : memref<1x6272xi32, #tpu.memory_space<hbm>> -> memref<6272xi32, #tpu.memory_space<hbm>>
      %dma_start3A_50 = arith.constant 0 : i32
      %dma_start3A_51 = tpu.memref_slice %arg4[%select_n3A, %dma_start3A_50] : memref<2x100352xi32, #tpu.memory_space<hbm>> -> memref<1x6272xi32, #tpu.memory_space<hbm>>
      %dma_start3A_52 = tpu.memref_squeeze %dma_start3A_51 : memref<1x6272xi32, #tpu.memory_space<hbm>> -> memref<6272xi32, #tpu.memory_space<hbm>>
      tpu.enqueue_dma source(%dma_start3A_52 : memref<6272xi32, #tpu.memory_space<hbm>>) target(%arg10 : memref<6272xi32, #tpu.memory_space<vmem>>) target_semaphore(%arg17 : memref<!tpu.dma_semaphore, #tpu.memory_space<semaphore_mem>>)
      %mul3A = arith.constant 100352 : i32
      %mul3A_53 = arith.muli %select_n3A, %mul3A : i32
      %add3A_54 = arith.constant 0 : i32
      %add3A_55 = arith.addi %mul3A_53, %add3A_54 : i32
      %dma_start3A_56 = tpu.memref_slice %arg2[%select_n3A_28, %add3A_55] : memref<8x200704xf32, #tpu.memory_space<hbm>> -> memref<1x6272xf32, #tpu.memory_space<hbm>>
      %dma_start3A_57 = tpu.memref_squeeze %dma_start3A_56 : memref<1x6272xf32, #tpu.memory_space<hbm>> -> memref<6272xf32, #tpu.memory_space<hbm>>
      %dma_start3A_58 = tpu.memref_slice %arg2[%select_n3A_28, %add3A_55] : memref<8x200704xf32, #tpu.memory_space<hbm>> -> memref<1x6272xf32, #tpu.memory_space<hbm>>
      %dma_start3A_59 = tpu.memref_squeeze %dma_start3A_58 : memref<1x6272xf32, #tpu.memory_space<hbm>> -> memref<6272xf32, #tpu.memory_space<hbm>>
      tpu.enqueue_dma source(%dma_start3A_59 : memref<6272xf32, #tpu.memory_space<hbm>>) target(%arg12 : memref<6272xf32, #tpu.memory_space<vmem>>) target_semaphore(%arg19 : memref<!tpu.dma_semaphore, #tpu.memory_space<semaphore_mem>>)
      %scan3A_60 = arith.constant 0 : i32
      %scan3A_61 = arith.constant 8 : i32
      %scan3A_62 = arith.addi %scan3A_60, %scan3A_61 : i32
      %scan3A_63 = arith.constant 1 : i32
      scf.for %scan3A_91 = %scan3A_60 to %scan3A_62 step %scan3A_63  : i32 {
        %mul3A_92 = arith.constant 1 : i32
        %mul3A_93 = arith.muli %scan3A_91, %mul3A_92 : i32
        %add3A_94 = arith.constant 0 : i32
        %add3A_95 = arith.addi %add3A_94, %mul3A_93 : i32
        %mul3A_96 = arith.constant 2 : i32
        %mul3A_97 = arith.muli %add3A_95, %mul3A_96 : i32
        %add3A_98 = arith.constant 1 : i32
        %add3A_99 = arith.addi %mul3A_97, %add3A_98 : i32
        %mul3A_100 = arith.constant 6272 : i32
        %mul3A_101 = arith.muli %add3A_99, %mul3A_100 : i32
        %dma_start3A_102 = tpu.memref_slice %arg4[%select_n3A, %mul3A_101] : memref<2x100352xi32, #tpu.memory_space<hbm>> -> memref<1x6272xi32, #tpu.memory_space<hbm>>
        %dma_start3A_103 = tpu.memref_squeeze %dma_start3A_102 : memref<1x6272xi32, #tpu.memory_space<hbm>> -> memref<6272xi32, #tpu.memory_space<hbm>>
        %dma_start3A_104 = tpu.memref_slice %arg4[%select_n3A, %mul3A_101] : memref<2x100352xi32, #tpu.memory_space<hbm>> -> memref<1x6272xi32, #tpu.memory_space<hbm>>
        %dma_start3A_105 = tpu.memref_squeeze %dma_start3A_104 : memref<1x6272xi32, #tpu.memory_space<hbm>> -> memref<6272xi32, #tpu.memory_space<hbm>>
        tpu.enqueue_dma source(%dma_start3A_105 : memref<6272xi32, #tpu.memory_space<hbm>>) target(%arg11 : memref<6272xi32, #tpu.memory_space<vmem>>) target_semaphore(%arg18 : memref<!tpu.dma_semaphore, #tpu.memory_space<semaphore_mem>>)
        %mul3A_106 = arith.constant 100352 : i32
        %mul3A_107 = arith.muli %select_n3A, %mul3A_106 : i32
        %mul3A_108 = arith.constant 6272 : i32
        %mul3A_109 = arith.muli %add3A_99, %mul3A_108 : i32
        %add3A_110 = arith.addi %mul3A_107, %mul3A_109 : i32
        %dma_start3A_111 = tpu.memref_slice %arg2[%select_n3A_28, %add3A_110] : memref<8x200704xf32, #tpu.memory_space<hbm>> -> memref<1x6272xf32, #tpu.memory_space<hbm>>
        %dma_start3A_112 = tpu.memref_squeeze %dma_start3A_111 : memref<1x6272xf32, #tpu.memory_space<hbm>> -> memref<6272xf32, #tpu.memory_space<hbm>>
        %dma_start3A_113 = tpu.memref_slice %arg2[%select_n3A_28, %add3A_110] : memref<8x200704xf32, #tpu.memory_space<hbm>> -> memref<1x6272xf32, #tpu.memory_space<hbm>>
        %dma_start3A_114 = tpu.memref_squeeze %dma_start3A_113 : memref<1x6272xf32, #tpu.memory_space<hbm>> -> memref<6272xf32, #tpu.memory_space<hbm>>
        tpu.enqueue_dma source(%dma_start3A_114 : memref<6272xf32, #tpu.memory_space<hbm>>) target(%arg13 : memref<6272xf32, #tpu.memory_space<vmem>>) target_semaphore(%arg20 : memref<!tpu.dma_semaphore, #tpu.memory_space<semaphore_mem>>)
        %mul3A_115 = arith.constant 6272 : i32
        %mul3A_116 = arith.muli %mul3A_97, %mul3A_115 : i32
        %dma_wait3A_117 = tpu.memref_slice %arg4[%select_n3A, %mul3A_116] : memref<2x100352xi32, #tpu.memory_space<hbm>> -> memref<1x6272xi32, #tpu.memory_space<hbm>>
        %dma_wait3A_118 = tpu.memref_squeeze %dma_wait3A_117 : memref<1x6272xi32, #tpu.memory_space<hbm>> -> memref<6272xi32, #tpu.memory_space<hbm>>
        %dma_wait3A_119 = tpu.memref_slice %arg4[%select_n3A, %mul3A_116] : memref<2x100352xi32, #tpu.memory_space<hbm>> -> memref<1x6272xi32, #tpu.memory_space<hbm>>
        %dma_wait3A_120 = tpu.memref_squeeze %dma_wait3A_119 : memref<1x6272xi32, #tpu.memory_space<hbm>> -> memref<6272xi32, #tpu.memory_space<hbm>>
        tpu.wait_dma2 semaphore(%arg17 : memref<!tpu.dma_semaphore, #tpu.memory_space<semaphore_mem>>) src(%dma_wait3A_120 : memref<6272xi32, #tpu.memory_space<hbm>>) dst(%arg10 : memref<6272xi32, #tpu.memory_space<vmem>>)
        %mul3A_121 = arith.constant 100352 : i32
        %mul3A_122 = arith.muli %select_n3A, %mul3A_121 : i32
        %mul3A_123 = arith.constant 6272 : i32
        %mul3A_124 = arith.muli %mul3A_97, %mul3A_123 : i32
        %add3A_125 = arith.addi %mul3A_122, %mul3A_124 : i32
        %dma_wait3A_126 = tpu.memref_slice %arg2[%select_n3A_28, %add3A_125] : memref<8x200704xf32, #tpu.memory_space<hbm>> -> memref<1x6272xf32, #tpu.memory_space<hbm>>
        %dma_wait3A_127 = tpu.memref_squeeze %dma_wait3A_126 : memref<1x6272xf32, #tpu.memory_space<hbm>> -> memref<6272xf32, #tpu.memory_space<hbm>>
        %dma_wait3A_128 = tpu.memref_slice %arg2[%select_n3A_28, %add3A_125] : memref<8x200704xf32, #tpu.memory_space<hbm>> -> memref<1x6272xf32, #tpu.memory_space<hbm>>
        %dma_wait3A_129 = tpu.memref_squeeze %dma_wait3A_128 : memref<1x6272xf32, #tpu.memory_space<hbm>> -> memref<6272xf32, #tpu.memory_space<hbm>>
        tpu.wait_dma2 semaphore(%arg19 : memref<!tpu.dma_semaphore, #tpu.memory_space<semaphore_mem>>) src(%dma_wait3A_129 : memref<6272xf32, #tpu.memory_space<hbm>>) dst(%arg12 : memref<6272xf32, #tpu.memory_space<vmem>>)
        %parallel_loop3A = arith.constant 0 : i32
        %parallel_loop3A_130 = arith.constant 6272 : i32
        %parallel_loop3A_131 = arith.constant 16 : i32
        scf.for %parallel_loop3A_161 = %parallel_loop3A to %parallel_loop3A_130 step %parallel_loop3A_131  : i32 {
          %parallel_loop3A_162 = arith.index_cast %parallel_loop3A_161 : i32 to index
          %parallel_loop3A_163 = tpu.vector_load %arg10[%parallel_loop3A_162] {strides = array<i32>} : memref<6272xi32, #tpu.memory_space<vmem>>, vector<16xi32>,
          %parallel_loop3A_164 = arith.index_cast %parallel_loop3A_161 : i32 to index
          %parallel_loop3A_165 = tpu.vector_load %arg12[%parallel_loop3A_164] {strides = array<i32>} : memref<6272xf32, #tpu.memory_space<vmem>>, vector<16xf32>,
          tpu.vector_store_idx %arg16[%parallel_loop3A_163], %parallel_loop3A_165 {add = true} : memref<65536xf32, #tpu.memory_space<vmem>>[vector<16xi32>], vector<16xf32>,
        } {sc.loop_unroll_factor = 8 : i64, sc.parallel_access}
        %add3A_132 = arith.constant 1 : i32
        %add3A_133 = arith.addi %add3A_95, %add3A_132 : i32
        %lt3A_134 = arith.constant 8 : i32
        %lt3A_135 = arith.cmpi slt, %add3A_133, %lt3A_134 : i32
        %convert_element_type3A_136 = arith.extui %lt3A_135 : i1 to i32
        %cond3A_137 = arith.constant 0 : i32
        %cond3A_138 = arith.cmpi ne, %convert_element_type3A_136, %cond3A_137 : i32
        scf.if %cond3A_138 {
          %add3A_161 = arith.constant 2 : i32
          %add3A_162 = arith.addi %mul3A_97, %add3A_161 : i32
          %mul3A_163 = arith.constant 6272 : i32
          %mul3A_164 = arith.muli %add3A_162, %mul3A_163 : i32
          %dma_start3A_165 = tpu.memref_slice %arg4[%select_n3A, %mul3A_164] : memref<2x100352xi32, #tpu.memory_space<hbm>> -> memref<1x6272xi32, #tpu.memory_space<hbm>>
          %dma_start3A_166 = tpu.memref_squeeze %dma_start3A_165 : memref<1x6272xi32, #tpu.memory_space<hbm>> -> memref<6272xi32, #tpu.memory_space<hbm>>
          %dma_start3A_167 = tpu.memref_slice %arg4[%select_n3A, %mul3A_164] : memref<2x100352xi32, #tpu.memory_space<hbm>> -> memref<1x6272xi32, #tpu.memory_space<hbm>>
          %dma_start3A_168 = tpu.memref_squeeze %dma_start3A_167 : memref<1x6272xi32, #tpu.memory_space<hbm>> -> memref<6272xi32, #tpu.memory_space<hbm>>
          tpu.enqueue_dma source(%dma_start3A_168 : memref<6272xi32, #tpu.memory_space<hbm>>) target(%arg10 : memref<6272xi32, #tpu.memory_space<vmem>>) target_semaphore(%arg17 : memref<!tpu.dma_semaphore, #tpu.memory_space<semaphore_mem>>)
          %mul3A_169 = arith.constant 100352 : i32
          %mul3A_170 = arith.muli %select_n3A, %mul3A_169 : i32
          %mul3A_171 = arith.constant 6272 : i32
          %mul3A_172 = arith.muli %add3A_162, %mul3A_171 : i32
          %add3A_173 = arith.addi %mul3A_170, %mul3A_172 : i32
          %dma_start3A_174 = tpu.memref_slice %arg2[%select_n3A_28, %add3A_173] : memref<8x200704xf32, #tpu.memory_space<hbm>> -> memref<1x6272xf32, #tpu.memory_space<hbm>>
          %dma_start3A_175 = tpu.memref_squeeze %dma_start3A_174 : memref<1x6272xf32, #tpu.memory_space<hbm>> -> memref<6272xf32, #tpu.memory_space<hbm>>
          %dma_start3A_176 = tpu.memref_slice %arg2[%select_n3A_28, %add3A_173] : memref<8x200704xf32, #tpu.memory_space<hbm>> -> memref<1x6272xf32, #tpu.memory_space<hbm>>
          %dma_start3A_177 = tpu.memref_squeeze %dma_start3A_176 : memref<1x6272xf32, #tpu.memory_space<hbm>> -> memref<6272xf32, #tpu.memory_space<hbm>>
          tpu.enqueue_dma source(%dma_start3A_177 : memref<6272xf32, #tpu.memory_space<hbm>>) target(%arg12 : memref<6272xf32, #tpu.memory_space<vmem>>) target_semaphore(%arg19 : memref<!tpu.dma_semaphore, #tpu.memory_space<semaphore_mem>>)
        } else {
        }
        %add3A_139 = arith.constant 1 : i32
        %add3A_140 = arith.addi %mul3A_97, %add3A_139 : i32
        %mul3A_141 = arith.constant 6272 : i32
        %mul3A_142 = arith.muli %add3A_140, %mul3A_141 : i32
        %dma_wait3A_143 = tpu.memref_slice %arg4[%select_n3A, %mul3A_142] : memref<2x100352xi32, #tpu.memory_space<hbm>> -> memref<1x6272xi32, #tpu.memory_space<hbm>>
        %dma_wait3A_144 = tpu.memref_squeeze %dma_wait3A_143 : memref<1x6272xi32, #tpu.memory_space<hbm>> -> memref<6272xi32, #tpu.memory_space<hbm>>
        %dma_wait3A_145 = tpu.memref_slice %arg4[%select_n3A, %mul3A_142] : memref<2x100352xi32, #tpu.memory_space<hbm>> -> memref<1x6272xi32, #tpu.memory_space<hbm>>
        %dma_wait3A_146 = tpu.memref_squeeze %dma_wait3A_145 : memref<1x6272xi32, #tpu.memory_space<hbm>> -> memref<6272xi32, #tpu.memory_space<hbm>>
        tpu.wait_dma2 semaphore(%arg18 : memref<!tpu.dma_semaphore, #tpu.memory_space<semaphore_mem>>) src(%dma_wait3A_146 : memref<6272xi32, #tpu.memory_space<hbm>>) dst(%arg11 : memref<6272xi32, #tpu.memory_space<vmem>>)
        %mul3A_147 = arith.constant 100352 : i32
        %mul3A_148 = arith.muli %select_n3A, %mul3A_147 : i32
        %mul3A_149 = arith.constant 6272 : i32
        %mul3A_150 = arith.muli %add3A_140, %mul3A_149 : i32
        %add3A_151 = arith.addi %mul3A_148, %mul3A_150 : i32
        %dma_wait3A_152 = tpu.memref_slice %arg2[%select_n3A_28, %add3A_151] : memref<8x200704xf32, #tpu.memory_space<hbm>> -> memref<1x6272xf32, #tpu.memory_space<hbm>>
        %dma_wait3A_153 = tpu.memref_squeeze %dma_wait3A_152 : memref<1x6272xf32, #tpu.memory_space<hbm>> -> memref<6272xf32, #tpu.memory_space<hbm>>
        %dma_wait3A_154 = tpu.memref_slice %arg2[%select_n3A_28, %add3A_151] : memref<8x200704xf32, #tpu.memory_space<hbm>> -> memref<1x6272xf32, #tpu.memory_space<hbm>>
        %dma_wait3A_155 = tpu.memref_squeeze %dma_wait3A_154 : memref<1x6272xf32, #tpu.memory_space<hbm>> -> memref<6272xf32, #tpu.memory_space<hbm>>
        tpu.wait_dma2 semaphore(%arg20 : memref<!tpu.dma_semaphore, #tpu.memory_space<semaphore_mem>>) src(%dma_wait3A_155 : memref<6272xf32, #tpu.memory_space<hbm>>) dst(%arg13 : memref<6272xf32, #tpu.memory_space<vmem>>)
        %add3A_156 = arith.constant 1 : i32
        %add3A_157 = arith.addi %mul3A_97, %add3A_156 : i32
        %parallel_loop3A_158 = arith.constant 0 : i32
        %parallel_loop3A_159 = arith.constant 6272 : i32
        %parallel_loop3A_160 = arith.constant 16 : i32
        scf.for %parallel_loop3A_161 = %parallel_loop3A_158 to %parallel_loop3A_159 step %parallel_loop3A_160  : i32 {
          %parallel_loop3A_162 = arith.index_cast %parallel_loop3A_161 : i32 to index
          %parallel_loop3A_163 = tpu.vector_load %arg11[%parallel_loop3A_162] {strides = array<i32>} : memref<6272xi32, #tpu.memory_space<vmem>>, vector<16xi32>,
          %parallel_loop3A_164 = arith.index_cast %parallel_loop3A_161 : i32 to index
          %parallel_loop3A_165 = tpu.vector_load %arg13[%parallel_loop3A_164] {strides = array<i32>} : memref<6272xf32, #tpu.memory_space<vmem>>, vector<16xf32>,
          tpu.vector_store_idx %arg16[%parallel_loop3A_163], %parallel_loop3A_165 {add = true} : memref<65536xf32, #tpu.memory_space<vmem>>[vector<16xi32>], vector<16xf32>,
        } {sc.loop_unroll_factor = 8 : i64, sc.parallel_access}
      }
      %scan3A_64 = arith.constant 8 : i32
      "tpu.region"() ({
        %run_scoped3A = tpu.sem_alloc : memref<!tpu.dma_semaphore, #tpu.memory_space<semaphore_mem>>
        %dma_start3A_91 = arith.constant 0 : i32
        %dma_start3A_92 = tpu.memref_slice %arg6[%select_n3A, %select_n3A_28, %dma_start3A_91] : memref<2x4x65536xf32, #tpu.memory_space<hbm>> -> memref<1x1x65536xf32, #tpu.memory_space<hbm>>
        %dma_start3A_93 = tpu.memref_squeeze %dma_start3A_92 : memref<1x1x65536xf32, #tpu.memory_space<hbm>> -> memref<65536xf32, #tpu.memory_space<hbm>>
        %dma_start3A_94 = arith.constant 0 : i32
        %dma_start3A_95 = tpu.memref_slice %arg6[%select_n3A, %select_n3A_28, %dma_start3A_94] : memref<2x4x65536xf32, #tpu.memory_space<hbm>> -> memref<1x1x65536xf32, #tpu.memory_space<hbm>>
        %dma_start3A_96 = tpu.memref_squeeze %dma_start3A_95 : memref<1x1x65536xf32, #tpu.memory_space<hbm>> -> memref<65536xf32, #tpu.memory_space<hbm>>
        tpu.enqueue_dma source(%arg16 : memref<65536xf32, #tpu.memory_space<vmem>>) target(%dma_start3A_96 : memref<65536xf32, #tpu.memory_space<hbm>>) target_semaphore(%run_scoped3A : memref<!tpu.dma_semaphore, #tpu.memory_space<semaphore_mem>>)
        %dma_wait3A_97 = arith.constant 0 : i32
        %dma_wait3A_98 = tpu.memref_slice %arg6[%select_n3A, %select_n3A_28, %dma_wait3A_97] : memref<2x4x65536xf32, #tpu.memory_space<hbm>> -> memref<1x1x65536xf32, #tpu.memory_space<hbm>>
        %dma_wait3A_99 = tpu.memref_squeeze %dma_wait3A_98 : memref<1x1x65536xf32, #tpu.memory_space<hbm>> -> memref<65536xf32, #tpu.memory_space<hbm>>
        %dma_wait3A_100 = arith.constant 0 : i32
        %dma_wait3A_101 = tpu.memref_slice %arg6[%select_n3A, %select_n3A_28, %dma_wait3A_100] : memref<2x4x65536xf32, #tpu.memory_space<hbm>> -> memref<1x1x65536xf32, #tpu.memory_space<hbm>>
        %dma_wait3A_102 = tpu.memref_squeeze %dma_wait3A_101 : memref<1x1x65536xf32, #tpu.memory_space<hbm>> -> memref<65536xf32, #tpu.memory_space<hbm>>
        tpu.wait_dma2 semaphore(%run_scoped3A : memref<!tpu.dma_semaphore, #tpu.memory_space<semaphore_mem>>) src(%arg16 : memref<65536xf32, #tpu.memory_space<vmem>>) dst(%dma_wait3A_102 : memref<65536xf32, #tpu.memory_space<hbm>>)
        tpu.yield
      }) : () -> ()
      %dma_start3A_65 = arith.constant 0 : i32
      %dma_start3A_66 = tpu.memref_slice %arg4[%select_n3A, %dma_start3A_65] : memref<2x100352xi32, #tpu.memory_space<hbm>> -> memref<1x6272xi32, #tpu.memory_space<hbm>>
      %dma_start3A_67 = tpu.memref_squeeze %dma_start3A_66 : memref<1x6272xi32, #tpu.memory_space<hbm>> -> memref<6272xi32, #tpu.memory_space<hbm>>
      %dma_start3A_68 = arith.constant 0 : i32
      %dma_start3A_69 = tpu.memref_slice %arg4[%select_n3A, %dma_start3A_68] : memref<2x100352xi32, #tpu.memory_space<hbm>> -> memref<1x6272xi32, #tpu.memory_space<hbm>>
      %dma_start3A_70 = tpu.memref_squeeze %dma_start3A_69 : memref<1x6272xi32, #tpu.memory_space<hbm>> -> memref<6272xi32, #tpu.memory_space<hbm>>
      tpu.enqueue_dma source(%dma_start3A_70 : memref<6272xi32, #tpu.memory_space<hbm>>) target(%arg10 : memref<6272xi32, #tpu.memory_space<vmem>>) target_semaphore(%arg17 : memref<!tpu.dma_semaphore, #tpu.memory_space<semaphore_mem>>)
      %scan3A_71 = arith.constant 0 : i32
      %scan3A_72 = arith.constant 8 : i32
      %scan3A_73 = arith.addi %scan3A_71, %scan3A_72 : i32
      %scan3A_74 = arith.constant 1 : i32
      scf.for %scan3A_91 = %scan3A_71 to %scan3A_73 step %scan3A_74  : i32 {
        %mul3A_92 = arith.constant 1 : i32
        %mul3A_93 = arith.muli %scan3A_91, %mul3A_92 : i32
        %add3A_94 = arith.constant 0 : i32
        %add3A_95 = arith.addi %add3A_94, %mul3A_93 : i32
        %mul3A_96 = arith.constant 2 : i32
        %mul3A_97 = arith.muli %add3A_95, %mul3A_96 : i32
        %add3A_98 = arith.constant 1 : i32
        %add3A_99 = arith.addi %mul3A_97, %add3A_98 : i32
        %mul3A_100 = arith.constant 6272 : i32
        %mul3A_101 = arith.muli %add3A_99, %mul3A_100 : i32
        %dma_start3A_102 = tpu.memref_slice %arg4[%select_n3A, %mul3A_101] : memref<2x100352xi32, #tpu.memory_space<hbm>> -> memref<1x6272xi32, #tpu.memory_space<hbm>>
        %dma_start3A_103 = tpu.memref_squeeze %dma_start3A_102 : memref<1x6272xi32, #tpu.memory_space<hbm>> -> memref<6272xi32, #tpu.memory_space<hbm>>
        %dma_start3A_104 = tpu.memref_slice %arg4[%select_n3A, %mul3A_101] : memref<2x100352xi32, #tpu.memory_space<hbm>> -> memref<1x6272xi32, #tpu.memory_space<hbm>>
        %dma_start3A_105 = tpu.memref_squeeze %dma_start3A_104 : memref<1x6272xi32, #tpu.memory_space<hbm>> -> memref<6272xi32, #tpu.memory_space<hbm>>
        tpu.enqueue_dma source(%dma_start3A_105 : memref<6272xi32, #tpu.memory_space<hbm>>) target(%arg11 : memref<6272xi32, #tpu.memory_space<vmem>>) target_semaphore(%arg18 : memref<!tpu.dma_semaphore, #tpu.memory_space<semaphore_mem>>)
        %mul3A_106 = arith.constant 6272 : i32
        %mul3A_107 = arith.muli %mul3A_97, %mul3A_106 : i32
        %dma_wait3A_108 = tpu.memref_slice %arg4[%select_n3A, %mul3A_107] : memref<2x100352xi32, #tpu.memory_space<hbm>> -> memref<1x6272xi32, #tpu.memory_space<hbm>>
        %dma_wait3A_109 = tpu.memref_squeeze %dma_wait3A_108 : memref<1x6272xi32, #tpu.memory_space<hbm>> -> memref<6272xi32, #tpu.memory_space<hbm>>
        %dma_wait3A_110 = tpu.memref_slice %arg4[%select_n3A, %mul3A_107] : memref<2x100352xi32, #tpu.memory_space<hbm>> -> memref<1x6272xi32, #tpu.memory_space<hbm>>
        %dma_wait3A_111 = tpu.memref_squeeze %dma_wait3A_110 : memref<1x6272xi32, #tpu.memory_space<hbm>> -> memref<6272xi32, #tpu.memory_space<hbm>>
        tpu.wait_dma2 semaphore(%arg17 : memref<!tpu.dma_semaphore, #tpu.memory_space<semaphore_mem>>) src(%dma_wait3A_111 : memref<6272xi32, #tpu.memory_space<hbm>>) dst(%arg10 : memref<6272xi32, #tpu.memory_space<vmem>>)
        %ge3A = arith.constant 2 : i32
        %ge3A_112 = arith.cmpi sge, %mul3A_97, %ge3A : i32
        %convert_element_type3A_113 = arith.extui %ge3A_112 : i1 to i32
        %cond3A_114 = arith.constant 0 : i32
        %cond3A_115 = arith.cmpi ne, %convert_element_type3A_113, %cond3A_114 : i32
        scf.if %cond3A_115 {
          %sub3A_161 = arith.constant 2 : i32
          %sub3A_162 = arith.subi %mul3A_97, %sub3A_161 : i32
          %mul3A_163 = arith.constant 100352 : i32
          %mul3A_164 = arith.muli %select_n3A, %mul3A_163 : i32
          %mul3A_165 = arith.constant 6272 : i32
          %mul3A_166 = arith.muli %sub3A_162, %mul3A_165 : i32
          %add3A_167 = arith.addi %mul3A_164, %mul3A_166 : i32
          %dma_wait3A_168 = tpu.memref_slice %arg7[%select_n3A_28, %add3A_167] : memref<8x200704xf32, #tpu.memory_space<hbm>> -> memref<1x6272xf32, #tpu.memory_space<hbm>>
          %dma_wait3A_169 = tpu.memref_squeeze %dma_wait3A_168 : memref<1x6272xf32, #tpu.memory_space<hbm>> -> memref<6272xf32, #tpu.memory_space<hbm>>
          %dma_wait3A_170 = tpu.memref_slice %arg7[%select_n3A_28, %add3A_167] : memref<8x200704xf32, #tpu.memory_space<hbm>> -> memref<1x6272xf32, #tpu.memory_space<hbm>>
          %dma_wait3A_171 = tpu.memref_squeeze %dma_wait3A_170 : memref<1x6272xf32, #tpu.memory_space<hbm>> -> memref<6272xf32, #tpu.memory_space<hbm>>
          tpu.wait_dma2 semaphore(%arg21 : memref<!tpu.dma_semaphore, #tpu.memory_space<semaphore_mem>>) src(%arg14 : memref<6272xf32, #tpu.memory_space<vmem>>) dst(%dma_wait3A_171 : memref<6272xf32, #tpu.memory_space<hbm>>)
        } else {
        }
        %parallel_loop3A = arith.constant 0 : i32
        %parallel_loop3A_116 = arith.constant 6272 : i32
        %parallel_loop3A_117 = arith.constant 16 : i32
        scf.for %parallel_loop3A_161 = %parallel_loop3A to %parallel_loop3A_116 step %parallel_loop3A_117  : i32 {
          %parallel_loop3A_162 = arith.index_cast %parallel_loop3A_161 : i32 to index
          %parallel_loop3A_163 = tpu.vector_load %arg10[%parallel_loop3A_162] {strides = array<i32>} : memref<6272xi32, #tpu.memory_space<vmem>>, vector<16xi32>,
          %parallel_loop3A_164 = tpu.vector_load_idx %arg16[%parallel_loop3A_163] : memref<65536xf32, #tpu.memory_space<vmem>>[vector<16xi32>], vector<16xf32>,
          %parallel_loop3A_165 = arith.index_cast %parallel_loop3A_161 : i32 to index
          %parallel_loop3A_166 = tpu.vector_load %arg14[%parallel_loop3A_165] {strides = array<i32>} : memref<6272xf32, #tpu.memory_space<vmem>>, vector<16xf32>,
          tpu.vector_store %arg14[%parallel_loop3A_165], %parallel_loop3A_164 {strides = array<i32>} : memref<6272xf32, #tpu.memory_space<vmem>>, vector<16xf32>,
        } {sc.loop_unroll_factor = 8 : i64, sc.parallel_access}
        %mul3A_118 = arith.constant 100352 : i32
        %mul3A_119 = arith.muli %select_n3A, %mul3A_118 : i32
        %mul3A_120 = arith.constant 6272 : i32
        %mul3A_121 = arith.muli %mul3A_97, %mul3A_120 : i32
        %add3A_122 = arith.addi %mul3A_119, %mul3A_121 : i32
        %dma_start3A_123 = tpu.memref_slice %arg7[%select_n3A_28, %add3A_122] : memref<8x200704xf32, #tpu.memory_space<hbm>> -> memref<1x6272xf32, #tpu.memory_space<hbm>>
        %dma_start3A_124 = tpu.memref_squeeze %dma_start3A_123 : memref<1x6272xf32, #tpu.memory_space<hbm>> -> memref<6272xf32, #tpu.memory_space<hbm>>
        %dma_start3A_125 = tpu.memref_slice %arg7[%select_n3A_28, %add3A_122] : memref<8x200704xf32, #tpu.memory_space<hbm>> -> memref<1x6272xf32, #tpu.memory_space<hbm>>
        %dma_start3A_126 = tpu.memref_squeeze %dma_start3A_125 : memref<1x6272xf32, #tpu.memory_space<hbm>> -> memref<6272xf32, #tpu.memory_space<hbm>>
        tpu.enqueue_dma source(%arg14 : memref<6272xf32, #tpu.memory_space<vmem>>) target(%dma_start3A_126 : memref<6272xf32, #tpu.memory_space<hbm>>) target_semaphore(%arg21 : memref<!tpu.dma_semaphore, #tpu.memory_space<semaphore_mem>>)
        %add3A_127 = arith.constant 1 : i32
        %add3A_128 = arith.addi %add3A_95, %add3A_127 : i32
        %lt3A_129 = arith.constant 8 : i32
        %lt3A_130 = arith.cmpi slt, %add3A_128, %lt3A_129 : i32
        %convert_element_type3A_131 = arith.extui %lt3A_130 : i1 to i32
        %cond3A_132 = arith.constant 0 : i32
        %cond3A_133 = arith.cmpi ne, %convert_element_type3A_131, %cond3A_132 : i32
        scf.if %cond3A_133 {
          %add3A_161 = arith.constant 2 : i32
          %add3A_162 = arith.addi %mul3A_97, %add3A_161 : i32
          %mul3A_163 = arith.constant 6272 : i32
          %mul3A_164 = arith.muli %add3A_162, %mul3A_163 : i32
          %dma_start3A_165 = tpu.memref_slice %arg4[%select_n3A, %mul3A_164] : memref<2x100352xi32, #tpu.memory_space<hbm>> -> memref<1x6272xi32, #tpu.memory_space<hbm>>
          %dma_start3A_166 = tpu.memref_squeeze %dma_start3A_165 : memref<1x6272xi32, #tpu.memory_space<hbm>> -> memref<6272xi32, #tpu.memory_space<hbm>>
          %dma_start3A_167 = tpu.memref_slice %arg4[%select_n3A, %mul3A_164] : memref<2x100352xi32, #tpu.memory_space<hbm>> -> memref<1x6272xi32, #tpu.memory_space<hbm>>
          %dma_start3A_168 = tpu.memref_squeeze %dma_start3A_167 : memref<1x6272xi32, #tpu.memory_space<hbm>> -> memref<6272xi32, #tpu.memory_space<hbm>>
          tpu.enqueue_dma source(%dma_start3A_168 : memref<6272xi32, #tpu.memory_space<hbm>>) target(%arg10 : memref<6272xi32, #tpu.memory_space<vmem>>) target_semaphore(%arg17 : memref<!tpu.dma_semaphore, #tpu.memory_space<semaphore_mem>>)
        } else {
        }
        %add3A_134 = arith.constant 1 : i32
        %add3A_135 = arith.addi %mul3A_97, %add3A_134 : i32
        %mul3A_136 = arith.constant 6272 : i32
        %mul3A_137 = arith.muli %add3A_135, %mul3A_136 : i32
        %dma_wait3A_138 = tpu.memref_slice %arg4[%select_n3A, %mul3A_137] : memref<2x100352xi32, #tpu.memory_space<hbm>> -> memref<1x6272xi32, #tpu.memory_space<hbm>>
        %dma_wait3A_139 = tpu.memref_squeeze %dma_wait3A_138 : memref<1x6272xi32, #tpu.memory_space<hbm>> -> memref<6272xi32, #tpu.memory_space<hbm>>
        %dma_wait3A_140 = tpu.memref_slice %arg4[%select_n3A, %mul3A_137] : memref<2x100352xi32, #tpu.memory_space<hbm>> -> memref<1x6272xi32, #tpu.memory_space<hbm>>
        %dma_wait3A_141 = tpu.memref_squeeze %dma_wait3A_140 : memref<1x6272xi32, #tpu.memory_space<hbm>> -> memref<6272xi32, #tpu.memory_space<hbm>>
        tpu.wait_dma2 semaphore(%arg18 : memref<!tpu.dma_semaphore, #tpu.memory_space<semaphore_mem>>) src(%dma_wait3A_141 : memref<6272xi32, #tpu.memory_space<hbm>>) dst(%arg11 : memref<6272xi32, #tpu.memory_space<vmem>>)
        %add3A_142 = arith.constant 1 : i32
        %add3A_143 = arith.addi %mul3A_97, %add3A_142 : i32
        %ge3A_144 = arith.constant 2 : i32
        %ge3A_145 = arith.cmpi sge, %add3A_143, %ge3A_144 : i32
        %convert_element_type3A_146 = arith.extui %ge3A_145 : i1 to i32
        %cond3A_147 = arith.constant 0 : i32
        %cond3A_148 = arith.cmpi ne, %convert_element_type3A_146, %cond3A_147 : i32
        scf.if %cond3A_148 {
          %sub3A_161 = arith.constant 2 : i32
          %sub3A_162 = arith.subi %add3A_143, %sub3A_161 : i32
          %mul3A_163 = arith.constant 100352 : i32
          %mul3A_164 = arith.muli %select_n3A, %mul3A_163 : i32
          %mul3A_165 = arith.constant 6272 : i32
          %mul3A_166 = arith.muli %sub3A_162, %mul3A_165 : i32
          %add3A_167 = arith.addi %mul3A_164, %mul3A_166 : i32
          %dma_wait3A_168 = tpu.memref_slice %arg7[%select_n3A_28, %add3A_167] : memref<8x200704xf32, #tpu.memory_space<hbm>> -> memref<1x6272xf32, #tpu.memory_space<hbm>>
          %dma_wait3A_169 = tpu.memref_squeeze %dma_wait3A_168 : memref<1x6272xf32, #tpu.memory_space<hbm>> -> memref<6272xf32, #tpu.memory_space<hbm>>
          %dma_wait3A_170 = tpu.memref_slice %arg7[%select_n3A_28, %add3A_167] : memref<8x200704xf32, #tpu.memory_space<hbm>> -> memref<1x6272xf32, #tpu.memory_space<hbm>>
          %dma_wait3A_171 = tpu.memref_squeeze %dma_wait3A_170 : memref<1x6272xf32, #tpu.memory_space<hbm>> -> memref<6272xf32, #tpu.memory_space<hbm>>
          tpu.wait_dma2 semaphore(%arg22 : memref<!tpu.dma_semaphore, #tpu.memory_space<semaphore_mem>>) src(%arg15 : memref<6272xf32, #tpu.memory_space<vmem>>) dst(%dma_wait3A_171 : memref<6272xf32, #tpu.memory_space<hbm>>)
        } else {
        }
        %parallel_loop3A_149 = arith.constant 0 : i32
        %parallel_loop3A_150 = arith.constant 6272 : i32
        %parallel_loop3A_151 = arith.constant 16 : i32
        scf.for %parallel_loop3A_161 = %parallel_loop3A_149 to %parallel_loop3A_150 step %parallel_loop3A_151  : i32 {
          %parallel_loop3A_162 = arith.index_cast %parallel_loop3A_161 : i32 to index
          %parallel_loop3A_163 = tpu.vector_load %arg11[%parallel_loop3A_162] {strides = array<i32>} : memref<6272xi32, #tpu.memory_space<vmem>>, vector<16xi32>,
          %parallel_loop3A_164 = tpu.vector_load_idx %arg16[%parallel_loop3A_163] : memref<65536xf32, #tpu.memory_space<vmem>>[vector<16xi32>], vector<16xf32>,
          %parallel_loop3A_165 = arith.index_cast %parallel_loop3A_161 : i32 to index
          %parallel_loop3A_166 = tpu.vector_load %arg15[%parallel_loop3A_165] {strides = array<i32>} : memref<6272xf32, #tpu.memory_space<vmem>>, vector<16xf32>,
          tpu.vector_store %arg15[%parallel_loop3A_165], %parallel_loop3A_164 {strides = array<i32>} : memref<6272xf32, #tpu.memory_space<vmem>>, vector<16xf32>,
        } {sc.loop_unroll_factor = 8 : i64, sc.parallel_access}
        %mul3A_152 = arith.constant 100352 : i32
        %mul3A_153 = arith.muli %select_n3A, %mul3A_152 : i32
        %mul3A_154 = arith.constant 6272 : i32
        %mul3A_155 = arith.muli %add3A_143, %mul3A_154 : i32
        %add3A_156 = arith.addi %mul3A_153, %mul3A_155 : i32
        %dma_start3A_157 = tpu.memref_slice %arg7[%select_n3A_28, %add3A_156] : memref<8x200704xf32, #tpu.memory_space<hbm>> -> memref<1x6272xf32, #tpu.memory_space<hbm>>
        %dma_start3A_158 = tpu.memref_squeeze %dma_start3A_157 : memref<1x6272xf32, #tpu.memory_space<hbm>> -> memref<6272xf32, #tpu.memory_space<hbm>>
        %dma_start3A_159 = tpu.memref_slice %arg7[%select_n3A_28, %add3A_156] : memref<8x200704xf32, #tpu.memory_space<hbm>> -> memref<1x6272xf32, #tpu.memory_space<hbm>>
        %dma_start3A_160 = tpu.memref_squeeze %dma_start3A_159 : memref<1x6272xf32, #tpu.memory_space<hbm>> -> memref<6272xf32, #tpu.memory_space<hbm>>
        tpu.enqueue_dma source(%arg15 : memref<6272xf32, #tpu.memory_space<vmem>>) target(%dma_start3A_160 : memref<6272xf32, #tpu.memory_space<hbm>>) target_semaphore(%arg22 : memref<!tpu.dma_semaphore, #tpu.memory_space<semaphore_mem>>)
      }
      %scan3A_75 = arith.constant 8 : i32
      %mul3A_76 = arith.constant 100352 : i32
      %mul3A_77 = arith.muli %select_n3A, %mul3A_76 : i32
      %add3A_78 = arith.constant 87808 : i32
      %add3A_79 = arith.addi %mul3A_77, %add3A_78 : i32
      %dma_wait3A = tpu.memref_slice %arg7[%select_n3A_28, %add3A_79] : memref<8x200704xf32, #tpu.memory_space<hbm>> -> memref<1x6272xf32, #tpu.memory_space<hbm>>
      %dma_wait3A_80 = tpu.memref_squeeze %dma_wait3A : memref<1x6272xf32, #tpu.memory_space<hbm>> -> memref<6272xf32, #tpu.memory_space<hbm>>
      %dma_wait3A_81 = tpu.memref_slice %arg7[%select_n3A_28, %add3A_79] : memref<8x200704xf32, #tpu.memory_space<hbm>> -> memref<1x6272xf32, #tpu.memory_space<hbm>>
      %dma_wait3A_82 = tpu.memref_squeeze %dma_wait3A_81 : memref<1x6272xf32, #tpu.memory_space<hbm>> -> memref<6272xf32, #tpu.memory_space<hbm>>
      tpu.wait_dma2 semaphore(%arg21 : memref<!tpu.dma_semaphore, #tpu.memory_space<semaphore_mem>>) src(%arg14 : memref<6272xf32, #tpu.memory_space<vmem>>) dst(%dma_wait3A_82 : memref<6272xf32, #tpu.memory_space<hbm>>)
      %mul3A_83 = arith.constant 100352 : i32
      %mul3A_84 = arith.muli %select_n3A, %mul3A_83 : i32
      %add3A_85 = arith.constant 94080 : i32
      %add3A_86 = arith.addi %mul3A_84, %add3A_85 : i32
      %dma_wait3A_87 = tpu.memref_slice %arg7[%select_n3A_28, %add3A_86] : memref<8x200704xf32, #tpu.memory_space<hbm>> -> memref<1x6272xf32, #tpu.memory_space<hbm>>
      %dma_wait3A_88 = tpu.memref_squeeze %dma_wait3A_87 : memref<1x6272xf32, #tpu.memory_space<hbm>> -> memref<6272xf32, #tpu.memory_space<hbm>>
      %dma_wait3A_89 = tpu.memref_slice %arg7[%select_n3A_28, %add3A_86] : memref<8x200704xf32, #tpu.memory_space<hbm>> -> memref<1x6272xf32, #tpu.memory_space<hbm>>
      %dma_wait3A_90 = tpu.memref_squeeze %dma_wait3A_89 : memref<1x6272xf32, #tpu.memory_space<hbm>> -> memref<6272xf32, #tpu.memory_space<hbm>>
      tpu.wait_dma2 semaphore(%arg22 : memref<!tpu.dma_semaphore, #tpu.memory_space<semaphore_mem>>) src(%arg15 : memref<6272xf32, #tpu.memory_space<vmem>>) dst(%dma_wait3A_90 : memref<6272xf32, #tpu.memory_space<hbm>>)
    } else {
    }
    %eq3A_35 = arith.constant 1 : i32
    %eq3A_36 = arith.cmpi eq, %arg0, %eq3A_35 : i32
    %lt3A_37 = arith.constant 8 : i32
    %lt3A_38 = arith.cmpi slt, %arg1, %lt3A_37 : i32
    %and3A_39 = arith.andi %eq3A_36, %lt3A_38 : i1
    %convert_element_type3A_40 = arith.extui %and3A_39 : i1 to i32
    %cond3A_41 = arith.constant 0 : i32
    %cond3A_42 = arith.cmpi ne, %convert_element_type3A_40, %cond3A_41 : i32
    scf.if %cond3A_42 {
      %broadcast_in_dim3A = arith.constant 0.000000e+00 : f32
      %broadcast_in_dim3A_43 = vector.broadcast %broadcast_in_dim3A : f32 to vector<16xf32>
      %scan3A = arith.constant 0 : i32
      %scan3A_44 = arith.constant 512 : i32
      %scan3A_45 = arith.addi %scan3A, %scan3A_44 : i32
      %scan3A_46 = arith.constant 1 : i32
      scf.for %scan3A_91 = %scan3A to %scan3A_45 step %scan3A_46  : i32 {
        %mul3A_92 = arith.constant 1 : i32
        %mul3A_93 = arith.muli %scan3A_91, %mul3A_92 : i32
        %add3A_94 = arith.constant 0 : i32
        %add3A_95 = arith.addi %add3A_94, %mul3A_93 : i32
        %mul3A_96 = arith.constant 128 : i32
        %mul3A_97 = arith.muli %add3A_95, %mul3A_96 : i32
        %add3A_98 = arith.constant 0 : i32
        %add3A_99 = arith.addi %mul3A_97, %add3A_98 : i32
        %swap3A = arith.index_cast %add3A_99 : i32 to index
        %swap3A_100 = tpu.vector_load %arg16[%swap3A] {strides = array<i32>} : memref<65536xf32, #tpu.memory_space<vmem>>, vector<16xf32>,
        tpu.vector_store %arg16[%swap3A], %broadcast_in_dim3A_43 {strides = array<i32>} : memref<65536xf32, #tpu.memory_space<vmem>>, vector<16xf32>,
        %mul3A_101 = arith.constant 128 : i32
        %mul3A_102 = arith.muli %add3A_95, %mul3A_101 : i32
        %add3A_103 = arith.constant 16 : i32
        %add3A_104 = arith.addi %mul3A_102, %add3A_103 : i32
        %swap3A_105 = arith.index_cast %add3A_104 : i32 to index
        %swap3A_106 = tpu.vector_load %arg16[%swap3A_105] {strides = array<i32>} : memref<65536xf32, #tpu.memory_space<vmem>>, vector<16xf32>,
        tpu.vector_store %arg16[%swap3A_105], %broadcast_in_dim3A_43 {strides = array<i32>} : memref<65536xf32, #tpu.memory_space<vmem>>, vector<16xf32>,
        %mul3A_107 = arith.constant 128 : i32
        %mul3A_108 = arith.muli %add3A_95, %mul3A_107 : i32
        %add3A_109 = arith.constant 32 : i32
        %add3A_110 = arith.addi %mul3A_108, %add3A_109 : i32
        %swap3A_111 = arith.index_cast %add3A_110 : i32 to index
        %swap3A_112 = tpu.vector_load %arg16[%swap3A_111] {strides = array<i32>} : memref<65536xf32, #tpu.memory_space<vmem>>, vector<16xf32>,
        tpu.vector_store %arg16[%swap3A_111], %broadcast_in_dim3A_43 {strides = array<i32>} : memref<65536xf32, #tpu.memory_space<vmem>>, vector<16xf32>,
        %mul3A_113 = arith.constant 128 : i32
        %mul3A_114 = arith.muli %add3A_95, %mul3A_113 : i32
        %add3A_115 = arith.constant 48 : i32
        %add3A_116 = arith.addi %mul3A_114, %add3A_115 : i32
        %swap3A_117 = arith.index_cast %add3A_116 : i32 to index
        %swap3A_118 = tpu.vector_load %arg16[%swap3A_117] {strides = array<i32>} : memref<65536xf32, #tpu.memory_space<vmem>>, vector<16xf32>,
        tpu.vector_store %arg16[%swap3A_117], %broadcast_in_dim3A_43 {strides = array<i32>} : memref<65536xf32, #tpu.memory_space<vmem>>, vector<16xf32>,
        %mul3A_119 = arith.constant 128 : i32
        %mul3A_120 = arith.muli %add3A_95, %mul3A_119 : i32
        %add3A_121 = arith.constant 64 : i32
        %add3A_122 = arith.addi %mul3A_120, %add3A_121 : i32
        %swap3A_123 = arith.index_cast %add3A_122 : i32 to index
        %swap3A_124 = tpu.vector_load %arg16[%swap3A_123] {strides = array<i32>} : memref<65536xf32, #tpu.memory_space<vmem>>, vector<16xf32>,
        tpu.vector_store %arg16[%swap3A_123], %broadcast_in_dim3A_43 {strides = array<i32>} : memref<65536xf32, #tpu.memory_space<vmem>>, vector<16xf32>,
        %mul3A_125 = arith.constant 128 : i32
        %mul3A_126 = arith.muli %add3A_95, %mul3A_125 : i32
        %add3A_127 = arith.constant 80 : i32
        %add3A_128 = arith.addi %mul3A_126, %add3A_127 : i32
        %swap3A_129 = arith.index_cast %add3A_128 : i32 to index
        %swap3A_130 = tpu.vector_load %arg16[%swap3A_129] {strides = array<i32>} : memref<65536xf32, #tpu.memory_space<vmem>>, vector<16xf32>,
        tpu.vector_store %arg16[%swap3A_129], %broadcast_in_dim3A_43 {strides = array<i32>} : memref<65536xf32, #tpu.memory_space<vmem>>, vector<16xf32>,
        %mul3A_131 = arith.constant 128 : i32
        %mul3A_132 = arith.muli %add3A_95, %mul3A_131 : i32
        %add3A_133 = arith.constant 96 : i32
        %add3A_134 = arith.addi %mul3A_132, %add3A_133 : i32
        %swap3A_135 = arith.index_cast %add3A_134 : i32 to index
        %swap3A_136 = tpu.vector_load %arg16[%swap3A_135] {strides = array<i32>} : memref<65536xf32, #tpu.memory_space<vmem>>, vector<16xf32>,
        tpu.vector_store %arg16[%swap3A_135], %broadcast_in_dim3A_43 {strides = array<i32>} : memref<65536xf32, #tpu.memory_space<vmem>>, vector<16xf32>,
        %mul3A_137 = arith.constant 128 : i32
        %mul3A_138 = arith.muli %add3A_95, %mul3A_137 : i32
        %add3A_139 = arith.constant 112 : i32
        %add3A_140 = arith.addi %mul3A_138, %add3A_139 : i32
        %swap3A_141 = arith.index_cast %add3A_140 : i32 to index
        %swap3A_142 = tpu.vector_load %arg16[%swap3A_141] {strides = array<i32>} : memref<65536xf32, #tpu.memory_space<vmem>>, vector<16xf32>,
        tpu.vector_store %arg16[%swap3A_141], %broadcast_in_dim3A_43 {strides = array<i32>} : memref<65536xf32, #tpu.memory_space<vmem>>, vector<16xf32>,
      }
      %scan3A_47 = arith.constant 512 : i32
      %dma_start3A = arith.constant 0 : i32
      %dma_start3A_48 = tpu.memref_slice %arg5[%select_n3A, %dma_start3A] : memref<2x100352xi32, #tpu.memory_space<hbm>> -> memref<1x6272xi32, #tpu.memory_space<hbm>>
      %dma_start3A_49 = tpu.memref_squeeze %dma_start3A_48 : memref<1x6272xi32, #tpu.memory_space<hbm>> -> memref<6272xi32, #tpu.memory_space<hbm>>
      %dma_start3A_50 = arith.constant 0 : i32
      %dma_start3A_51 = tpu.memref_slice %arg5[%select_n3A, %dma_start3A_50] : memref<2x100352xi32, #tpu.memory_space<hbm>> -> memref<1x6272xi32, #tpu.memory_space<hbm>>
      %dma_start3A_52 = tpu.memref_squeeze %dma_start3A_51 : memref<1x6272xi32, #tpu.memory_space<hbm>> -> memref<6272xi32, #tpu.memory_space<hbm>>
      tpu.enqueue_dma source(%dma_start3A_52 : memref<6272xi32, #tpu.memory_space<hbm>>) target(%arg10 : memref<6272xi32, #tpu.memory_space<vmem>>) target_semaphore(%arg17 : memref<!tpu.dma_semaphore, #tpu.memory_space<semaphore_mem>>)
      %mul3A = arith.constant 100352 : i32
      %mul3A_53 = arith.muli %select_n3A, %mul3A : i32
      %add3A_54 = arith.constant 0 : i32
      %add3A_55 = arith.addi %mul3A_53, %add3A_54 : i32
      %dma_start3A_56 = tpu.memref_slice %arg3[%select_n3A_28, %add3A_55] : memref<8x200704xf32, #tpu.memory_space<hbm>> -> memref<1x6272xf32, #tpu.memory_space<hbm>>
      %dma_start3A_57 = tpu.memref_squeeze %dma_start3A_56 : memref<1x6272xf32, #tpu.memory_space<hbm>> -> memref<6272xf32, #tpu.memory_space<hbm>>
      %dma_start3A_58 = tpu.memref_slice %arg3[%select_n3A_28, %add3A_55] : memref<8x200704xf32, #tpu.memory_space<hbm>> -> memref<1x6272xf32, #tpu.memory_space<hbm>>
      %dma_start3A_59 = tpu.memref_squeeze %dma_start3A_58 : memref<1x6272xf32, #tpu.memory_space<hbm>> -> memref<6272xf32, #tpu.memory_space<hbm>>
      tpu.enqueue_dma source(%dma_start3A_59 : memref<6272xf32, #tpu.memory_space<hbm>>) target(%arg12 : memref<6272xf32, #tpu.memory_space<vmem>>) target_semaphore(%arg19 : memref<!tpu.dma_semaphore, #tpu.memory_space<semaphore_mem>>)
      %scan3A_60 = arith.constant 0 : i32
      %scan3A_61 = arith.constant 8 : i32
      %scan3A_62 = arith.addi %scan3A_60, %scan3A_61 : i32
      %scan3A_63 = arith.constant 1 : i32
      scf.for %scan3A_91 = %scan3A_60 to %scan3A_62 step %scan3A_63  : i32 {
        %mul3A_92 = arith.constant 1 : i32
        %mul3A_93 = arith.muli %scan3A_91, %mul3A_92 : i32
        %add3A_94 = arith.constant 0 : i32
        %add3A_95 = arith.addi %add3A_94, %mul3A_93 : i32
        %mul3A_96 = arith.constant 2 : i32
        %mul3A_97 = arith.muli %add3A_95, %mul3A_96 : i32
        %add3A_98 = arith.constant 1 : i32
        %add3A_99 = arith.addi %mul3A_97, %add3A_98 : i32
        %mul3A_100 = arith.constant 6272 : i32
        %mul3A_101 = arith.muli %add3A_99, %mul3A_100 : i32
        %dma_start3A_102 = tpu.memref_slice %arg5[%select_n3A, %mul3A_101] : memref<2x100352xi32, #tpu.memory_space<hbm>> -> memref<1x6272xi32, #tpu.memory_space<hbm>>
        %dma_start3A_103 = tpu.memref_squeeze %dma_start3A_102 : memref<1x6272xi32, #tpu.memory_space<hbm>> -> memref<6272xi32, #tpu.memory_space<hbm>>
        %dma_start3A_104 = tpu.memref_slice %arg5[%select_n3A, %mul3A_101] : memref<2x100352xi32, #tpu.memory_space<hbm>> -> memref<1x6272xi32, #tpu.memory_space<hbm>>
        %dma_start3A_105 = tpu.memref_squeeze %dma_start3A_104 : memref<1x6272xi32, #tpu.memory_space<hbm>> -> memref<6272xi32, #tpu.memory_space<hbm>>
        tpu.enqueue_dma source(%dma_start3A_105 : memref<6272xi32, #tpu.memory_space<hbm>>) target(%arg11 : memref<6272xi32, #tpu.memory_space<vmem>>) target_semaphore(%arg18 : memref<!tpu.dma_semaphore, #tpu.memory_space<semaphore_mem>>)
        %mul3A_106 = arith.constant 100352 : i32
        %mul3A_107 = arith.muli %select_n3A, %mul3A_106 : i32
        %mul3A_108 = arith.constant 6272 : i32
        %mul3A_109 = arith.muli %add3A_99, %mul3A_108 : i32
        %add3A_110 = arith.addi %mul3A_107, %mul3A_109 : i32
        %dma_start3A_111 = tpu.memref_slice %arg3[%select_n3A_28, %add3A_110] : memref<8x200704xf32, #tpu.memory_space<hbm>> -> memref<1x6272xf32, #tpu.memory_space<hbm>>
        %dma_start3A_112 = tpu.memref_squeeze %dma_start3A_111 : memref<1x6272xf32, #tpu.memory_space<hbm>> -> memref<6272xf32, #tpu.memory_space<hbm>>
        %dma_start3A_113 = tpu.memref_slice %arg3[%select_n3A_28, %add3A_110] : memref<8x200704xf32, #tpu.memory_space<hbm>> -> memref<1x6272xf32, #tpu.memory_space<hbm>>
        %dma_start3A_114 = tpu.memref_squeeze %dma_start3A_113 : memref<1x6272xf32, #tpu.memory_space<hbm>> -> memref<6272xf32, #tpu.memory_space<hbm>>
        tpu.enqueue_dma source(%dma_start3A_114 : memref<6272xf32, #tpu.memory_space<hbm>>) target(%arg13 : memref<6272xf32, #tpu.memory_space<vmem>>) target_semaphore(%arg20 : memref<!tpu.dma_semaphore, #tpu.memory_space<semaphore_mem>>)
        %mul3A_115 = arith.constant 6272 : i32
        %mul3A_116 = arith.muli %mul3A_97, %mul3A_115 : i32
        %dma_wait3A_117 = tpu.memref_slice %arg5[%select_n3A, %mul3A_116] : memref<2x100352xi32, #tpu.memory_space<hbm>> -> memref<1x6272xi32, #tpu.memory_space<hbm>>
        %dma_wait3A_118 = tpu.memref_squeeze %dma_wait3A_117 : memref<1x6272xi32, #tpu.memory_space<hbm>> -> memref<6272xi32, #tpu.memory_space<hbm>>
        %dma_wait3A_119 = tpu.memref_slice %arg5[%select_n3A, %mul3A_116] : memref<2x100352xi32, #tpu.memory_space<hbm>> -> memref<1x6272xi32, #tpu.memory_space<hbm>>
        %dma_wait3A_120 = tpu.memref_squeeze %dma_wait3A_119 : memref<1x6272xi32, #tpu.memory_space<hbm>> -> memref<6272xi32, #tpu.memory_space<hbm>>
        tpu.wait_dma2 semaphore(%arg17 : memref<!tpu.dma_semaphore, #tpu.memory_space<semaphore_mem>>) src(%dma_wait3A_120 : memref<6272xi32, #tpu.memory_space<hbm>>) dst(%arg10 : memref<6272xi32, #tpu.memory_space<vmem>>)
        %mul3A_121 = arith.constant 100352 : i32
        %mul3A_122 = arith.muli %select_n3A, %mul3A_121 : i32
        %mul3A_123 = arith.constant 6272 : i32
        %mul3A_124 = arith.muli %mul3A_97, %mul3A_123 : i32
        %add3A_125 = arith.addi %mul3A_122, %mul3A_124 : i32
        %dma_wait3A_126 = tpu.memref_slice %arg3[%select_n3A_28, %add3A_125] : memref<8x200704xf32, #tpu.memory_space<hbm>> -> memref<1x6272xf32, #tpu.memory_space<hbm>>
        %dma_wait3A_127 = tpu.memref_squeeze %dma_wait3A_126 : memref<1x6272xf32, #tpu.memory_space<hbm>> -> memref<6272xf32, #tpu.memory_space<hbm>>
        %dma_wait3A_128 = tpu.memref_slice %arg3[%select_n3A_28, %add3A_125] : memref<8x200704xf32, #tpu.memory_space<hbm>> -> memref<1x6272xf32, #tpu.memory_space<hbm>>
        %dma_wait3A_129 = tpu.memref_squeeze %dma_wait3A_128 : memref<1x6272xf32, #tpu.memory_space<hbm>> -> memref<6272xf32, #tpu.memory_space<hbm>>
        tpu.wait_dma2 semaphore(%arg19 : memref<!tpu.dma_semaphore, #tpu.memory_space<semaphore_mem>>) src(%dma_wait3A_129 : memref<6272xf32, #tpu.memory_space<hbm>>) dst(%arg12 : memref<6272xf32, #tpu.memory_space<vmem>>)
        %parallel_loop3A = arith.constant 0 : i32
        %parallel_loop3A_130 = arith.constant 6272 : i32
        %parallel_loop3A_131 = arith.constant 16 : i32
        scf.for %parallel_loop3A_161 = %parallel_loop3A to %parallel_loop3A_130 step %parallel_loop3A_131  : i32 {
          %parallel_loop3A_162 = arith.index_cast %parallel_loop3A_161 : i32 to index
          %parallel_loop3A_163 = tpu.vector_load %arg10[%parallel_loop3A_162] {strides = array<i32>} : memref<6272xi32, #tpu.memory_space<vmem>>, vector<16xi32>,
          %parallel_loop3A_164 = arith.index_cast %parallel_loop3A_161 : i32 to index
          %parallel_loop3A_165 = tpu.vector_load %arg12[%parallel_loop3A_164] {strides = array<i32>} : memref<6272xf32, #tpu.memory_space<vmem>>, vector<16xf32>,
          tpu.vector_store_idx %arg16[%parallel_loop3A_163], %parallel_loop3A_165 {add = true} : memref<65536xf32, #tpu.memory_space<vmem>>[vector<16xi32>], vector<16xf32>,
        } {sc.loop_unroll_factor = 8 : i64, sc.parallel_access}
        %add3A_132 = arith.constant 1 : i32
        %add3A_133 = arith.addi %add3A_95, %add3A_132 : i32
        %lt3A_134 = arith.constant 8 : i32
        %lt3A_135 = arith.cmpi slt, %add3A_133, %lt3A_134 : i32
        %convert_element_type3A_136 = arith.extui %lt3A_135 : i1 to i32
        %cond3A_137 = arith.constant 0 : i32
        %cond3A_138 = arith.cmpi ne, %convert_element_type3A_136, %cond3A_137 : i32
        scf.if %cond3A_138 {
          %add3A_161 = arith.constant 2 : i32
          %add3A_162 = arith.addi %mul3A_97, %add3A_161 : i32
          %mul3A_163 = arith.constant 6272 : i32
          %mul3A_164 = arith.muli %add3A_162, %mul3A_163 : i32
          %dma_start3A_165 = tpu.memref_slice %arg5[%select_n3A, %mul3A_164] : memref<2x100352xi32, #tpu.memory_space<hbm>> -> memref<1x6272xi32, #tpu.memory_space<hbm>>
          %dma_start3A_166 = tpu.memref_squeeze %dma_start3A_165 : memref<1x6272xi32, #tpu.memory_space<hbm>> -> memref<6272xi32, #tpu.memory_space<hbm>>
          %dma_start3A_167 = tpu.memref_slice %arg5[%select_n3A, %mul3A_164] : memref<2x100352xi32, #tpu.memory_space<hbm>> -> memref<1x6272xi32, #tpu.memory_space<hbm>>
          %dma_start3A_168 = tpu.memref_squeeze %dma_start3A_167 : memref<1x6272xi32, #tpu.memory_space<hbm>> -> memref<6272xi32, #tpu.memory_space<hbm>>
          tpu.enqueue_dma source(%dma_start3A_168 : memref<6272xi32, #tpu.memory_space<hbm>>) target(%arg10 : memref<6272xi32, #tpu.memory_space<vmem>>) target_semaphore(%arg17 : memref<!tpu.dma_semaphore, #tpu.memory_space<semaphore_mem>>)
          %mul3A_169 = arith.constant 100352 : i32
          %mul3A_170 = arith.muli %select_n3A, %mul3A_169 : i32
          %mul3A_171 = arith.constant 6272 : i32
          %mul3A_172 = arith.muli %add3A_162, %mul3A_171 : i32
          %add3A_173 = arith.addi %mul3A_170, %mul3A_172 : i32
          %dma_start3A_174 = tpu.memref_slice %arg3[%select_n3A_28, %add3A_173] : memref<8x200704xf32, #tpu.memory_space<hbm>> -> memref<1x6272xf32, #tpu.memory_space<hbm>>
          %dma_start3A_175 = tpu.memref_squeeze %dma_start3A_174 : memref<1x6272xf32, #tpu.memory_space<hbm>> -> memref<6272xf32, #tpu.memory_space<hbm>>
          %dma_start3A_176 = tpu.memref_slice %arg3[%select_n3A_28, %add3A_173] : memref<8x200704xf32, #tpu.memory_space<hbm>> -> memref<1x6272xf32, #tpu.memory_space<hbm>>
          %dma_start3A_177 = tpu.memref_squeeze %dma_start3A_176 : memref<1x6272xf32, #tpu.memory_space<hbm>> -> memref<6272xf32, #tpu.memory_space<hbm>>
          tpu.enqueue_dma source(%dma_start3A_177 : memref<6272xf32, #tpu.memory_space<hbm>>) target(%arg12 : memref<6272xf32, #tpu.memory_space<vmem>>) target_semaphore(%arg19 : memref<!tpu.dma_semaphore, #tpu.memory_space<semaphore_mem>>)
        } else {
        }
        %add3A_139 = arith.constant 1 : i32
        %add3A_140 = arith.addi %mul3A_97, %add3A_139 : i32
        %mul3A_141 = arith.constant 6272 : i32
        %mul3A_142 = arith.muli %add3A_140, %mul3A_141 : i32
        %dma_wait3A_143 = tpu.memref_slice %arg5[%select_n3A, %mul3A_142] : memref<2x100352xi32, #tpu.memory_space<hbm>> -> memref<1x6272xi32, #tpu.memory_space<hbm>>
        %dma_wait3A_144 = tpu.memref_squeeze %dma_wait3A_143 : memref<1x6272xi32, #tpu.memory_space<hbm>> -> memref<6272xi32, #tpu.memory_space<hbm>>
        %dma_wait3A_145 = tpu.memref_slice %arg5[%select_n3A, %mul3A_142] : memref<2x100352xi32, #tpu.memory_space<hbm>> -> memref<1x6272xi32, #tpu.memory_space<hbm>>
        %dma_wait3A_146 = tpu.memref_squeeze %dma_wait3A_145 : memref<1x6272xi32, #tpu.memory_space<hbm>> -> memref<6272xi32, #tpu.memory_space<hbm>>
        tpu.wait_dma2 semaphore(%arg18 : memref<!tpu.dma_semaphore, #tpu.memory_space<semaphore_mem>>) src(%dma_wait3A_146 : memref<6272xi32, #tpu.memory_space<hbm>>) dst(%arg11 : memref<6272xi32, #tpu.memory_space<vmem>>)
        %mul3A_147 = arith.constant 100352 : i32
        %mul3A_148 = arith.muli %select_n3A, %mul3A_147 : i32
        %mul3A_149 = arith.constant 6272 : i32
        %mul3A_150 = arith.muli %add3A_140, %mul3A_149 : i32
        %add3A_151 = arith.addi %mul3A_148, %mul3A_150 : i32
        %dma_wait3A_152 = tpu.memref_slice %arg3[%select_n3A_28, %add3A_151] : memref<8x200704xf32, #tpu.memory_space<hbm>> -> memref<1x6272xf32, #tpu.memory_space<hbm>>
        %dma_wait3A_153 = tpu.memref_squeeze %dma_wait3A_152 : memref<1x6272xf32, #tpu.memory_space<hbm>> -> memref<6272xf32, #tpu.memory_space<hbm>>
        %dma_wait3A_154 = tpu.memref_slice %arg3[%select_n3A_28, %add3A_151] : memref<8x200704xf32, #tpu.memory_space<hbm>> -> memref<1x6272xf32, #tpu.memory_space<hbm>>
        %dma_wait3A_155 = tpu.memref_squeeze %dma_wait3A_154 : memref<1x6272xf32, #tpu.memory_space<hbm>> -> memref<6272xf32, #tpu.memory_space<hbm>>
        tpu.wait_dma2 semaphore(%arg20 : memref<!tpu.dma_semaphore, #tpu.memory_space<semaphore_mem>>) src(%dma_wait3A_155 : memref<6272xf32, #tpu.memory_space<hbm>>) dst(%arg13 : memref<6272xf32, #tpu.memory_space<vmem>>)
        %add3A_156 = arith.constant 1 : i32
        %add3A_157 = arith.addi %mul3A_97, %add3A_156 : i32
        %parallel_loop3A_158 = arith.constant 0 : i32
        %parallel_loop3A_159 = arith.constant 6272 : i32
        %parallel_loop3A_160 = arith.constant 16 : i32
        scf.for %parallel_loop3A_161 = %parallel_loop3A_158 to %parallel_loop3A_159 step %parallel_loop3A_160  : i32 {
          %parallel_loop3A_162 = arith.index_cast %parallel_loop3A_161 : i32 to index
          %parallel_loop3A_163 = tpu.vector_load %arg11[%parallel_loop3A_162] {strides = array<i32>} : memref<6272xi32, #tpu.memory_space<vmem>>, vector<16xi32>,
          %parallel_loop3A_164 = arith.index_cast %parallel_loop3A_161 : i32 to index
          %parallel_loop3A_165 = tpu.vector_load %arg13[%parallel_loop3A_164] {strides = array<i32>} : memref<6272xf32, #tpu.memory_space<vmem>>, vector<16xf32>,
          tpu.vector_store_idx %arg16[%parallel_loop3A_163], %parallel_loop3A_165 {add = true} : memref<65536xf32, #tpu.memory_space<vmem>>[vector<16xi32>], vector<16xf32>,
        } {sc.loop_unroll_factor = 8 : i64, sc.parallel_access}
      }
      %scan3A_64 = arith.constant 8 : i32
      "tpu.region"() ({
        %run_scoped3A = tpu.sem_alloc : memref<!tpu.dma_semaphore, #tpu.memory_space<semaphore_mem>>
        %dma_start3A_91 = arith.constant 0 : i32
        %dma_start3A_92 = tpu.memref_slice %arg8[%select_n3A, %select_n3A_28, %dma_start3A_91] : memref<2x4x65536xf32, #tpu.memory_space<hbm>> -> memref<1x1x65536xf32, #tpu.memory_space<hbm>>
        %dma_start3A_93 = tpu.memref_squeeze %dma_start3A_92 : memref<1x1x65536xf32, #tpu.memory_space<hbm>> -> memref<65536xf32, #tpu.memory_space<hbm>>
        %dma_start3A_94 = arith.constant 0 : i32
        %dma_start3A_95 = tpu.memref_slice %arg8[%select_n3A, %select_n3A_28, %dma_start3A_94] : memref<2x4x65536xf32, #tpu.memory_space<hbm>> -> memref<1x1x65536xf32, #tpu.memory_space<hbm>>
        %dma_start3A_96 = tpu.memref_squeeze %dma_start3A_95 : memref<1x1x65536xf32, #tpu.memory_space<hbm>> -> memref<65536xf32, #tpu.memory_space<hbm>>
        tpu.enqueue_dma source(%arg16 : memref<65536xf32, #tpu.memory_space<vmem>>) target(%dma_start3A_96 : memref<65536xf32, #tpu.memory_space<hbm>>) target_semaphore(%run_scoped3A : memref<!tpu.dma_semaphore, #tpu.memory_space<semaphore_mem>>)
        %dma_wait3A_97 = arith.constant 0 : i32
        %dma_wait3A_98 = tpu.memref_slice %arg8[%select_n3A, %select_n3A_28, %dma_wait3A_97] : memref<2x4x65536xf32, #tpu.memory_space<hbm>> -> memref<1x1x65536xf32, #tpu.memory_space<hbm>>
        %dma_wait3A_99 = tpu.memref_squeeze %dma_wait3A_98 : memref<1x1x65536xf32, #tpu.memory_space<hbm>> -> memref<65536xf32, #tpu.memory_space<hbm>>
        %dma_wait3A_100 = arith.constant 0 : i32
        %dma_wait3A_101 = tpu.memref_slice %arg8[%select_n3A, %select_n3A_28, %dma_wait3A_100] : memref<2x4x65536xf32, #tpu.memory_space<hbm>> -> memref<1x1x65536xf32, #tpu.memory_space<hbm>>
        %dma_wait3A_102 = tpu.memref_squeeze %dma_wait3A_101 : memref<1x1x65536xf32, #tpu.memory_space<hbm>> -> memref<65536xf32, #tpu.memory_space<hbm>>
        tpu.wait_dma2 semaphore(%run_scoped3A : memref<!tpu.dma_semaphore, #tpu.memory_space<semaphore_mem>>) src(%arg16 : memref<65536xf32, #tpu.memory_space<vmem>>) dst(%dma_wait3A_102 : memref<65536xf32, #tpu.memory_space<hbm>>)
        tpu.yield
      }) : () -> ()
      %dma_start3A_65 = arith.constant 0 : i32
      %dma_start3A_66 = tpu.memref_slice %arg5[%select_n3A, %dma_start3A_65] : memref<2x100352xi32, #tpu.memory_space<hbm>> -> memref<1x6272xi32, #tpu.memory_space<hbm>>
      %dma_start3A_67 = tpu.memref_squeeze %dma_start3A_66 : memref<1x6272xi32, #tpu.memory_space<hbm>> -> memref<6272xi32, #tpu.memory_space<hbm>>
      %dma_start3A_68 = arith.constant 0 : i32
      %dma_start3A_69 = tpu.memref_slice %arg5[%select_n3A, %dma_start3A_68] : memref<2x100352xi32, #tpu.memory_space<hbm>> -> memref<1x6272xi32, #tpu.memory_space<hbm>>
      %dma_start3A_70 = tpu.memref_squeeze %dma_start3A_69 : memref<1x6272xi32, #tpu.memory_space<hbm>> -> memref<6272xi32, #tpu.memory_space<hbm>>
      tpu.enqueue_dma source(%dma_start3A_70 : memref<6272xi32, #tpu.memory_space<hbm>>) target(%arg10 : memref<6272xi32, #tpu.memory_space<vmem>>) target_semaphore(%arg17 : memref<!tpu.dma_semaphore, #tpu.memory_space<semaphore_mem>>)
      %scan3A_71 = arith.constant 0 : i32
      %scan3A_72 = arith.constant 8 : i32
      %scan3A_73 = arith.addi %scan3A_71, %scan3A_72 : i32
      %scan3A_74 = arith.constant 1 : i32
      scf.for %scan3A_91 = %scan3A_71 to %scan3A_73 step %scan3A_74  : i32 {
        %mul3A_92 = arith.constant 1 : i32
        %mul3A_93 = arith.muli %scan3A_91, %mul3A_92 : i32
        %add3A_94 = arith.constant 0 : i32
        %add3A_95 = arith.addi %add3A_94, %mul3A_93 : i32
        %mul3A_96 = arith.constant 2 : i32
        %mul3A_97 = arith.muli %add3A_95, %mul3A_96 : i32
        %add3A_98 = arith.constant 1 : i32
        %add3A_99 = arith.addi %mul3A_97, %add3A_98 : i32
        %mul3A_100 = arith.constant 6272 : i32
        %mul3A_101 = arith.muli %add3A_99, %mul3A_100 : i32
        %dma_start3A_102 = tpu.memref_slice %arg5[%select_n3A, %mul3A_101] : memref<2x100352xi32, #tpu.memory_space<hbm>> -> memref<1x6272xi32, #tpu.memory_space<hbm>>
        %dma_start3A_103 = tpu.memref_squeeze %dma_start3A_102 : memref<1x6272xi32, #tpu.memory_space<hbm>> -> memref<6272xi32, #tpu.memory_space<hbm>>
        %dma_start3A_104 = tpu.memref_slice %arg5[%select_n3A, %mul3A_101] : memref<2x100352xi32, #tpu.memory_space<hbm>> -> memref<1x6272xi32, #tpu.memory_space<hbm>>
        %dma_start3A_105 = tpu.memref_squeeze %dma_start3A_104 : memref<1x6272xi32, #tpu.memory_space<hbm>> -> memref<6272xi32, #tpu.memory_space<hbm>>
        tpu.enqueue_dma source(%dma_start3A_105 : memref<6272xi32, #tpu.memory_space<hbm>>) target(%arg11 : memref<6272xi32, #tpu.memory_space<vmem>>) target_semaphore(%arg18 : memref<!tpu.dma_semaphore, #tpu.memory_space<semaphore_mem>>)
        %mul3A_106 = arith.constant 6272 : i32
        %mul3A_107 = arith.muli %mul3A_97, %mul3A_106 : i32
        %dma_wait3A_108 = tpu.memref_slice %arg5[%select_n3A, %mul3A_107] : memref<2x100352xi32, #tpu.memory_space<hbm>> -> memref<1x6272xi32, #tpu.memory_space<hbm>>
        %dma_wait3A_109 = tpu.memref_squeeze %dma_wait3A_108 : memref<1x6272xi32, #tpu.memory_space<hbm>> -> memref<6272xi32, #tpu.memory_space<hbm>>
        %dma_wait3A_110 = tpu.memref_slice %arg5[%select_n3A, %mul3A_107] : memref<2x100352xi32, #tpu.memory_space<hbm>> -> memref<1x6272xi32, #tpu.memory_space<hbm>>
        %dma_wait3A_111 = tpu.memref_squeeze %dma_wait3A_110 : memref<1x6272xi32, #tpu.memory_space<hbm>> -> memref<6272xi32, #tpu.memory_space<hbm>>
        tpu.wait_dma2 semaphore(%arg17 : memref<!tpu.dma_semaphore, #tpu.memory_space<semaphore_mem>>) src(%dma_wait3A_111 : memref<6272xi32, #tpu.memory_space<hbm>>) dst(%arg10 : memref<6272xi32, #tpu.memory_space<vmem>>)
        %ge3A = arith.constant 2 : i32
        %ge3A_112 = arith.cmpi sge, %mul3A_97, %ge3A : i32
        %convert_element_type3A_113 = arith.extui %ge3A_112 : i1 to i32
        %cond3A_114 = arith.constant 0 : i32
        %cond3A_115 = arith.cmpi ne, %convert_element_type3A_113, %cond3A_114 : i32
        scf.if %cond3A_115 {
          %sub3A_161 = arith.constant 2 : i32
          %sub3A_162 = arith.subi %mul3A_97, %sub3A_161 : i32
          %mul3A_163 = arith.constant 100352 : i32
          %mul3A_164 = arith.muli %select_n3A, %mul3A_163 : i32
          %mul3A_165 = arith.constant 6272 : i32
          %mul3A_166 = arith.muli %sub3A_162, %mul3A_165 : i32
          %add3A_167 = arith.addi %mul3A_164, %mul3A_166 : i32
          %dma_wait3A_168 = tpu.memref_slice %arg9[%select_n3A_28, %add3A_167] : memref<8x200704xf32, #tpu.memory_space<hbm>> -> memref<1x6272xf32, #tpu.memory_space<hbm>>
          %dma_wait3A_169 = tpu.memref_squeeze %dma_wait3A_168 : memref<1x6272xf32, #tpu.memory_space<hbm>> -> memref<6272xf32, #tpu.memory_space<hbm>>
          %dma_wait3A_170 = tpu.memref_slice %arg9[%select_n3A_28, %add3A_167] : memref<8x200704xf32, #tpu.memory_space<hbm>> -> memref<1x6272xf32, #tpu.memory_space<hbm>>
          %dma_wait3A_171 = tpu.memref_squeeze %dma_wait3A_170 : memref<1x6272xf32, #tpu.memory_space<hbm>> -> memref<6272xf32, #tpu.memory_space<hbm>>
          tpu.wait_dma2 semaphore(%arg21 : memref<!tpu.dma_semaphore, #tpu.memory_space<semaphore_mem>>) src(%arg14 : memref<6272xf32, #tpu.memory_space<vmem>>) dst(%dma_wait3A_171 : memref<6272xf32, #tpu.memory_space<hbm>>)
        } else {
        }
        %parallel_loop3A = arith.constant 0 : i32
        %parallel_loop3A_116 = arith.constant 6272 : i32
        %parallel_loop3A_117 = arith.constant 16 : i32
        scf.for %parallel_loop3A_161 = %parallel_loop3A to %parallel_loop3A_116 step %parallel_loop3A_117  : i32 {
          %parallel_loop3A_162 = arith.index_cast %parallel_loop3A_161 : i32 to index
          %parallel_loop3A_163 = tpu.vector_load %arg10[%parallel_loop3A_162] {strides = array<i32>} : memref<6272xi32, #tpu.memory_space<vmem>>, vector<16xi32>,
          %parallel_loop3A_164 = tpu.vector_load_idx %arg16[%parallel_loop3A_163] : memref<65536xf32, #tpu.memory_space<vmem>>[vector<16xi32>], vector<16xf32>,
          %parallel_loop3A_165 = arith.index_cast %parallel_loop3A_161 : i32 to index
          %parallel_loop3A_166 = tpu.vector_load %arg14[%parallel_loop3A_165] {strides = array<i32>} : memref<6272xf32, #tpu.memory_space<vmem>>, vector<16xf32>,
          tpu.vector_store %arg14[%parallel_loop3A_165], %parallel_loop3A_164 {strides = array<i32>} : memref<6272xf32, #tpu.memory_space<vmem>>, vector<16xf32>,
        } {sc.loop_unroll_factor = 8 : i64, sc.parallel_access}
        %mul3A_118 = arith.constant 100352 : i32
        %mul3A_119 = arith.muli %select_n3A, %mul3A_118 : i32
        %mul3A_120 = arith.constant 6272 : i32
        %mul3A_121 = arith.muli %mul3A_97, %mul3A_120 : i32
        %add3A_122 = arith.addi %mul3A_119, %mul3A_121 : i32
        %dma_start3A_123 = tpu.memref_slice %arg9[%select_n3A_28, %add3A_122] : memref<8x200704xf32, #tpu.memory_space<hbm>> -> memref<1x6272xf32, #tpu.memory_space<hbm>>
        %dma_start3A_124 = tpu.memref_squeeze %dma_start3A_123 : memref<1x6272xf32, #tpu.memory_space<hbm>> -> memref<6272xf32, #tpu.memory_space<hbm>>
        %dma_start3A_125 = tpu.memref_slice %arg9[%select_n3A_28, %add3A_122] : memref<8x200704xf32, #tpu.memory_space<hbm>> -> memref<1x6272xf32, #tpu.memory_space<hbm>>
        %dma_start3A_126 = tpu.memref_squeeze %dma_start3A_125 : memref<1x6272xf32, #tpu.memory_space<hbm>> -> memref<6272xf32, #tpu.memory_space<hbm>>
        tpu.enqueue_dma source(%arg14 : memref<6272xf32, #tpu.memory_space<vmem>>) target(%dma_start3A_126 : memref<6272xf32, #tpu.memory_space<hbm>>) target_semaphore(%arg21 : memref<!tpu.dma_semaphore, #tpu.memory_space<semaphore_mem>>)
        %add3A_127 = arith.constant 1 : i32
        %add3A_128 = arith.addi %add3A_95, %add3A_127 : i32
        %lt3A_129 = arith.constant 8 : i32
        %lt3A_130 = arith.cmpi slt, %add3A_128, %lt3A_129 : i32
        %convert_element_type3A_131 = arith.extui %lt3A_130 : i1 to i32
        %cond3A_132 = arith.constant 0 : i32
        %cond3A_133 = arith.cmpi ne, %convert_element_type3A_131, %cond3A_132 : i32
        scf.if %cond3A_133 {
          %add3A_161 = arith.constant 2 : i32
          %add3A_162 = arith.addi %mul3A_97, %add3A_161 : i32
          %mul3A_163 = arith.constant 6272 : i32
          %mul3A_164 = arith.muli %add3A_162, %mul3A_163 : i32
          %dma_start3A_165 = tpu.memref_slice %arg5[%select_n3A, %mul3A_164] : memref<2x100352xi32, #tpu.memory_space<hbm>> -> memref<1x6272xi32, #tpu.memory_space<hbm>>
          %dma_start3A_166 = tpu.memref_squeeze %dma_start3A_165 : memref<1x6272xi32, #tpu.memory_space<hbm>> -> memref<6272xi32, #tpu.memory_space<hbm>>
          %dma_start3A_167 = tpu.memref_slice %arg5[%select_n3A, %mul3A_164] : memref<2x100352xi32, #tpu.memory_space<hbm>> -> memref<1x6272xi32, #tpu.memory_space<hbm>>
          %dma_start3A_168 = tpu.memref_squeeze %dma_start3A_167 : memref<1x6272xi32, #tpu.memory_space<hbm>> -> memref<6272xi32, #tpu.memory_space<hbm>>
          tpu.enqueue_dma source(%dma_start3A_168 : memref<6272xi32, #tpu.memory_space<hbm>>) target(%arg10 : memref<6272xi32, #tpu.memory_space<vmem>>) target_semaphore(%arg17 : memref<!tpu.dma_semaphore, #tpu.memory_space<semaphore_mem>>)
        } else {
        }
        %add3A_134 = arith.constant 1 : i32
        %add3A_135 = arith.addi %mul3A_97, %add3A_134 : i32
        %mul3A_136 = arith.constant 6272 : i32
        %mul3A_137 = arith.muli %add3A_135, %mul3A_136 : i32
        %dma_wait3A_138 = tpu.memref_slice %arg5[%select_n3A, %mul3A_137] : memref<2x100352xi32, #tpu.memory_space<hbm>> -> memref<1x6272xi32, #tpu.memory_space<hbm>>
        %dma_wait3A_139 = tpu.memref_squeeze %dma_wait3A_138 : memref<1x6272xi32, #tpu.memory_space<hbm>> -> memref<6272xi32, #tpu.memory_space<hbm>>
        %dma_wait3A_140 = tpu.memref_slice %arg5[%select_n3A, %mul3A_137] : memref<2x100352xi32, #tpu.memory_space<hbm>> -> memref<1x6272xi32, #tpu.memory_space<hbm>>
        %dma_wait3A_141 = tpu.memref_squeeze %dma_wait3A_140 : memref<1x6272xi32, #tpu.memory_space<hbm>> -> memref<6272xi32, #tpu.memory_space<hbm>>
        tpu.wait_dma2 semaphore(%arg18 : memref<!tpu.dma_semaphore, #tpu.memory_space<semaphore_mem>>) src(%dma_wait3A_141 : memref<6272xi32, #tpu.memory_space<hbm>>) dst(%arg11 : memref<6272xi32, #tpu.memory_space<vmem>>)
        %add3A_142 = arith.constant 1 : i32
        %add3A_143 = arith.addi %mul3A_97, %add3A_142 : i32
        %ge3A_144 = arith.constant 2 : i32
        %ge3A_145 = arith.cmpi sge, %add3A_143, %ge3A_144 : i32
        %convert_element_type3A_146 = arith.extui %ge3A_145 : i1 to i32
        %cond3A_147 = arith.constant 0 : i32
        %cond3A_148 = arith.cmpi ne, %convert_element_type3A_146, %cond3A_147 : i32
        scf.if %cond3A_148 {
          %sub3A_161 = arith.constant 2 : i32
          %sub3A_162 = arith.subi %add3A_143, %sub3A_161 : i32
          %mul3A_163 = arith.constant 100352 : i32
          %mul3A_164 = arith.muli %select_n3A, %mul3A_163 : i32
          %mul3A_165 = arith.constant 6272 : i32
          %mul3A_166 = arith.muli %sub3A_162, %mul3A_165 : i32
          %add3A_167 = arith.addi %mul3A_164, %mul3A_166 : i32
          %dma_wait3A_168 = tpu.memref_slice %arg9[%select_n3A_28, %add3A_167] : memref<8x200704xf32, #tpu.memory_space<hbm>> -> memref<1x6272xf32, #tpu.memory_space<hbm>>
          %dma_wait3A_169 = tpu.memref_squeeze %dma_wait3A_168 : memref<1x6272xf32, #tpu.memory_space<hbm>> -> memref<6272xf32, #tpu.memory_space<hbm>>
          %dma_wait3A_170 = tpu.memref_slice %arg9[%select_n3A_28, %add3A_167] : memref<8x200704xf32, #tpu.memory_space<hbm>> -> memref<1x6272xf32, #tpu.memory_space<hbm>>
          %dma_wait3A_171 = tpu.memref_squeeze %dma_wait3A_170 : memref<1x6272xf32, #tpu.memory_space<hbm>> -> memref<6272xf32, #tpu.memory_space<hbm>>
          tpu.wait_dma2 semaphore(%arg22 : memref<!tpu.dma_semaphore, #tpu.memory_space<semaphore_mem>>) src(%arg15 : memref<6272xf32, #tpu.memory_space<vmem>>) dst(%dma_wait3A_171 : memref<6272xf32, #tpu.memory_space<hbm>>)
        } else {
        }
        %parallel_loop3A_149 = arith.constant 0 : i32
        %parallel_loop3A_150 = arith.constant 6272 : i32
        %parallel_loop3A_151 = arith.constant 16 : i32
        scf.for %parallel_loop3A_161 = %parallel_loop3A_149 to %parallel_loop3A_150 step %parallel_loop3A_151  : i32 {
          %parallel_loop3A_162 = arith.index_cast %parallel_loop3A_161 : i32 to index
          %parallel_loop3A_163 = tpu.vector_load %arg11[%parallel_loop3A_162] {strides = array<i32>} : memref<6272xi32, #tpu.memory_space<vmem>>, vector<16xi32>,
          %parallel_loop3A_164 = tpu.vector_load_idx %arg16[%parallel_loop3A_163] : memref<65536xf32, #tpu.memory_space<vmem>>[vector<16xi32>], vector<16xf32>,
          %parallel_loop3A_165 = arith.index_cast %parallel_loop3A_161 : i32 to index
          %parallel_loop3A_166 = tpu.vector_load %arg15[%parallel_loop3A_165] {strides = array<i32>} : memref<6272xf32, #tpu.memory_space<vmem>>, vector<16xf32>,
          tpu.vector_store %arg15[%parallel_loop3A_165], %parallel_loop3A_164 {strides = array<i32>} : memref<6272xf32, #tpu.memory_space<vmem>>, vector<16xf32>,
        } {sc.loop_unroll_factor = 8 : i64, sc.parallel_access}
        %mul3A_152 = arith.constant 100352 : i32
        %mul3A_153 = arith.muli %select_n3A, %mul3A_152 : i32
        %mul3A_154 = arith.constant 6272 : i32
        %mul3A_155 = arith.muli %add3A_143, %mul3A_154 : i32
        %add3A_156 = arith.addi %mul3A_153, %mul3A_155 : i32
        %dma_start3A_157 = tpu.memref_slice %arg9[%select_n3A_28, %add3A_156] : memref<8x200704xf32, #tpu.memory_space<hbm>> -> memref<1x6272xf32, #tpu.memory_space<hbm>>
        %dma_start3A_158 = tpu.memref_squeeze %dma_start3A_157 : memref<1x6272xf32, #tpu.memory_space<hbm>> -> memref<6272xf32, #tpu.memory_space<hbm>>
        %dma_start3A_159 = tpu.memref_slice %arg9[%select_n3A_28, %add3A_156] : memref<8x200704xf32, #tpu.memory_space<hbm>> -> memref<1x6272xf32, #tpu.memory_space<hbm>>
        %dma_start3A_160 = tpu.memref_squeeze %dma_start3A_159 : memref<1x6272xf32, #tpu.memory_space<hbm>> -> memref<6272xf32, #tpu.memory_space<hbm>>
        tpu.enqueue_dma source(%arg15 : memref<6272xf32, #tpu.memory_space<vmem>>) target(%dma_start3A_160 : memref<6272xf32, #tpu.memory_space<hbm>>) target_semaphore(%arg22 : memref<!tpu.dma_semaphore, #tpu.memory_space<semaphore_mem>>)
      }
      %scan3A_75 = arith.constant 8 : i32
      %mul3A_76 = arith.constant 100352 : i32
      %mul3A_77 = arith.muli %select_n3A, %mul3A_76 : i32
      %add3A_78 = arith.constant 87808 : i32
      %add3A_79 = arith.addi %mul3A_77, %add3A_78 : i32
      %dma_wait3A = tpu.memref_slice %arg9[%select_n3A_28, %add3A_79] : memref<8x200704xf32, #tpu.memory_space<hbm>> -> memref<1x6272xf32, #tpu.memory_space<hbm>>
      %dma_wait3A_80 = tpu.memref_squeeze %dma_wait3A : memref<1x6272xf32, #tpu.memory_space<hbm>> -> memref<6272xf32, #tpu.memory_space<hbm>>
      %dma_wait3A_81 = tpu.memref_slice %arg9[%select_n3A_28, %add3A_79] : memref<8x200704xf32, #tpu.memory_space<hbm>> -> memref<1x6272xf32, #tpu.memory_space<hbm>>
      %dma_wait3A_82 = tpu.memref_squeeze %dma_wait3A_81 : memref<1x6272xf32, #tpu.memory_space<hbm>> -> memref<6272xf32, #tpu.memory_space<hbm>>
      tpu.wait_dma2 semaphore(%arg21 : memref<!tpu.dma_semaphore, #tpu.memory_space<semaphore_mem>>) src(%arg14 : memref<6272xf32, #tpu.memory_space<vmem>>) dst(%dma_wait3A_82 : memref<6272xf32, #tpu.memory_space<hbm>>)
      %mul3A_83 = arith.constant 100352 : i32
      %mul3A_84 = arith.muli %select_n3A, %mul3A_83 : i32
      %add3A_85 = arith.constant 94080 : i32
      %add3A_86 = arith.addi %mul3A_84, %add3A_85 : i32
      %dma_wait3A_87 = tpu.memref_slice %arg9[%select_n3A_28, %add3A_86] : memref<8x200704xf32, #tpu.memory_space<hbm>> -> memref<1x6272xf32, #tpu.memory_space<hbm>>
      %dma_wait3A_88 = tpu.memref_squeeze %dma_wait3A_87 : memref<1x6272xf32, #tpu.memory_space<hbm>> -> memref<6272xf32, #tpu.memory_space<hbm>>
      %dma_wait3A_89 = tpu.memref_slice %arg9[%select_n3A_28, %add3A_86] : memref<8x200704xf32, #tpu.memory_space<hbm>> -> memref<1x6272xf32, #tpu.memory_space<hbm>>
      %dma_wait3A_90 = tpu.memref_squeeze %dma_wait3A_89 : memref<1x6272xf32, #tpu.memory_space<hbm>> -> memref<6272xf32, #tpu.memory_space<hbm>>
      tpu.wait_dma2 semaphore(%arg22 : memref<!tpu.dma_semaphore, #tpu.memory_space<semaphore_mem>>) src(%arg15 : memref<6272xf32, #tpu.memory_space<vmem>>) dst(%dma_wait3A_90 : memref<6272xf32, #tpu.memory_space<hbm>>)
    } else {
    }
    return
  }
}

#map = affine_map<(d0, d1) -> (0, 0)>
#map1 = affine_map<(d0, d1) -> (0, 0, 0)>
module attributes {stable_mosaic.version = 14 : i64} {
  func.func @fsum_k(%arg0: i32, %arg1: i32, %arg2: memref<64x200704xf32, #tpu.memory_space<hbm>>, %arg3: memref<64x200704xf32, #tpu.memory_space<hbm>>, %arg4: memref<2x100352xi32, #tpu.memory_space<hbm>>, %arg5: memref<2x100352xi32, #tpu.memory_space<hbm>>, %arg6: memref<2x64x65536xf32, #tpu.memory_space<hbm>>, %arg7: memref<2x64x65536xf32, #tpu.memory_space<hbm>>, %arg8: memref<6272xi32, #tpu.memory_space<vmem>>, %arg9: memref<6272xi32, #tpu.memory_space<vmem>>, %arg10: memref<6272xf32, #tpu.memory_space<vmem>>, %arg11: memref<6272xf32, #tpu.memory_space<vmem>>, %arg12: memref<65536xf32, #tpu.memory_space<vmem>>, %arg13: memref<!tpu.dma_semaphore, #tpu.memory_space<semaphore_mem>>, %arg14: memref<!tpu.dma_semaphore, #tpu.memory_space<semaphore_mem>>, %arg15: memref<!tpu.dma_semaphore, #tpu.memory_space<semaphore_mem>>, %arg16: memref<!tpu.dma_semaphore, #tpu.memory_space<semaphore_mem>>) attributes {dimension_semantics = [#tpu.dimension_semantics<core_parallel>, #tpu.dimension_semantics<subcore_parallel>], iteration_bounds = array<i64: 2, 16>, scalar_prefetch = 0 : i64, scratch_operands = 9 : i64, tpu.core_type = #tpu.core_type<sc_vector_subcore>, window_params = [{transform_indices = #map}, {transform_indices = #map}, {transform_indices = #map}, {transform_indices = #map}, {transform_indices = #map1}, {transform_indices = #map1}]} {
    %jit3A = arith.constant 8 : i32
    %div3A = arith.divsi %arg1, %jit3A : i32
    %sign3A = arith.constant 0 : i32
    %sign3A_0 = arith.cmpi sgt, %arg1, %sign3A : i32
    %sign3A_1 = arith.extui %sign3A_0 : i1 to i32
    %sign3A_2 = arith.constant 0 : i32
    %sign3A_3 = arith.cmpi slt, %arg1, %sign3A_2 : i32
    %sign3A_4 = arith.extui %sign3A_3 : i1 to i32
    %sign3A_5 = arith.subi %sign3A_1, %sign3A_4 : i32
    %sign3A_6 = arith.constant 0 : i32
    %sign3A_7 = arith.cmpi sgt, %jit3A, %sign3A_6 : i32
    %sign3A_8 = arith.extui %sign3A_7 : i1 to i32
    %sign3A_9 = arith.constant 0 : i32
    %sign3A_10 = arith.cmpi slt, %jit3A, %sign3A_9 : i32
    %sign3A_11 = arith.extui %sign3A_10 : i1 to i32
    %sign3A_12 = arith.subi %sign3A_8, %sign3A_11 : i32
    %ne3A = arith.cmpi ne, %sign3A_5, %sign3A_12 : i32
    %rem3A = arith.remsi %arg1, %jit3A : i32
    %ne3A_13 = arith.constant 0 : i32
    %ne3A_14 = arith.cmpi ne, %rem3A, %ne3A_13 : i32
    %and3A = arith.andi %ne3A, %ne3A_14 : i1
    %sub3A = arith.constant 1 : i32
    %sub3A_15 = arith.subi %div3A, %sub3A : i32
    %select_n3A = arith.select %and3A, %sub3A_15, %div3A : i32
    %jit3A_16 = arith.constant 8 : i32
    %eq3A = arith.constant 0 : i32
    %eq3A_17 = arith.cmpi eq, %jit3A_16, %eq3A : i32
    %jit3A_18 = arith.constant 1 : i32
    %select_n3A_19 = arith.select %eq3A_17, %jit3A_18, %jit3A_16 : i32
    %rem3A_20 = arith.remsi %arg1, %select_n3A_19 : i32
    %ne3A_21 = arith.constant 0 : i32
    %ne3A_22 = arith.cmpi ne, %rem3A_20, %ne3A_21 : i32
    %lt3A = arith.constant 0 : i32
    %lt3A_23 = arith.cmpi slt, %rem3A_20, %lt3A : i32
    %lt3A_24 = arith.constant 0 : i32
    %lt3A_25 = arith.cmpi slt, %select_n3A_19, %lt3A_24 : i32
    %ne3A_26 = arith.xori %lt3A_23, %lt3A_25 : i1
    %and3A_27 = arith.andi %ne3A_26, %ne3A_22 : i1
    %add3A = arith.addi %rem3A_20, %select_n3A_19 : i32
    %select_n3A_28 = arith.select %and3A_27, %add3A, %rem3A_20 : i32
    %eq3A_29 = arith.constant 0 : i32
    %eq3A_30 = arith.cmpi eq, %arg0, %eq3A_29 : i32
    %convert_element_type3A = arith.extui %eq3A_30 : i1 to i32
    %cond3A = arith.constant 0 : i32
    %cond3A_31 = arith.cmpi ne, %convert_element_type3A, %cond3A : i32
    scf.if %cond3A_31 {
      %scan3A = arith.constant 0 : i32
      %scan3A_37 = arith.constant 8 : i32
      %scan3A_38 = arith.addi %scan3A, %scan3A_37 : i32
      %scan3A_39 = arith.constant 1 : i32
      scf.for %scan3A_41 = %scan3A to %scan3A_38 step %scan3A_39  : i32 {
        %mul3A = arith.constant 1 : i32
        %mul3A_42 = arith.muli %scan3A_41, %mul3A : i32
        %add3A_43 = arith.constant 0 : i32
        %add3A_44 = arith.addi %add3A_43, %mul3A_42 : i32
        %mul3A_45 = arith.constant 8 : i32
        %mul3A_46 = arith.muli %add3A_44, %mul3A_45 : i32
        %add3A_47 = arith.addi %mul3A_46, %select_n3A_28 : i32
        %broadcast_in_dim3A = arith.constant 0.000000e+00 : f32
        %broadcast_in_dim3A_48 = vector.broadcast %broadcast_in_dim3A : f32 to vector<16xf32>
        %scan3A_49 = arith.constant 0 : i32
        %scan3A_50 = arith.constant 512 : i32
        %scan3A_51 = arith.addi %scan3A_49, %scan3A_50 : i32
        %scan3A_52 = arith.constant 1 : i32
        scf.for %scan3A_72 = %scan3A_49 to %scan3A_51 step %scan3A_52  : i32 {
          %mul3A_73 = arith.constant 1 : i32
          %mul3A_74 = arith.muli %scan3A_72, %mul3A_73 : i32
          %add3A_75 = arith.constant 0 : i32
          %add3A_76 = arith.addi %add3A_75, %mul3A_74 : i32
          %mul3A_77 = arith.constant 128 : i32
          %mul3A_78 = arith.muli %add3A_76, %mul3A_77 : i32
          %add3A_79 = arith.constant 0 : i32
          %add3A_80 = arith.addi %mul3A_78, %add3A_79 : i32
          %swap3A = arith.index_cast %add3A_80 : i32 to index
          %swap3A_81 = tpu.vector_load %arg12[%swap3A] {strides = array<i32>} : memref<65536xf32, #tpu.memory_space<vmem>>, vector<16xf32>,
          tpu.vector_store %arg12[%swap3A], %broadcast_in_dim3A_48 {strides = array<i32>} : memref<65536xf32, #tpu.memory_space<vmem>>, vector<16xf32>,
          %mul3A_82 = arith.constant 128 : i32
          %mul3A_83 = arith.muli %add3A_76, %mul3A_82 : i32
          %add3A_84 = arith.constant 16 : i32
          %add3A_85 = arith.addi %mul3A_83, %add3A_84 : i32
          %swap3A_86 = arith.index_cast %add3A_85 : i32 to index
          %swap3A_87 = tpu.vector_load %arg12[%swap3A_86] {strides = array<i32>} : memref<65536xf32, #tpu.memory_space<vmem>>, vector<16xf32>,
          tpu.vector_store %arg12[%swap3A_86], %broadcast_in_dim3A_48 {strides = array<i32>} : memref<65536xf32, #tpu.memory_space<vmem>>, vector<16xf32>,
          %mul3A_88 = arith.constant 128 : i32
          %mul3A_89 = arith.muli %add3A_76, %mul3A_88 : i32
          %add3A_90 = arith.constant 32 : i32
          %add3A_91 = arith.addi %mul3A_89, %add3A_90 : i32
          %swap3A_92 = arith.index_cast %add3A_91 : i32 to index
          %swap3A_93 = tpu.vector_load %arg12[%swap3A_92] {strides = array<i32>} : memref<65536xf32, #tpu.memory_space<vmem>>, vector<16xf32>,
          tpu.vector_store %arg12[%swap3A_92], %broadcast_in_dim3A_48 {strides = array<i32>} : memref<65536xf32, #tpu.memory_space<vmem>>, vector<16xf32>,
          %mul3A_94 = arith.constant 128 : i32
          %mul3A_95 = arith.muli %add3A_76, %mul3A_94 : i32
          %add3A_96 = arith.constant 48 : i32
          %add3A_97 = arith.addi %mul3A_95, %add3A_96 : i32
          %swap3A_98 = arith.index_cast %add3A_97 : i32 to index
          %swap3A_99 = tpu.vector_load %arg12[%swap3A_98] {strides = array<i32>} : memref<65536xf32, #tpu.memory_space<vmem>>, vector<16xf32>,
          tpu.vector_store %arg12[%swap3A_98], %broadcast_in_dim3A_48 {strides = array<i32>} : memref<65536xf32, #tpu.memory_space<vmem>>, vector<16xf32>,
          %mul3A_100 = arith.constant 128 : i32
          %mul3A_101 = arith.muli %add3A_76, %mul3A_100 : i32
          %add3A_102 = arith.constant 64 : i32
          %add3A_103 = arith.addi %mul3A_101, %add3A_102 : i32
          %swap3A_104 = arith.index_cast %add3A_103 : i32 to index
          %swap3A_105 = tpu.vector_load %arg12[%swap3A_104] {strides = array<i32>} : memref<65536xf32, #tpu.memory_space<vmem>>, vector<16xf32>,
          tpu.vector_store %arg12[%swap3A_104], %broadcast_in_dim3A_48 {strides = array<i32>} : memref<65536xf32, #tpu.memory_space<vmem>>, vector<16xf32>,
          %mul3A_106 = arith.constant 128 : i32
          %mul3A_107 = arith.muli %add3A_76, %mul3A_106 : i32
          %add3A_108 = arith.constant 80 : i32
          %add3A_109 = arith.addi %mul3A_107, %add3A_108 : i32
          %swap3A_110 = arith.index_cast %add3A_109 : i32 to index
          %swap3A_111 = tpu.vector_load %arg12[%swap3A_110] {strides = array<i32>} : memref<65536xf32, #tpu.memory_space<vmem>>, vector<16xf32>,
          tpu.vector_store %arg12[%swap3A_110], %broadcast_in_dim3A_48 {strides = array<i32>} : memref<65536xf32, #tpu.memory_space<vmem>>, vector<16xf32>,
          %mul3A_112 = arith.constant 128 : i32
          %mul3A_113 = arith.muli %add3A_76, %mul3A_112 : i32
          %add3A_114 = arith.constant 96 : i32
          %add3A_115 = arith.addi %mul3A_113, %add3A_114 : i32
          %swap3A_116 = arith.index_cast %add3A_115 : i32 to index
          %swap3A_117 = tpu.vector_load %arg12[%swap3A_116] {strides = array<i32>} : memref<65536xf32, #tpu.memory_space<vmem>>, vector<16xf32>,
          tpu.vector_store %arg12[%swap3A_116], %broadcast_in_dim3A_48 {strides = array<i32>} : memref<65536xf32, #tpu.memory_space<vmem>>, vector<16xf32>,
          %mul3A_118 = arith.constant 128 : i32
          %mul3A_119 = arith.muli %add3A_76, %mul3A_118 : i32
          %add3A_120 = arith.constant 112 : i32
          %add3A_121 = arith.addi %mul3A_119, %add3A_120 : i32
          %swap3A_122 = arith.index_cast %add3A_121 : i32 to index
          %swap3A_123 = tpu.vector_load %arg12[%swap3A_122] {strides = array<i32>} : memref<65536xf32, #tpu.memory_space<vmem>>, vector<16xf32>,
          tpu.vector_store %arg12[%swap3A_122], %broadcast_in_dim3A_48 {strides = array<i32>} : memref<65536xf32, #tpu.memory_space<vmem>>, vector<16xf32>,
        }
        %scan3A_53 = arith.constant 512 : i32
        %dma_start3A = arith.constant 0 : i32
        %dma_start3A_54 = tpu.memref_slice %arg4[%select_n3A, %dma_start3A] : memref<2x100352xi32, #tpu.memory_space<hbm>> -> memref<1x6272xi32, #tpu.memory_space<hbm>>
        %dma_start3A_55 = tpu.memref_squeeze %dma_start3A_54 : memref<1x6272xi32, #tpu.memory_space<hbm>> -> memref<6272xi32, #tpu.memory_space<hbm>>
        %dma_start3A_56 = arith.constant 0 : i32
        %dma_start3A_57 = tpu.memref_slice %arg4[%select_n3A, %dma_start3A_56] : memref<2x100352xi32, #tpu.memory_space<hbm>> -> memref<1x6272xi32, #tpu.memory_space<hbm>>
        %dma_start3A_58 = tpu.memref_squeeze %dma_start3A_57 : memref<1x6272xi32, #tpu.memory_space<hbm>> -> memref<6272xi32, #tpu.memory_space<hbm>>
        tpu.enqueue_dma source(%dma_start3A_58 : memref<6272xi32, #tpu.memory_space<hbm>>) target(%arg8 : memref<6272xi32, #tpu.memory_space<vmem>>) target_semaphore(%arg13 : memref<!tpu.dma_semaphore, #tpu.memory_space<semaphore_mem>>)
        %mul3A_59 = arith.constant 100352 : i32
        %mul3A_60 = arith.muli %select_n3A, %mul3A_59 : i32
        %add3A_61 = arith.constant 0 : i32
        %add3A_62 = arith.addi %mul3A_60, %add3A_61 : i32
        %dma_start3A_63 = tpu.memref_slice %arg2[%add3A_47, %add3A_62] : memref<64x200704xf32, #tpu.memory_space<hbm>> -> memref<1x6272xf32, #tpu.memory_space<hbm>>
        %dma_start3A_64 = tpu.memref_squeeze %dma_start3A_63 : memref<1x6272xf32, #tpu.memory_space<hbm>> -> memref<6272xf32, #tpu.memory_space<hbm>>
        %dma_start3A_65 = tpu.memref_slice %arg2[%add3A_47, %add3A_62] : memref<64x200704xf32, #tpu.memory_space<hbm>> -> memref<1x6272xf32, #tpu.memory_space<hbm>>
        %dma_start3A_66 = tpu.memref_squeeze %dma_start3A_65 : memref<1x6272xf32, #tpu.memory_space<hbm>> -> memref<6272xf32, #tpu.memory_space<hbm>>
        tpu.enqueue_dma source(%dma_start3A_66 : memref<6272xf32, #tpu.memory_space<hbm>>) target(%arg10 : memref<6272xf32, #tpu.memory_space<vmem>>) target_semaphore(%arg15 : memref<!tpu.dma_semaphore, #tpu.memory_space<semaphore_mem>>)
        %scan3A_67 = arith.constant 0 : i32
        %scan3A_68 = arith.constant 8 : i32
        %scan3A_69 = arith.addi %scan3A_67, %scan3A_68 : i32
        %scan3A_70 = arith.constant 1 : i32
        scf.for %scan3A_72 = %scan3A_67 to %scan3A_69 step %scan3A_70  : i32 {
          %mul3A_73 = arith.constant 1 : i32
          %mul3A_74 = arith.muli %scan3A_72, %mul3A_73 : i32
          %add3A_75 = arith.constant 0 : i32
          %add3A_76 = arith.addi %add3A_75, %mul3A_74 : i32
          %mul3A_77 = arith.constant 2 : i32
          %mul3A_78 = arith.muli %add3A_76, %mul3A_77 : i32
          %add3A_79 = arith.constant 1 : i32
          %add3A_80 = arith.addi %mul3A_78, %add3A_79 : i32
          %mul3A_81 = arith.constant 6272 : i32
          %mul3A_82 = arith.muli %add3A_80, %mul3A_81 : i32
          %dma_start3A_83 = tpu.memref_slice %arg4[%select_n3A, %mul3A_82] : memref<2x100352xi32, #tpu.memory_space<hbm>> -> memref<1x6272xi32, #tpu.memory_space<hbm>>
          %dma_start3A_84 = tpu.memref_squeeze %dma_start3A_83 : memref<1x6272xi32, #tpu.memory_space<hbm>> -> memref<6272xi32, #tpu.memory_space<hbm>>
          %dma_start3A_85 = tpu.memref_slice %arg4[%select_n3A, %mul3A_82] : memref<2x100352xi32, #tpu.memory_space<hbm>> -> memref<1x6272xi32, #tpu.memory_space<hbm>>
          %dma_start3A_86 = tpu.memref_squeeze %dma_start3A_85 : memref<1x6272xi32, #tpu.memory_space<hbm>> -> memref<6272xi32, #tpu.memory_space<hbm>>
          tpu.enqueue_dma source(%dma_start3A_86 : memref<6272xi32, #tpu.memory_space<hbm>>) target(%arg9 : memref<6272xi32, #tpu.memory_space<vmem>>) target_semaphore(%arg14 : memref<!tpu.dma_semaphore, #tpu.memory_space<semaphore_mem>>)
          %mul3A_87 = arith.constant 100352 : i32
          %mul3A_88 = arith.muli %select_n3A, %mul3A_87 : i32
          %mul3A_89 = arith.constant 6272 : i32
          %mul3A_90 = arith.muli %add3A_80, %mul3A_89 : i32
          %add3A_91 = arith.addi %mul3A_88, %mul3A_90 : i32
          %dma_start3A_92 = tpu.memref_slice %arg2[%add3A_47, %add3A_91] : memref<64x200704xf32, #tpu.memory_space<hbm>> -> memref<1x6272xf32, #tpu.memory_space<hbm>>
          %dma_start3A_93 = tpu.memref_squeeze %dma_start3A_92 : memref<1x6272xf32, #tpu.memory_space<hbm>> -> memref<6272xf32, #tpu.memory_space<hbm>>
          %dma_start3A_94 = tpu.memref_slice %arg2[%add3A_47, %add3A_91] : memref<64x200704xf32, #tpu.memory_space<hbm>> -> memref<1x6272xf32, #tpu.memory_space<hbm>>
          %dma_start3A_95 = tpu.memref_squeeze %dma_start3A_94 : memref<1x6272xf32, #tpu.memory_space<hbm>> -> memref<6272xf32, #tpu.memory_space<hbm>>
          tpu.enqueue_dma source(%dma_start3A_95 : memref<6272xf32, #tpu.memory_space<hbm>>) target(%arg11 : memref<6272xf32, #tpu.memory_space<vmem>>) target_semaphore(%arg16 : memref<!tpu.dma_semaphore, #tpu.memory_space<semaphore_mem>>)
          %mul3A_96 = arith.constant 6272 : i32
          %mul3A_97 = arith.muli %mul3A_78, %mul3A_96 : i32
          %dma_wait3A = tpu.memref_slice %arg4[%select_n3A, %mul3A_97] : memref<2x100352xi32, #tpu.memory_space<hbm>> -> memref<1x6272xi32, #tpu.memory_space<hbm>>
          %dma_wait3A_98 = tpu.memref_squeeze %dma_wait3A : memref<1x6272xi32, #tpu.memory_space<hbm>> -> memref<6272xi32, #tpu.memory_space<hbm>>
          %dma_wait3A_99 = tpu.memref_slice %arg4[%select_n3A, %mul3A_97] : memref<2x100352xi32, #tpu.memory_space<hbm>> -> memref<1x6272xi32, #tpu.memory_space<hbm>>
          %dma_wait3A_100 = tpu.memref_squeeze %dma_wait3A_99 : memref<1x6272xi32, #tpu.memory_space<hbm>> -> memref<6272xi32, #tpu.memory_space<hbm>>
          tpu.wait_dma2 semaphore(%arg13 : memref<!tpu.dma_semaphore, #tpu.memory_space<semaphore_mem>>) src(%dma_wait3A_100 : memref<6272xi32, #tpu.memory_space<hbm>>) dst(%arg8 : memref<6272xi32, #tpu.memory_space<vmem>>)
          %mul3A_101 = arith.constant 100352 : i32
          %mul3A_102 = arith.muli %select_n3A, %mul3A_101 : i32
          %mul3A_103 = arith.constant 6272 : i32
          %mul3A_104 = arith.muli %mul3A_78, %mul3A_103 : i32
          %add3A_105 = arith.addi %mul3A_102, %mul3A_104 : i32
          %dma_wait3A_106 = tpu.memref_slice %arg2[%add3A_47, %add3A_105] : memref<64x200704xf32, #tpu.memory_space<hbm>> -> memref<1x6272xf32, #tpu.memory_space<hbm>>
          %dma_wait3A_107 = tpu.memref_squeeze %dma_wait3A_106 : memref<1x6272xf32, #tpu.memory_space<hbm>> -> memref<6272xf32, #tpu.memory_space<hbm>>
          %dma_wait3A_108 = tpu.memref_slice %arg2[%add3A_47, %add3A_105] : memref<64x200704xf32, #tpu.memory_space<hbm>> -> memref<1x6272xf32, #tpu.memory_space<hbm>>
          %dma_wait3A_109 = tpu.memref_squeeze %dma_wait3A_108 : memref<1x6272xf32, #tpu.memory_space<hbm>> -> memref<6272xf32, #tpu.memory_space<hbm>>
          tpu.wait_dma2 semaphore(%arg15 : memref<!tpu.dma_semaphore, #tpu.memory_space<semaphore_mem>>) src(%dma_wait3A_109 : memref<6272xf32, #tpu.memory_space<hbm>>) dst(%arg10 : memref<6272xf32, #tpu.memory_space<vmem>>)
          %parallel_loop3A = arith.constant 0 : i32
          %parallel_loop3A_110 = arith.constant 6272 : i32
          %parallel_loop3A_111 = arith.constant 16 : i32
          scf.for %parallel_loop3A_141 = %parallel_loop3A to %parallel_loop3A_110 step %parallel_loop3A_111  : i32 {
            %parallel_loop3A_142 = arith.index_cast %parallel_loop3A_141 : i32 to index
            %parallel_loop3A_143 = tpu.vector_load %arg8[%parallel_loop3A_142] {strides = array<i32>} : memref<6272xi32, #tpu.memory_space<vmem>>, vector<16xi32>,
            %parallel_loop3A_144 = arith.index_cast %parallel_loop3A_141 : i32 to index
            %parallel_loop3A_145 = tpu.vector_load %arg10[%parallel_loop3A_144] {strides = array<i32>} : memref<6272xf32, #tpu.memory_space<vmem>>, vector<16xf32>,
            tpu.vector_store_idx %arg12[%parallel_loop3A_143], %parallel_loop3A_145 {add = true} : memref<65536xf32, #tpu.memory_space<vmem>>[vector<16xi32>], vector<16xf32>,
          } {sc.loop_unroll_factor = 8 : i64, sc.parallel_access}
          %add3A_112 = arith.constant 1 : i32
          %add3A_113 = arith.addi %add3A_76, %add3A_112 : i32
          %lt3A_114 = arith.constant 8 : i32
          %lt3A_115 = arith.cmpi slt, %add3A_113, %lt3A_114 : i32
          %convert_element_type3A_116 = arith.extui %lt3A_115 : i1 to i32
          %cond3A_117 = arith.constant 0 : i32
          %cond3A_118 = arith.cmpi ne, %convert_element_type3A_116, %cond3A_117 : i32
          scf.if %cond3A_118 {
            %add3A_141 = arith.constant 2 : i32
            %add3A_142 = arith.addi %mul3A_78, %add3A_141 : i32
            %mul3A_143 = arith.constant 6272 : i32
            %mul3A_144 = arith.muli %add3A_142, %mul3A_143 : i32
            %dma_start3A_145 = tpu.memref_slice %arg4[%select_n3A, %mul3A_144] : memref<2x100352xi32, #tpu.memory_space<hbm>> -> memref<1x6272xi32, #tpu.memory_space<hbm>>
            %dma_start3A_146 = tpu.memref_squeeze %dma_start3A_145 : memref<1x6272xi32, #tpu.memory_space<hbm>> -> memref<6272xi32, #tpu.memory_space<hbm>>
            %dma_start3A_147 = tpu.memref_slice %arg4[%select_n3A, %mul3A_144] : memref<2x100352xi32, #tpu.memory_space<hbm>> -> memref<1x6272xi32, #tpu.memory_space<hbm>>
            %dma_start3A_148 = tpu.memref_squeeze %dma_start3A_147 : memref<1x6272xi32, #tpu.memory_space<hbm>> -> memref<6272xi32, #tpu.memory_space<hbm>>
            tpu.enqueue_dma source(%dma_start3A_148 : memref<6272xi32, #tpu.memory_space<hbm>>) target(%arg8 : memref<6272xi32, #tpu.memory_space<vmem>>) target_semaphore(%arg13 : memref<!tpu.dma_semaphore, #tpu.memory_space<semaphore_mem>>)
            %mul3A_149 = arith.constant 100352 : i32
            %mul3A_150 = arith.muli %select_n3A, %mul3A_149 : i32
            %mul3A_151 = arith.constant 6272 : i32
            %mul3A_152 = arith.muli %add3A_142, %mul3A_151 : i32
            %add3A_153 = arith.addi %mul3A_150, %mul3A_152 : i32
            %dma_start3A_154 = tpu.memref_slice %arg2[%add3A_47, %add3A_153] : memref<64x200704xf32, #tpu.memory_space<hbm>> -> memref<1x6272xf32, #tpu.memory_space<hbm>>
            %dma_start3A_155 = tpu.memref_squeeze %dma_start3A_154 : memref<1x6272xf32, #tpu.memory_space<hbm>> -> memref<6272xf32, #tpu.memory_space<hbm>>
            %dma_start3A_156 = tpu.memref_slice %arg2[%add3A_47, %add3A_153] : memref<64x200704xf32, #tpu.memory_space<hbm>> -> memref<1x6272xf32, #tpu.memory_space<hbm>>
            %dma_start3A_157 = tpu.memref_squeeze %dma_start3A_156 : memref<1x6272xf32, #tpu.memory_space<hbm>> -> memref<6272xf32, #tpu.memory_space<hbm>>
            tpu.enqueue_dma source(%dma_start3A_157 : memref<6272xf32, #tpu.memory_space<hbm>>) target(%arg10 : memref<6272xf32, #tpu.memory_space<vmem>>) target_semaphore(%arg15 : memref<!tpu.dma_semaphore, #tpu.memory_space<semaphore_mem>>)
          } else {
          }
          %add3A_119 = arith.constant 1 : i32
          %add3A_120 = arith.addi %mul3A_78, %add3A_119 : i32
          %mul3A_121 = arith.constant 6272 : i32
          %mul3A_122 = arith.muli %add3A_120, %mul3A_121 : i32
          %dma_wait3A_123 = tpu.memref_slice %arg4[%select_n3A, %mul3A_122] : memref<2x100352xi32, #tpu.memory_space<hbm>> -> memref<1x6272xi32, #tpu.memory_space<hbm>>
          %dma_wait3A_124 = tpu.memref_squeeze %dma_wait3A_123 : memref<1x6272xi32, #tpu.memory_space<hbm>> -> memref<6272xi32, #tpu.memory_space<hbm>>
          %dma_wait3A_125 = tpu.memref_slice %arg4[%select_n3A, %mul3A_122] : memref<2x100352xi32, #tpu.memory_space<hbm>> -> memref<1x6272xi32, #tpu.memory_space<hbm>>
          %dma_wait3A_126 = tpu.memref_squeeze %dma_wait3A_125 : memref<1x6272xi32, #tpu.memory_space<hbm>> -> memref<6272xi32, #tpu.memory_space<hbm>>
          tpu.wait_dma2 semaphore(%arg14 : memref<!tpu.dma_semaphore, #tpu.memory_space<semaphore_mem>>) src(%dma_wait3A_126 : memref<6272xi32, #tpu.memory_space<hbm>>) dst(%arg9 : memref<6272xi32, #tpu.memory_space<vmem>>)
          %mul3A_127 = arith.constant 100352 : i32
          %mul3A_128 = arith.muli %select_n3A, %mul3A_127 : i32
          %mul3A_129 = arith.constant 6272 : i32
          %mul3A_130 = arith.muli %add3A_120, %mul3A_129 : i32
          %add3A_131 = arith.addi %mul3A_128, %mul3A_130 : i32
          %dma_wait3A_132 = tpu.memref_slice %arg2[%add3A_47, %add3A_131] : memref<64x200704xf32, #tpu.memory_space<hbm>> -> memref<1x6272xf32, #tpu.memory_space<hbm>>
          %dma_wait3A_133 = tpu.memref_squeeze %dma_wait3A_132 : memref<1x6272xf32, #tpu.memory_space<hbm>> -> memref<6272xf32, #tpu.memory_space<hbm>>
          %dma_wait3A_134 = tpu.memref_slice %arg2[%add3A_47, %add3A_131] : memref<64x200704xf32, #tpu.memory_space<hbm>> -> memref<1x6272xf32, #tpu.memory_space<hbm>>
          %dma_wait3A_135 = tpu.memref_squeeze %dma_wait3A_134 : memref<1x6272xf32, #tpu.memory_space<hbm>> -> memref<6272xf32, #tpu.memory_space<hbm>>
          tpu.wait_dma2 semaphore(%arg16 : memref<!tpu.dma_semaphore, #tpu.memory_space<semaphore_mem>>) src(%dma_wait3A_135 : memref<6272xf32, #tpu.memory_space<hbm>>) dst(%arg11 : memref<6272xf32, #tpu.memory_space<vmem>>)
          %add3A_136 = arith.constant 1 : i32
          %add3A_137 = arith.addi %mul3A_78, %add3A_136 : i32
          %parallel_loop3A_138 = arith.constant 0 : i32
          %parallel_loop3A_139 = arith.constant 6272 : i32
          %parallel_loop3A_140 = arith.constant 16 : i32
          scf.for %parallel_loop3A_141 = %parallel_loop3A_138 to %parallel_loop3A_139 step %parallel_loop3A_140  : i32 {
            %parallel_loop3A_142 = arith.index_cast %parallel_loop3A_141 : i32 to index
            %parallel_loop3A_143 = tpu.vector_load %arg9[%parallel_loop3A_142] {strides = array<i32>} : memref<6272xi32, #tpu.memory_space<vmem>>, vector<16xi32>,
            %parallel_loop3A_144 = arith.index_cast %parallel_loop3A_141 : i32 to index
            %parallel_loop3A_145 = tpu.vector_load %arg11[%parallel_loop3A_144] {strides = array<i32>} : memref<6272xf32, #tpu.memory_space<vmem>>, vector<16xf32>,
            tpu.vector_store_idx %arg12[%parallel_loop3A_143], %parallel_loop3A_145 {add = true} : memref<65536xf32, #tpu.memory_space<vmem>>[vector<16xi32>], vector<16xf32>,
          } {sc.loop_unroll_factor = 8 : i64, sc.parallel_access}
        }
        %scan3A_71 = arith.constant 8 : i32
        "tpu.region"() ({
          %run_scoped3A = tpu.sem_alloc : memref<!tpu.dma_semaphore, #tpu.memory_space<semaphore_mem>>
          %dma_start3A_72 = arith.constant 0 : i32
          %dma_start3A_73 = tpu.memref_slice %arg6[%select_n3A, %add3A_47, %dma_start3A_72] : memref<2x64x65536xf32, #tpu.memory_space<hbm>> -> memref<1x1x65536xf32, #tpu.memory_space<hbm>>
          %dma_start3A_74 = tpu.memref_squeeze %dma_start3A_73 : memref<1x1x65536xf32, #tpu.memory_space<hbm>> -> memref<65536xf32, #tpu.memory_space<hbm>>
          %dma_start3A_75 = arith.constant 0 : i32
          %dma_start3A_76 = tpu.memref_slice %arg6[%select_n3A, %add3A_47, %dma_start3A_75] : memref<2x64x65536xf32, #tpu.memory_space<hbm>> -> memref<1x1x65536xf32, #tpu.memory_space<hbm>>
          %dma_start3A_77 = tpu.memref_squeeze %dma_start3A_76 : memref<1x1x65536xf32, #tpu.memory_space<hbm>> -> memref<65536xf32, #tpu.memory_space<hbm>>
          tpu.enqueue_dma source(%arg12 : memref<65536xf32, #tpu.memory_space<vmem>>) target(%dma_start3A_77 : memref<65536xf32, #tpu.memory_space<hbm>>) target_semaphore(%run_scoped3A : memref<!tpu.dma_semaphore, #tpu.memory_space<semaphore_mem>>)
          %dma_wait3A = arith.constant 0 : i32
          %dma_wait3A_78 = tpu.memref_slice %arg6[%select_n3A, %add3A_47, %dma_wait3A] : memref<2x64x65536xf32, #tpu.memory_space<hbm>> -> memref<1x1x65536xf32, #tpu.memory_space<hbm>>
          %dma_wait3A_79 = tpu.memref_squeeze %dma_wait3A_78 : memref<1x1x65536xf32, #tpu.memory_space<hbm>> -> memref<65536xf32, #tpu.memory_space<hbm>>
          %dma_wait3A_80 = arith.constant 0 : i32
          %dma_wait3A_81 = tpu.memref_slice %arg6[%select_n3A, %add3A_47, %dma_wait3A_80] : memref<2x64x65536xf32, #tpu.memory_space<hbm>> -> memref<1x1x65536xf32, #tpu.memory_space<hbm>>
          %dma_wait3A_82 = tpu.memref_squeeze %dma_wait3A_81 : memref<1x1x65536xf32, #tpu.memory_space<hbm>> -> memref<65536xf32, #tpu.memory_space<hbm>>
          tpu.wait_dma2 semaphore(%run_scoped3A : memref<!tpu.dma_semaphore, #tpu.memory_space<semaphore_mem>>) src(%arg12 : memref<65536xf32, #tpu.memory_space<vmem>>) dst(%dma_wait3A_82 : memref<65536xf32, #tpu.memory_space<hbm>>)
          tpu.yield
        }) : () -> ()
      }
      %scan3A_40 = arith.constant 8 : i32
    } else {
    }
    %eq3A_32 = arith.constant 1 : i32
    %eq3A_33 = arith.cmpi eq, %arg0, %eq3A_32 : i32
    %convert_element_type3A_34 = arith.extui %eq3A_33 : i1 to i32
    %cond3A_35 = arith.constant 0 : i32
    %cond3A_36 = arith.cmpi ne, %convert_element_type3A_34, %cond3A_35 : i32
    scf.if %cond3A_36 {
      %scan3A = arith.constant 0 : i32
      %scan3A_37 = arith.constant 8 : i32
      %scan3A_38 = arith.addi %scan3A, %scan3A_37 : i32
      %scan3A_39 = arith.constant 1 : i32
      scf.for %scan3A_41 = %scan3A to %scan3A_38 step %scan3A_39  : i32 {
        %mul3A = arith.constant 1 : i32
        %mul3A_42 = arith.muli %scan3A_41, %mul3A : i32
        %add3A_43 = arith.constant 0 : i32
        %add3A_44 = arith.addi %add3A_43, %mul3A_42 : i32
        %mul3A_45 = arith.constant 8 : i32
        %mul3A_46 = arith.muli %add3A_44, %mul3A_45 : i32
        %add3A_47 = arith.addi %mul3A_46, %select_n3A_28 : i32
        %broadcast_in_dim3A = arith.constant 0.000000e+00 : f32
        %broadcast_in_dim3A_48 = vector.broadcast %broadcast_in_dim3A : f32 to vector<16xf32>
        %scan3A_49 = arith.constant 0 : i32
        %scan3A_50 = arith.constant 512 : i32
        %scan3A_51 = arith.addi %scan3A_49, %scan3A_50 : i32
        %scan3A_52 = arith.constant 1 : i32
        scf.for %scan3A_72 = %scan3A_49 to %scan3A_51 step %scan3A_52  : i32 {
          %mul3A_73 = arith.constant 1 : i32
          %mul3A_74 = arith.muli %scan3A_72, %mul3A_73 : i32
          %add3A_75 = arith.constant 0 : i32
          %add3A_76 = arith.addi %add3A_75, %mul3A_74 : i32
          %mul3A_77 = arith.constant 128 : i32
          %mul3A_78 = arith.muli %add3A_76, %mul3A_77 : i32
          %add3A_79 = arith.constant 0 : i32
          %add3A_80 = arith.addi %mul3A_78, %add3A_79 : i32
          %swap3A = arith.index_cast %add3A_80 : i32 to index
          %swap3A_81 = tpu.vector_load %arg12[%swap3A] {strides = array<i32>} : memref<65536xf32, #tpu.memory_space<vmem>>, vector<16xf32>,
          tpu.vector_store %arg12[%swap3A], %broadcast_in_dim3A_48 {strides = array<i32>} : memref<65536xf32, #tpu.memory_space<vmem>>, vector<16xf32>,
          %mul3A_82 = arith.constant 128 : i32
          %mul3A_83 = arith.muli %add3A_76, %mul3A_82 : i32
          %add3A_84 = arith.constant 16 : i32
          %add3A_85 = arith.addi %mul3A_83, %add3A_84 : i32
          %swap3A_86 = arith.index_cast %add3A_85 : i32 to index
          %swap3A_87 = tpu.vector_load %arg12[%swap3A_86] {strides = array<i32>} : memref<65536xf32, #tpu.memory_space<vmem>>, vector<16xf32>,
          tpu.vector_store %arg12[%swap3A_86], %broadcast_in_dim3A_48 {strides = array<i32>} : memref<65536xf32, #tpu.memory_space<vmem>>, vector<16xf32>,
          %mul3A_88 = arith.constant 128 : i32
          %mul3A_89 = arith.muli %add3A_76, %mul3A_88 : i32
          %add3A_90 = arith.constant 32 : i32
          %add3A_91 = arith.addi %mul3A_89, %add3A_90 : i32
          %swap3A_92 = arith.index_cast %add3A_91 : i32 to index
          %swap3A_93 = tpu.vector_load %arg12[%swap3A_92] {strides = array<i32>} : memref<65536xf32, #tpu.memory_space<vmem>>, vector<16xf32>,
          tpu.vector_store %arg12[%swap3A_92], %broadcast_in_dim3A_48 {strides = array<i32>} : memref<65536xf32, #tpu.memory_space<vmem>>, vector<16xf32>,
          %mul3A_94 = arith.constant 128 : i32
          %mul3A_95 = arith.muli %add3A_76, %mul3A_94 : i32
          %add3A_96 = arith.constant 48 : i32
          %add3A_97 = arith.addi %mul3A_95, %add3A_96 : i32
          %swap3A_98 = arith.index_cast %add3A_97 : i32 to index
          %swap3A_99 = tpu.vector_load %arg12[%swap3A_98] {strides = array<i32>} : memref<65536xf32, #tpu.memory_space<vmem>>, vector<16xf32>,
          tpu.vector_store %arg12[%swap3A_98], %broadcast_in_dim3A_48 {strides = array<i32>} : memref<65536xf32, #tpu.memory_space<vmem>>, vector<16xf32>,
          %mul3A_100 = arith.constant 128 : i32
          %mul3A_101 = arith.muli %add3A_76, %mul3A_100 : i32
          %add3A_102 = arith.constant 64 : i32
          %add3A_103 = arith.addi %mul3A_101, %add3A_102 : i32
          %swap3A_104 = arith.index_cast %add3A_103 : i32 to index
          %swap3A_105 = tpu.vector_load %arg12[%swap3A_104] {strides = array<i32>} : memref<65536xf32, #tpu.memory_space<vmem>>, vector<16xf32>,
          tpu.vector_store %arg12[%swap3A_104], %broadcast_in_dim3A_48 {strides = array<i32>} : memref<65536xf32, #tpu.memory_space<vmem>>, vector<16xf32>,
          %mul3A_106 = arith.constant 128 : i32
          %mul3A_107 = arith.muli %add3A_76, %mul3A_106 : i32
          %add3A_108 = arith.constant 80 : i32
          %add3A_109 = arith.addi %mul3A_107, %add3A_108 : i32
          %swap3A_110 = arith.index_cast %add3A_109 : i32 to index
          %swap3A_111 = tpu.vector_load %arg12[%swap3A_110] {strides = array<i32>} : memref<65536xf32, #tpu.memory_space<vmem>>, vector<16xf32>,
          tpu.vector_store %arg12[%swap3A_110], %broadcast_in_dim3A_48 {strides = array<i32>} : memref<65536xf32, #tpu.memory_space<vmem>>, vector<16xf32>,
          %mul3A_112 = arith.constant 128 : i32
          %mul3A_113 = arith.muli %add3A_76, %mul3A_112 : i32
          %add3A_114 = arith.constant 96 : i32
          %add3A_115 = arith.addi %mul3A_113, %add3A_114 : i32
          %swap3A_116 = arith.index_cast %add3A_115 : i32 to index
          %swap3A_117 = tpu.vector_load %arg12[%swap3A_116] {strides = array<i32>} : memref<65536xf32, #tpu.memory_space<vmem>>, vector<16xf32>,
          tpu.vector_store %arg12[%swap3A_116], %broadcast_in_dim3A_48 {strides = array<i32>} : memref<65536xf32, #tpu.memory_space<vmem>>, vector<16xf32>,
          %mul3A_118 = arith.constant 128 : i32
          %mul3A_119 = arith.muli %add3A_76, %mul3A_118 : i32
          %add3A_120 = arith.constant 112 : i32
          %add3A_121 = arith.addi %mul3A_119, %add3A_120 : i32
          %swap3A_122 = arith.index_cast %add3A_121 : i32 to index
          %swap3A_123 = tpu.vector_load %arg12[%swap3A_122] {strides = array<i32>} : memref<65536xf32, #tpu.memory_space<vmem>>, vector<16xf32>,
          tpu.vector_store %arg12[%swap3A_122], %broadcast_in_dim3A_48 {strides = array<i32>} : memref<65536xf32, #tpu.memory_space<vmem>>, vector<16xf32>,
        }
        %scan3A_53 = arith.constant 512 : i32
        %dma_start3A = arith.constant 0 : i32
        %dma_start3A_54 = tpu.memref_slice %arg5[%select_n3A, %dma_start3A] : memref<2x100352xi32, #tpu.memory_space<hbm>> -> memref<1x6272xi32, #tpu.memory_space<hbm>>
        %dma_start3A_55 = tpu.memref_squeeze %dma_start3A_54 : memref<1x6272xi32, #tpu.memory_space<hbm>> -> memref<6272xi32, #tpu.memory_space<hbm>>
        %dma_start3A_56 = arith.constant 0 : i32
        %dma_start3A_57 = tpu.memref_slice %arg5[%select_n3A, %dma_start3A_56] : memref<2x100352xi32, #tpu.memory_space<hbm>> -> memref<1x6272xi32, #tpu.memory_space<hbm>>
        %dma_start3A_58 = tpu.memref_squeeze %dma_start3A_57 : memref<1x6272xi32, #tpu.memory_space<hbm>> -> memref<6272xi32, #tpu.memory_space<hbm>>
        tpu.enqueue_dma source(%dma_start3A_58 : memref<6272xi32, #tpu.memory_space<hbm>>) target(%arg8 : memref<6272xi32, #tpu.memory_space<vmem>>) target_semaphore(%arg13 : memref<!tpu.dma_semaphore, #tpu.memory_space<semaphore_mem>>)
        %mul3A_59 = arith.constant 100352 : i32
        %mul3A_60 = arith.muli %select_n3A, %mul3A_59 : i32
        %add3A_61 = arith.constant 0 : i32
        %add3A_62 = arith.addi %mul3A_60, %add3A_61 : i32
        %dma_start3A_63 = tpu.memref_slice %arg3[%add3A_47, %add3A_62] : memref<64x200704xf32, #tpu.memory_space<hbm>> -> memref<1x6272xf32, #tpu.memory_space<hbm>>
        %dma_start3A_64 = tpu.memref_squeeze %dma_start3A_63 : memref<1x6272xf32, #tpu.memory_space<hbm>> -> memref<6272xf32, #tpu.memory_space<hbm>>
        %dma_start3A_65 = tpu.memref_slice %arg3[%add3A_47, %add3A_62] : memref<64x200704xf32, #tpu.memory_space<hbm>> -> memref<1x6272xf32, #tpu.memory_space<hbm>>
        %dma_start3A_66 = tpu.memref_squeeze %dma_start3A_65 : memref<1x6272xf32, #tpu.memory_space<hbm>> -> memref<6272xf32, #tpu.memory_space<hbm>>
        tpu.enqueue_dma source(%dma_start3A_66 : memref<6272xf32, #tpu.memory_space<hbm>>) target(%arg10 : memref<6272xf32, #tpu.memory_space<vmem>>) target_semaphore(%arg15 : memref<!tpu.dma_semaphore, #tpu.memory_space<semaphore_mem>>)
        %scan3A_67 = arith.constant 0 : i32
        %scan3A_68 = arith.constant 8 : i32
        %scan3A_69 = arith.addi %scan3A_67, %scan3A_68 : i32
        %scan3A_70 = arith.constant 1 : i32
        scf.for %scan3A_72 = %scan3A_67 to %scan3A_69 step %scan3A_70  : i32 {
          %mul3A_73 = arith.constant 1 : i32
          %mul3A_74 = arith.muli %scan3A_72, %mul3A_73 : i32
          %add3A_75 = arith.constant 0 : i32
          %add3A_76 = arith.addi %add3A_75, %mul3A_74 : i32
          %mul3A_77 = arith.constant 2 : i32
          %mul3A_78 = arith.muli %add3A_76, %mul3A_77 : i32
          %add3A_79 = arith.constant 1 : i32
          %add3A_80 = arith.addi %mul3A_78, %add3A_79 : i32
          %mul3A_81 = arith.constant 6272 : i32
          %mul3A_82 = arith.muli %add3A_80, %mul3A_81 : i32
          %dma_start3A_83 = tpu.memref_slice %arg5[%select_n3A, %mul3A_82] : memref<2x100352xi32, #tpu.memory_space<hbm>> -> memref<1x6272xi32, #tpu.memory_space<hbm>>
          %dma_start3A_84 = tpu.memref_squeeze %dma_start3A_83 : memref<1x6272xi32, #tpu.memory_space<hbm>> -> memref<6272xi32, #tpu.memory_space<hbm>>
          %dma_start3A_85 = tpu.memref_slice %arg5[%select_n3A, %mul3A_82] : memref<2x100352xi32, #tpu.memory_space<hbm>> -> memref<1x6272xi32, #tpu.memory_space<hbm>>
          %dma_start3A_86 = tpu.memref_squeeze %dma_start3A_85 : memref<1x6272xi32, #tpu.memory_space<hbm>> -> memref<6272xi32, #tpu.memory_space<hbm>>
          tpu.enqueue_dma source(%dma_start3A_86 : memref<6272xi32, #tpu.memory_space<hbm>>) target(%arg9 : memref<6272xi32, #tpu.memory_space<vmem>>) target_semaphore(%arg14 : memref<!tpu.dma_semaphore, #tpu.memory_space<semaphore_mem>>)
          %mul3A_87 = arith.constant 100352 : i32
          %mul3A_88 = arith.muli %select_n3A, %mul3A_87 : i32
          %mul3A_89 = arith.constant 6272 : i32
          %mul3A_90 = arith.muli %add3A_80, %mul3A_89 : i32
          %add3A_91 = arith.addi %mul3A_88, %mul3A_90 : i32
          %dma_start3A_92 = tpu.memref_slice %arg3[%add3A_47, %add3A_91] : memref<64x200704xf32, #tpu.memory_space<hbm>> -> memref<1x6272xf32, #tpu.memory_space<hbm>>
          %dma_start3A_93 = tpu.memref_squeeze %dma_start3A_92 : memref<1x6272xf32, #tpu.memory_space<hbm>> -> memref<6272xf32, #tpu.memory_space<hbm>>
          %dma_start3A_94 = tpu.memref_slice %arg3[%add3A_47, %add3A_91] : memref<64x200704xf32, #tpu.memory_space<hbm>> -> memref<1x6272xf32, #tpu.memory_space<hbm>>
          %dma_start3A_95 = tpu.memref_squeeze %dma_start3A_94 : memref<1x6272xf32, #tpu.memory_space<hbm>> -> memref<6272xf32, #tpu.memory_space<hbm>>
          tpu.enqueue_dma source(%dma_start3A_95 : memref<6272xf32, #tpu.memory_space<hbm>>) target(%arg11 : memref<6272xf32, #tpu.memory_space<vmem>>) target_semaphore(%arg16 : memref<!tpu.dma_semaphore, #tpu.memory_space<semaphore_mem>>)
          %mul3A_96 = arith.constant 6272 : i32
          %mul3A_97 = arith.muli %mul3A_78, %mul3A_96 : i32
          %dma_wait3A = tpu.memref_slice %arg5[%select_n3A, %mul3A_97] : memref<2x100352xi32, #tpu.memory_space<hbm>> -> memref<1x6272xi32, #tpu.memory_space<hbm>>
          %dma_wait3A_98 = tpu.memref_squeeze %dma_wait3A : memref<1x6272xi32, #tpu.memory_space<hbm>> -> memref<6272xi32, #tpu.memory_space<hbm>>
          %dma_wait3A_99 = tpu.memref_slice %arg5[%select_n3A, %mul3A_97] : memref<2x100352xi32, #tpu.memory_space<hbm>> -> memref<1x6272xi32, #tpu.memory_space<hbm>>
          %dma_wait3A_100 = tpu.memref_squeeze %dma_wait3A_99 : memref<1x6272xi32, #tpu.memory_space<hbm>> -> memref<6272xi32, #tpu.memory_space<hbm>>
          tpu.wait_dma2 semaphore(%arg13 : memref<!tpu.dma_semaphore, #tpu.memory_space<semaphore_mem>>) src(%dma_wait3A_100 : memref<6272xi32, #tpu.memory_space<hbm>>) dst(%arg8 : memref<6272xi32, #tpu.memory_space<vmem>>)
          %mul3A_101 = arith.constant 100352 : i32
          %mul3A_102 = arith.muli %select_n3A, %mul3A_101 : i32
          %mul3A_103 = arith.constant 6272 : i32
          %mul3A_104 = arith.muli %mul3A_78, %mul3A_103 : i32
          %add3A_105 = arith.addi %mul3A_102, %mul3A_104 : i32
          %dma_wait3A_106 = tpu.memref_slice %arg3[%add3A_47, %add3A_105] : memref<64x200704xf32, #tpu.memory_space<hbm>> -> memref<1x6272xf32, #tpu.memory_space<hbm>>
          %dma_wait3A_107 = tpu.memref_squeeze %dma_wait3A_106 : memref<1x6272xf32, #tpu.memory_space<hbm>> -> memref<6272xf32, #tpu.memory_space<hbm>>
          %dma_wait3A_108 = tpu.memref_slice %arg3[%add3A_47, %add3A_105] : memref<64x200704xf32, #tpu.memory_space<hbm>> -> memref<1x6272xf32, #tpu.memory_space<hbm>>
          %dma_wait3A_109 = tpu.memref_squeeze %dma_wait3A_108 : memref<1x6272xf32, #tpu.memory_space<hbm>> -> memref<6272xf32, #tpu.memory_space<hbm>>
          tpu.wait_dma2 semaphore(%arg15 : memref<!tpu.dma_semaphore, #tpu.memory_space<semaphore_mem>>) src(%dma_wait3A_109 : memref<6272xf32, #tpu.memory_space<hbm>>) dst(%arg10 : memref<6272xf32, #tpu.memory_space<vmem>>)
          %parallel_loop3A = arith.constant 0 : i32
          %parallel_loop3A_110 = arith.constant 6272 : i32
          %parallel_loop3A_111 = arith.constant 16 : i32
          scf.for %parallel_loop3A_141 = %parallel_loop3A to %parallel_loop3A_110 step %parallel_loop3A_111  : i32 {
            %parallel_loop3A_142 = arith.index_cast %parallel_loop3A_141 : i32 to index
            %parallel_loop3A_143 = tpu.vector_load %arg8[%parallel_loop3A_142] {strides = array<i32>} : memref<6272xi32, #tpu.memory_space<vmem>>, vector<16xi32>,
            %parallel_loop3A_144 = arith.index_cast %parallel_loop3A_141 : i32 to index
            %parallel_loop3A_145 = tpu.vector_load %arg10[%parallel_loop3A_144] {strides = array<i32>} : memref<6272xf32, #tpu.memory_space<vmem>>, vector<16xf32>,
            tpu.vector_store_idx %arg12[%parallel_loop3A_143], %parallel_loop3A_145 {add = true} : memref<65536xf32, #tpu.memory_space<vmem>>[vector<16xi32>], vector<16xf32>,
          } {sc.loop_unroll_factor = 8 : i64, sc.parallel_access}
          %add3A_112 = arith.constant 1 : i32
          %add3A_113 = arith.addi %add3A_76, %add3A_112 : i32
          %lt3A_114 = arith.constant 8 : i32
          %lt3A_115 = arith.cmpi slt, %add3A_113, %lt3A_114 : i32
          %convert_element_type3A_116 = arith.extui %lt3A_115 : i1 to i32
          %cond3A_117 = arith.constant 0 : i32
          %cond3A_118 = arith.cmpi ne, %convert_element_type3A_116, %cond3A_117 : i32
          scf.if %cond3A_118 {
            %add3A_141 = arith.constant 2 : i32
            %add3A_142 = arith.addi %mul3A_78, %add3A_141 : i32
            %mul3A_143 = arith.constant 6272 : i32
            %mul3A_144 = arith.muli %add3A_142, %mul3A_143 : i32
            %dma_start3A_145 = tpu.memref_slice %arg5[%select_n3A, %mul3A_144] : memref<2x100352xi32, #tpu.memory_space<hbm>> -> memref<1x6272xi32, #tpu.memory_space<hbm>>
            %dma_start3A_146 = tpu.memref_squeeze %dma_start3A_145 : memref<1x6272xi32, #tpu.memory_space<hbm>> -> memref<6272xi32, #tpu.memory_space<hbm>>
            %dma_start3A_147 = tpu.memref_slice %arg5[%select_n3A, %mul3A_144] : memref<2x100352xi32, #tpu.memory_space<hbm>> -> memref<1x6272xi32, #tpu.memory_space<hbm>>
            %dma_start3A_148 = tpu.memref_squeeze %dma_start3A_147 : memref<1x6272xi32, #tpu.memory_space<hbm>> -> memref<6272xi32, #tpu.memory_space<hbm>>
            tpu.enqueue_dma source(%dma_start3A_148 : memref<6272xi32, #tpu.memory_space<hbm>>) target(%arg8 : memref<6272xi32, #tpu.memory_space<vmem>>) target_semaphore(%arg13 : memref<!tpu.dma_semaphore, #tpu.memory_space<semaphore_mem>>)
            %mul3A_149 = arith.constant 100352 : i32
            %mul3A_150 = arith.muli %select_n3A, %mul3A_149 : i32
            %mul3A_151 = arith.constant 6272 : i32
            %mul3A_152 = arith.muli %add3A_142, %mul3A_151 : i32
            %add3A_153 = arith.addi %mul3A_150, %mul3A_152 : i32
            %dma_start3A_154 = tpu.memref_slice %arg3[%add3A_47, %add3A_153] : memref<64x200704xf32, #tpu.memory_space<hbm>> -> memref<1x6272xf32, #tpu.memory_space<hbm>>
            %dma_start3A_155 = tpu.memref_squeeze %dma_start3A_154 : memref<1x6272xf32, #tpu.memory_space<hbm>> -> memref<6272xf32, #tpu.memory_space<hbm>>
            %dma_start3A_156 = tpu.memref_slice %arg3[%add3A_47, %add3A_153] : memref<64x200704xf32, #tpu.memory_space<hbm>> -> memref<1x6272xf32, #tpu.memory_space<hbm>>
            %dma_start3A_157 = tpu.memref_squeeze %dma_start3A_156 : memref<1x6272xf32, #tpu.memory_space<hbm>> -> memref<6272xf32, #tpu.memory_space<hbm>>
            tpu.enqueue_dma source(%dma_start3A_157 : memref<6272xf32, #tpu.memory_space<hbm>>) target(%arg10 : memref<6272xf32, #tpu.memory_space<vmem>>) target_semaphore(%arg15 : memref<!tpu.dma_semaphore, #tpu.memory_space<semaphore_mem>>)
          } else {
          }
          %add3A_119 = arith.constant 1 : i32
          %add3A_120 = arith.addi %mul3A_78, %add3A_119 : i32
          %mul3A_121 = arith.constant 6272 : i32
          %mul3A_122 = arith.muli %add3A_120, %mul3A_121 : i32
          %dma_wait3A_123 = tpu.memref_slice %arg5[%select_n3A, %mul3A_122] : memref<2x100352xi32, #tpu.memory_space<hbm>> -> memref<1x6272xi32, #tpu.memory_space<hbm>>
          %dma_wait3A_124 = tpu.memref_squeeze %dma_wait3A_123 : memref<1x6272xi32, #tpu.memory_space<hbm>> -> memref<6272xi32, #tpu.memory_space<hbm>>
          %dma_wait3A_125 = tpu.memref_slice %arg5[%select_n3A, %mul3A_122] : memref<2x100352xi32, #tpu.memory_space<hbm>> -> memref<1x6272xi32, #tpu.memory_space<hbm>>
          %dma_wait3A_126 = tpu.memref_squeeze %dma_wait3A_125 : memref<1x6272xi32, #tpu.memory_space<hbm>> -> memref<6272xi32, #tpu.memory_space<hbm>>
          tpu.wait_dma2 semaphore(%arg14 : memref<!tpu.dma_semaphore, #tpu.memory_space<semaphore_mem>>) src(%dma_wait3A_126 : memref<6272xi32, #tpu.memory_space<hbm>>) dst(%arg9 : memref<6272xi32, #tpu.memory_space<vmem>>)
          %mul3A_127 = arith.constant 100352 : i32
          %mul3A_128 = arith.muli %select_n3A, %mul3A_127 : i32
          %mul3A_129 = arith.constant 6272 : i32
          %mul3A_130 = arith.muli %add3A_120, %mul3A_129 : i32
          %add3A_131 = arith.addi %mul3A_128, %mul3A_130 : i32
          %dma_wait3A_132 = tpu.memref_slice %arg3[%add3A_47, %add3A_131] : memref<64x200704xf32, #tpu.memory_space<hbm>> -> memref<1x6272xf32, #tpu.memory_space<hbm>>
          %dma_wait3A_133 = tpu.memref_squeeze %dma_wait3A_132 : memref<1x6272xf32, #tpu.memory_space<hbm>> -> memref<6272xf32, #tpu.memory_space<hbm>>
          %dma_wait3A_134 = tpu.memref_slice %arg3[%add3A_47, %add3A_131] : memref<64x200704xf32, #tpu.memory_space<hbm>> -> memref<1x6272xf32, #tpu.memory_space<hbm>>
          %dma_wait3A_135 = tpu.memref_squeeze %dma_wait3A_134 : memref<1x6272xf32, #tpu.memory_space<hbm>> -> memref<6272xf32, #tpu.memory_space<hbm>>
          tpu.wait_dma2 semaphore(%arg16 : memref<!tpu.dma_semaphore, #tpu.memory_space<semaphore_mem>>) src(%dma_wait3A_135 : memref<6272xf32, #tpu.memory_space<hbm>>) dst(%arg11 : memref<6272xf32, #tpu.memory_space<vmem>>)
          %add3A_136 = arith.constant 1 : i32
          %add3A_137 = arith.addi %mul3A_78, %add3A_136 : i32
          %parallel_loop3A_138 = arith.constant 0 : i32
          %parallel_loop3A_139 = arith.constant 6272 : i32
          %parallel_loop3A_140 = arith.constant 16 : i32
          scf.for %parallel_loop3A_141 = %parallel_loop3A_138 to %parallel_loop3A_139 step %parallel_loop3A_140  : i32 {
            %parallel_loop3A_142 = arith.index_cast %parallel_loop3A_141 : i32 to index
            %parallel_loop3A_143 = tpu.vector_load %arg9[%parallel_loop3A_142] {strides = array<i32>} : memref<6272xi32, #tpu.memory_space<vmem>>, vector<16xi32>,
            %parallel_loop3A_144 = arith.index_cast %parallel_loop3A_141 : i32 to index
            %parallel_loop3A_145 = tpu.vector_load %arg11[%parallel_loop3A_144] {strides = array<i32>} : memref<6272xf32, #tpu.memory_space<vmem>>, vector<16xf32>,
            tpu.vector_store_idx %arg12[%parallel_loop3A_143], %parallel_loop3A_145 {add = true} : memref<65536xf32, #tpu.memory_space<vmem>>[vector<16xi32>], vector<16xf32>,
          } {sc.loop_unroll_factor = 8 : i64, sc.parallel_access}
        }
        %scan3A_71 = arith.constant 8 : i32
        "tpu.region"() ({
          %run_scoped3A = tpu.sem_alloc : memref<!tpu.dma_semaphore, #tpu.memory_space<semaphore_mem>>
          %dma_start3A_72 = arith.constant 0 : i32
          %dma_start3A_73 = tpu.memref_slice %arg7[%select_n3A, %add3A_47, %dma_start3A_72] : memref<2x64x65536xf32, #tpu.memory_space<hbm>> -> memref<1x1x65536xf32, #tpu.memory_space<hbm>>
          %dma_start3A_74 = tpu.memref_squeeze %dma_start3A_73 : memref<1x1x65536xf32, #tpu.memory_space<hbm>> -> memref<65536xf32, #tpu.memory_space<hbm>>
          %dma_start3A_75 = arith.constant 0 : i32
          %dma_start3A_76 = tpu.memref_slice %arg7[%select_n3A, %add3A_47, %dma_start3A_75] : memref<2x64x65536xf32, #tpu.memory_space<hbm>> -> memref<1x1x65536xf32, #tpu.memory_space<hbm>>
          %dma_start3A_77 = tpu.memref_squeeze %dma_start3A_76 : memref<1x1x65536xf32, #tpu.memory_space<hbm>> -> memref<65536xf32, #tpu.memory_space<hbm>>
          tpu.enqueue_dma source(%arg12 : memref<65536xf32, #tpu.memory_space<vmem>>) target(%dma_start3A_77 : memref<65536xf32, #tpu.memory_space<hbm>>) target_semaphore(%run_scoped3A : memref<!tpu.dma_semaphore, #tpu.memory_space<semaphore_mem>>)
          %dma_wait3A = arith.constant 0 : i32
          %dma_wait3A_78 = tpu.memref_slice %arg7[%select_n3A, %add3A_47, %dma_wait3A] : memref<2x64x65536xf32, #tpu.memory_space<hbm>> -> memref<1x1x65536xf32, #tpu.memory_space<hbm>>
          %dma_wait3A_79 = tpu.memref_squeeze %dma_wait3A_78 : memref<1x1x65536xf32, #tpu.memory_space<hbm>> -> memref<65536xf32, #tpu.memory_space<hbm>>
          %dma_wait3A_80 = arith.constant 0 : i32
          %dma_wait3A_81 = tpu.memref_slice %arg7[%select_n3A, %add3A_47, %dma_wait3A_80] : memref<2x64x65536xf32, #tpu.memory_space<hbm>> -> memref<1x1x65536xf32, #tpu.memory_space<hbm>>
          %dma_wait3A_82 = tpu.memref_squeeze %dma_wait3A_81 : memref<1x1x65536xf32, #tpu.memory_space<hbm>> -> memref<65536xf32, #tpu.memory_space<hbm>>
          tpu.wait_dma2 semaphore(%run_scoped3A : memref<!tpu.dma_semaphore, #tpu.memory_space<semaphore_mem>>) src(%arg12 : memref<65536xf32, #tpu.memory_space<vmem>>) dst(%dma_wait3A_82 : memref<65536xf32, #tpu.memory_space<hbm>>)
          tpu.yield
        }) : () -> ()
      }
      %scan3A_40 = arith.constant 8 : i32
    } else {
    }
    return
  }
}

module attributes {stable_mosaic.version = 14 : i64} {
  func.func @_prep_body(%arg0: i32, %arg1: memref<8x2048xf32, #tpu.memory_space<vmem>>, %arg2: memref<8x2048xf32, #tpu.memory_space<vmem>>, %arg3: memref<1x1x2048xi32, #tpu.memory_space<vmem>>, %arg4: memref<8x2048xf32, #tpu.memory_space<vmem>>, %arg5: memref<1x1x2048xi32, #tpu.memory_space<vmem>>, %arg6: memref<8x2048xf32, #tpu.memory_space<vmem>>) attributes {dimension_semantics = [#tpu.dimension_semantics<arbitrary>], iteration_bounds = array<i64: 98>, scalar_prefetch = 0 : i64, scratch_operands = 0 : i64, tpu.core_type = #tpu.core_type<tc>, window_params = [{transform_indices = @transform_0, window_bounds = array<i64: 8, 2048>}, {transform_indices = @transform_1, window_bounds = array<i64: 8, 2048>}, {transform_indices = @transform_2, window_bounds = array<i64: 1, 1, 2048>}, {transform_indices = @transform_3, window_bounds = array<i64: 8, 2048>}, {transform_indices = @transform_4, window_bounds = array<i64: 1, 1, 2048>}, {transform_indices = @transform_5, window_bounds = array<i64: 8, 2048>}]} {
    %jit3A = arith.constant 49 : i32
    %eq3A = arith.constant 0 : i32
    %eq3A_0 = arith.cmpi eq, %jit3A, %eq3A : i32
    %jit3A_1 = arith.constant 1 : i32
    %select_n3A = arith.select %eq3A_0, %jit3A_1, %jit3A : i32
    %rem3A = arith.remsi %arg0, %select_n3A : i32
    %ne3A = arith.constant 0 : i32
    %ne3A_2 = arith.cmpi ne, %rem3A, %ne3A : i32
    %lt3A = arith.constant 0 : i32
    %lt3A_3 = arith.cmpi slt, %rem3A, %lt3A : i32
    %lt3A_4 = arith.constant 0 : i32
    %lt3A_5 = arith.cmpi slt, %select_n3A, %lt3A_4 : i32
    %ne3A_6 = arith.xori %lt3A_3, %lt3A_5 : i1
    %and3A = arith.andi %ne3A_6, %ne3A_2 : i1
    %add3A = arith.addi %rem3A, %select_n3A : i32
    %select_n3A_7 = arith.select %and3A, %add3A, %rem3A : i32
    %mul3A = arith.constant 2048 : i32
    %mul3A_8 = arith.muli %select_n3A_7, %mul3A : i32
    %iota3A = tpu.iota {dimensions = array<i32: 1>} : vector<1x2048xi32>
    %add3A_9 = vector.broadcast %mul3A_8 : i32 to vector<1x2048xi32>
    %add3A_10 = arith.addi %add3A_9, %iota3A : vector<1x2048xi32>
    %lt3A_11 = arith.constant 100000 : i32
    %lt3A_12 = vector.broadcast %lt3A_11 : i32 to vector<1x2048xi32>
    %lt3A_13 = arith.cmpi slt, %add3A_10, %lt3A_12 : vector<1x2048xi32>
    %get3A = arith.constant 0 : index
    %get3A_14 = arith.constant 0 : index
    %get3A_15 = vector.load %arg1[%get3A, %get3A_14] : memref<8x2048xf32, #tpu.memory_space<vmem>>, vector<8x2048xf32>
    %slice3A = vector.extract_strided_slice %get3A_15 {offsets = [0, 0], sizes = [1, 2048], strides = [1, 1]} : vector<8x2048xf32> to vector<1x2048xf32>
    %slice3A_16 = vector.extract_strided_slice %get3A_15 {offsets = [1, 0], sizes = [1, 2048], strides = [1, 1]} : vector<8x2048xf32> to vector<1x2048xf32>
    %slice3A_17 = vector.extract_strided_slice %get3A_15 {offsets = [2, 0], sizes = [1, 2048], strides = [1, 1]} : vector<8x2048xf32> to vector<1x2048xf32>
    %sub3A = arith.constant -5.120000e+01 : f32
    %sub3A_18 = vector.broadcast %sub3A : f32 to vector<1x2048xf32>
    %sub3A_19 = arith.subf %slice3A, %sub3A_18 : vector<1x2048xf32>
    %div3A = arith.constant 4.000000e-01 : f32
    %div3A_20 = vector.broadcast %div3A : f32 to vector<1x2048xf32>
    %div3A_21 = arith.divf %sub3A_19, %div3A_20 : vector<1x2048xf32>
    %floor3A = math.floor %div3A_21 : vector<1x2048xf32>
    %convert_element_type3A = arith.fptosi %floor3A : vector<1x2048xf32> to vector<1x2048xi32>
    %jit3A_22 = arith.constant 0 : i32
    %jit3A_23 = arith.constant 255 : i32
    %max3A = vector.broadcast %jit3A_22 : i32 to vector<1x2048xi32>
    %max3A_24 = arith.maxsi %max3A, %convert_element_type3A : vector<1x2048xi32>
    %min3A = vector.broadcast %jit3A_23 : i32 to vector<1x2048xi32>
    %min3A_25 = arith.minsi %min3A, %max3A_24 : vector<1x2048xi32>
    %sub3A_26 = arith.constant -5.120000e+01 : f32
    %sub3A_27 = vector.broadcast %sub3A_26 : f32 to vector<1x2048xf32>
    %sub3A_28 = arith.subf %slice3A_16, %sub3A_27 : vector<1x2048xf32>
    %div3A_29 = arith.constant 4.000000e-01 : f32
    %div3A_30 = vector.broadcast %div3A_29 : f32 to vector<1x2048xf32>
    %div3A_31 = arith.divf %sub3A_28, %div3A_30 : vector<1x2048xf32>
    %floor3A_32 = math.floor %div3A_31 : vector<1x2048xf32>
    %convert_element_type3A_33 = arith.fptosi %floor3A_32 : vector<1x2048xf32> to vector<1x2048xi32>
    %jit3A_34 = arith.constant 0 : i32
    %jit3A_35 = arith.constant 255 : i32
    %max3A_36 = vector.broadcast %jit3A_34 : i32 to vector<1x2048xi32>
    %max3A_37 = arith.maxsi %max3A_36, %convert_element_type3A_33 : vector<1x2048xi32>
    %min3A_38 = vector.broadcast %jit3A_35 : i32 to vector<1x2048xi32>
    %min3A_39 = arith.minsi %min3A_38, %max3A_37 : vector<1x2048xi32>
    %mul3A_40 = arith.constant 256 : i32
    %mul3A_41 = vector.broadcast %mul3A_40 : i32 to vector<1x2048xi32>
    %mul3A_42 = arith.muli %min3A_39, %mul3A_41 : vector<1x2048xi32>
    %add3A_43 = arith.addi %mul3A_42, %min3A_25 : vector<1x2048xi32>
    %jit3A_44 = arith.constant 0 : i32
    %broadcast_in_dim3A = vector.broadcast %jit3A_44 : i32 to vector<1x2048xi32>
    %select_n3A_45 = arith.select %lt3A_13, %add3A_43, %broadcast_in_dim3A : vector<1x2048xi1>, vector<1x2048xi32>
    %swap3A = arith.constant 0 : index
    %swap3A_46 = arith.constant 0 : index
    %swap3A_47 = arith.constant 0 : index
    %swap3A_48 = vector.load %arg3[%swap3A, %swap3A_46, %swap3A_47] : memref<1x1x2048xi32, #tpu.memory_space<vmem>>, vector<1x1x2048xi32>
    %swap3A_49 = vector.shape_cast %swap3A_48 : vector<1x1x2048xi32> to vector<1x2048xi32>
    %swap3A_50 = vector.shape_cast %select_n3A_45 : vector<1x2048xi32> to vector<1x1x2048xi32>
    tpu.vector_store %arg3[%swap3A, %swap3A_46, %swap3A_47], %swap3A_50 {strides = array<i32>} : memref<1x1x2048xi32, #tpu.memory_space<vmem>>, vector<1x1x2048xi32>,
    %convert_element_type3A_51 = arith.sitofp %min3A_25 : vector<1x2048xi32> to vector<1x2048xf32>
    %add3A_52 = arith.constant 5.000000e-01 : f32
    %add3A_53 = vector.broadcast %add3A_52 : f32 to vector<1x2048xf32>
    %add3A_54 = arith.addf %convert_element_type3A_51, %add3A_53 : vector<1x2048xf32>
    %mul3A_55 = arith.constant 4.000000e-01 : f32
    %mul3A_56 = vector.broadcast %mul3A_55 : f32 to vector<1x2048xf32>
    %mul3A_57 = arith.mulf %add3A_54, %mul3A_56 : vector<1x2048xf32>
    %add3A_58 = arith.constant -5.120000e+01 : f32
    %add3A_59 = vector.broadcast %add3A_58 : f32 to vector<1x2048xf32>
    %add3A_60 = arith.addf %mul3A_57, %add3A_59 : vector<1x2048xf32>
    %convert_element_type3A_61 = arith.sitofp %min3A_39 : vector<1x2048xi32> to vector<1x2048xf32>
    %add3A_62 = arith.constant 5.000000e-01 : f32
    %add3A_63 = vector.broadcast %add3A_62 : f32 to vector<1x2048xf32>
    %add3A_64 = arith.addf %convert_element_type3A_61, %add3A_63 : vector<1x2048xf32>
    %mul3A_65 = arith.constant 4.000000e-01 : f32
    %mul3A_66 = vector.broadcast %mul3A_65 : f32 to vector<1x2048xf32>
    %mul3A_67 = arith.mulf %add3A_64, %mul3A_66 : vector<1x2048xf32>
    %add3A_68 = arith.constant -5.120000e+01 : f32
    %add3A_69 = vector.broadcast %add3A_68 : f32 to vector<1x2048xf32>
    %add3A_70 = arith.addf %mul3A_67, %add3A_69 : vector<1x2048xf32>
    %broadcast_in_dim3A_71 = arith.constant 1.000000e+00 : f32
    %broadcast_in_dim3A_72 = vector.broadcast %broadcast_in_dim3A_71 : f32 to vector<1x2048xf32>
    %broadcast_in_dim3A_73 = arith.constant 0.000000e+00 : f32
    %broadcast_in_dim3A_74 = vector.broadcast %broadcast_in_dim3A_73 : f32 to vector<2x2048xf32>
    %concatenate3A = tpu.concatenate %broadcast_in_dim3A_72, %slice3A, %slice3A_16, %slice3A_17, %add3A_60, %add3A_70, %broadcast_in_dim3A_74 in 0 : vector<1x2048xf32>, vector<1x2048xf32>, vector<1x2048xf32>, vector<1x2048xf32>, vector<1x2048xf32>, vector<1x2048xf32>, vector<2x2048xf32> -> vector<8x2048xf32>
    %jit3A_75 = arith.constant 0.000000e+00 : f32
    %broadcast_in_dim3A_76 = vector.shape_cast %lt3A_13 : vector<1x2048xi1> to vector<1x2048xi1>
    %broadcast_in_dim3A_77 = vector.broadcast %broadcast_in_dim3A_76 : vector<1x2048xi1> to vector<8x2048xi1>
    %broadcast_in_dim3A_78 = vector.broadcast %jit3A_75 : f32 to vector<8x2048xf32>
    %select_n3A_79 = arith.select %broadcast_in_dim3A_77, %concatenate3A, %broadcast_in_dim3A_78 : vector<8x2048xi1>, vector<8x2048xf32>
    %swap3A_80 = arith.constant 0 : index
    %swap3A_81 = arith.constant 0 : index
    %swap3A_82 = vector.load %arg4[%swap3A_80, %swap3A_81] : memref<8x2048xf32, #tpu.memory_space<vmem>>, vector<8x2048xf32>
    tpu.vector_store %arg4[%swap3A_80, %swap3A_81], %select_n3A_79 {strides = array<i32>} : memref<8x2048xf32, #tpu.memory_space<vmem>>, vector<8x2048xf32>,
    %get3A_83 = arith.constant 0 : index
    %get3A_84 = arith.constant 0 : index
    %get3A_85 = vector.load %arg2[%get3A_83, %get3A_84] : memref<8x2048xf32, #tpu.memory_space<vmem>>, vector<8x2048xf32>
    %slice3A_86 = vector.extract_strided_slice %get3A_85 {offsets = [0, 0], sizes = [1, 2048], strides = [1, 1]} : vector<8x2048xf32> to vector<1x2048xf32>
    %slice3A_87 = vector.extract_strided_slice %get3A_85 {offsets = [1, 0], sizes = [1, 2048], strides = [1, 1]} : vector<8x2048xf32> to vector<1x2048xf32>
    %slice3A_88 = vector.extract_strided_slice %get3A_85 {offsets = [2, 0], sizes = [1, 2048], strides = [1, 1]} : vector<8x2048xf32> to vector<1x2048xf32>
    %sub3A_89 = arith.constant -5.120000e+01 : f32
    %sub3A_90 = vector.broadcast %sub3A_89 : f32 to vector<1x2048xf32>
    %sub3A_91 = arith.subf %slice3A_86, %sub3A_90 : vector<1x2048xf32>
    %div3A_92 = arith.constant 4.000000e-01 : f32
    %div3A_93 = vector.broadcast %div3A_92 : f32 to vector<1x2048xf32>
    %div3A_94 = arith.divf %sub3A_91, %div3A_93 : vector<1x2048xf32>
    %floor3A_95 = math.floor %div3A_94 : vector<1x2048xf32>
    %convert_element_type3A_96 = arith.fptosi %floor3A_95 : vector<1x2048xf32> to vector<1x2048xi32>
    %jit3A_97 = arith.constant 0 : i32
    %jit3A_98 = arith.constant 255 : i32
    %max3A_99 = vector.broadcast %jit3A_97 : i32 to vector<1x2048xi32>
    %max3A_100 = arith.maxsi %max3A_99, %convert_element_type3A_96 : vector<1x2048xi32>
    %min3A_101 = vector.broadcast %jit3A_98 : i32 to vector<1x2048xi32>
    %min3A_102 = arith.minsi %min3A_101, %max3A_100 : vector<1x2048xi32>
    %sub3A_103 = arith.constant -5.120000e+01 : f32
    %sub3A_104 = vector.broadcast %sub3A_103 : f32 to vector<1x2048xf32>
    %sub3A_105 = arith.subf %slice3A_87, %sub3A_104 : vector<1x2048xf32>
    %div3A_106 = arith.constant 4.000000e-01 : f32
    %div3A_107 = vector.broadcast %div3A_106 : f32 to vector<1x2048xf32>
    %div3A_108 = arith.divf %sub3A_105, %div3A_107 : vector<1x2048xf32>
    %floor3A_109 = math.floor %div3A_108 : vector<1x2048xf32>
    %convert_element_type3A_110 = arith.fptosi %floor3A_109 : vector<1x2048xf32> to vector<1x2048xi32>
    %jit3A_111 = arith.constant 0 : i32
    %jit3A_112 = arith.constant 255 : i32
    %max3A_113 = vector.broadcast %jit3A_111 : i32 to vector<1x2048xi32>
    %max3A_114 = arith.maxsi %max3A_113, %convert_element_type3A_110 : vector<1x2048xi32>
    %min3A_115 = vector.broadcast %jit3A_112 : i32 to vector<1x2048xi32>
    %min3A_116 = arith.minsi %min3A_115, %max3A_114 : vector<1x2048xi32>
    %mul3A_117 = arith.constant 256 : i32
    %mul3A_118 = vector.broadcast %mul3A_117 : i32 to vector<1x2048xi32>
    %mul3A_119 = arith.muli %min3A_116, %mul3A_118 : vector<1x2048xi32>
    %add3A_120 = arith.addi %mul3A_119, %min3A_102 : vector<1x2048xi32>
    %jit3A_121 = arith.constant 0 : i32
    %broadcast_in_dim3A_122 = vector.broadcast %jit3A_121 : i32 to vector<1x2048xi32>
    %select_n3A_123 = arith.select %lt3A_13, %add3A_120, %broadcast_in_dim3A_122 : vector<1x2048xi1>, vector<1x2048xi32>
    %swap3A_124 = arith.constant 0 : index
    %swap3A_125 = arith.constant 0 : index
    %swap3A_126 = arith.constant 0 : index
    %swap3A_127 = vector.load %arg5[%swap3A_124, %swap3A_125, %swap3A_126] : memref<1x1x2048xi32, #tpu.memory_space<vmem>>, vector<1x1x2048xi32>
    %swap3A_128 = vector.shape_cast %swap3A_127 : vector<1x1x2048xi32> to vector<1x2048xi32>
    %swap3A_129 = vector.shape_cast %select_n3A_123 : vector<1x2048xi32> to vector<1x1x2048xi32>
    tpu.vector_store %arg5[%swap3A_124, %swap3A_125, %swap3A_126], %swap3A_129 {strides = array<i32>} : memref<1x1x2048xi32, #tpu.memory_space<vmem>>, vector<1x1x2048xi32>,
    %convert_element_type3A_130 = arith.sitofp %min3A_102 : vector<1x2048xi32> to vector<1x2048xf32>
    %add3A_131 = arith.constant 5.000000e-01 : f32
    %add3A_132 = vector.broadcast %add3A_131 : f32 to vector<1x2048xf32>
    %add3A_133 = arith.addf %convert_element_type3A_130, %add3A_132 : vector<1x2048xf32>
    %mul3A_134 = arith.constant 4.000000e-01 : f32
    %mul3A_135 = vector.broadcast %mul3A_134 : f32 to vector<1x2048xf32>
    %mul3A_136 = arith.mulf %add3A_133, %mul3A_135 : vector<1x2048xf32>
    %add3A_137 = arith.constant -5.120000e+01 : f32
    %add3A_138 = vector.broadcast %add3A_137 : f32 to vector<1x2048xf32>
    %add3A_139 = arith.addf %mul3A_136, %add3A_138 : vector<1x2048xf32>
    %convert_element_type3A_140 = arith.sitofp %min3A_116 : vector<1x2048xi32> to vector<1x2048xf32>
    %add3A_141 = arith.constant 5.000000e-01 : f32
    %add3A_142 = vector.broadcast %add3A_141 : f32 to vector<1x2048xf32>
    %add3A_143 = arith.addf %convert_element_type3A_140, %add3A_142 : vector<1x2048xf32>
    %mul3A_144 = arith.constant 4.000000e-01 : f32
    %mul3A_145 = vector.broadcast %mul3A_144 : f32 to vector<1x2048xf32>
    %mul3A_146 = arith.mulf %add3A_143, %mul3A_145 : vector<1x2048xf32>
    %add3A_147 = arith.constant -5.120000e+01 : f32
    %add3A_148 = vector.broadcast %add3A_147 : f32 to vector<1x2048xf32>
    %add3A_149 = arith.addf %mul3A_146, %add3A_148 : vector<1x2048xf32>
    %broadcast_in_dim3A_150 = arith.constant 1.000000e+00 : f32
    %broadcast_in_dim3A_151 = vector.broadcast %broadcast_in_dim3A_150 : f32 to vector<1x2048xf32>
    %broadcast_in_dim3A_152 = arith.constant 0.000000e+00 : f32
    %broadcast_in_dim3A_153 = vector.broadcast %broadcast_in_dim3A_152 : f32 to vector<2x2048xf32>
    %concatenate3A_154 = tpu.concatenate %broadcast_in_dim3A_151, %slice3A_86, %slice3A_87, %slice3A_88, %add3A_139, %add3A_149, %broadcast_in_dim3A_153 in 0 : vector<1x2048xf32>, vector<1x2048xf32>, vector<1x2048xf32>, vector<1x2048xf32>, vector<1x2048xf32>, vector<1x2048xf32>, vector<2x2048xf32> -> vector<8x2048xf32>
    %jit3A_155 = arith.constant 0.000000e+00 : f32
    %broadcast_in_dim3A_156 = vector.shape_cast %lt3A_13 : vector<1x2048xi1> to vector<1x2048xi1>
    %broadcast_in_dim3A_157 = vector.broadcast %broadcast_in_dim3A_156 : vector<1x2048xi1> to vector<8x2048xi1>
    %broadcast_in_dim3A_158 = vector.broadcast %jit3A_155 : f32 to vector<8x2048xf32>
    %select_n3A_159 = arith.select %broadcast_in_dim3A_157, %concatenate3A_154, %broadcast_in_dim3A_158 : vector<8x2048xi1>, vector<8x2048xf32>
    %swap3A_160 = arith.constant 0 : index
    %swap3A_161 = arith.constant 0 : index
    %swap3A_162 = vector.load %arg6[%swap3A_160, %swap3A_161] : memref<8x2048xf32, #tpu.memory_space<vmem>>, vector<8x2048xf32>
    tpu.vector_store %arg6[%swap3A_160, %swap3A_161], %select_n3A_159 {strides = array<i32>} : memref<8x2048xf32, #tpu.memory_space<vmem>>, vector<8x2048xf32>,
    return
  }
  func.func @transform_0(%arg0: i32) -> (i32, i32) {
    %c0_i32 = arith.constant 0 : i32
    %c0_i32_0 = arith.constant 0 : i32
    return %c0_i32, %arg0 : i32, i32
  }
  func.func @transform_1(%arg0: i32) -> (i32, i32) {
    %c0_i32 = arith.constant 0 : i32
    %c0_i32_0 = arith.constant 0 : i32
    return %c0_i32, %arg0 : i32, i32
  }
  func.func @transform_2(%arg0: i32) -> (i32, i32, i32) {
    %c0_i32 = arith.constant 0 : i32
    %c0_i32_0 = arith.constant 0 : i32
    %c0_i32_1 = arith.constant 0 : i32
    return %arg0, %c0_i32, %c0_i32_0 : i32, i32, i32
  }
  func.func @transform_3(%arg0: i32) -> (i32, i32) {
    %c0_i32 = arith.constant 0 : i32
    %c0_i32_0 = arith.constant 0 : i32
    return %c0_i32, %arg0 : i32, i32
  }
  func.func @transform_4(%arg0: i32) -> (i32, i32, i32) {
    %c0_i32 = arith.constant 0 : i32
    %c0_i32_0 = arith.constant 0 : i32
    %c0_i32_1 = arith.constant 0 : i32
    return %arg0, %c0_i32, %c0_i32_0 : i32, i32, i32
  }
  func.func @transform_5(%arg0: i32) -> (i32, i32) {
    %c0_i32 = arith.constant 0 : i32
    %c0_i32_0 = arith.constant 0 : i32
    return %c0_i32, %arg0 : i32, i32
  }
}

module attributes {stable_mosaic.version = 14 : i64} {
  func.func @_pfn_body(%arg0: i32, %arg1: memref<8x2048xf32, #tpu.memory_space<vmem>>, %arg2: memref<8x2048xf32, #tpu.memory_space<vmem>>, %arg3: memref<8x2048xf32, #tpu.memory_space<vmem>>, %arg4: memref<8x2048xf32, #tpu.memory_space<vmem>>, %arg5: memref<64x16xf32, #tpu.memory_space<vmem>>, %arg6: memref<64x2048xf32, #tpu.memory_space<vmem>>, %arg7: memref<64x2048xf32, #tpu.memory_space<vmem>>) attributes {dimension_semantics = [#tpu.dimension_semantics<arbitrary>], iteration_bounds = array<i64: 98>, scalar_prefetch = 0 : i64, scratch_operands = 0 : i64, tpu.core_type = #tpu.core_type<tc>, window_params = [{transform_indices = @transform_0, window_bounds = array<i64: 8, 2048>}, {transform_indices = @transform_1, window_bounds = array<i64: 8, 2048>}, {transform_indices = @transform_2, window_bounds = array<i64: 8, 2048>}, {transform_indices = @transform_3, window_bounds = array<i64: 8, 2048>}, {pipeline_mode = #tpu.pipeline_mode<synchronous>, transform_indices = @transform_4, window_bounds = array<i64: 64, 16>}, {transform_indices = @transform_5, window_bounds = array<i64: 64, 2048>}, {transform_indices = @transform_6, window_bounds = array<i64: 64, 2048>}]} {
    %get3A = arith.constant 0 : index
    %get3A_0 = arith.constant 0 : index
    %get3A_1 = vector.load %arg5[%get3A, %get3A_0] : memref<64x16xf32, #tpu.memory_space<vmem>>, vector<64x16xf32>
    %get3A_2 = arith.constant 0 : index
    %get3A_3 = arith.constant 0 : index
    %get3A_4 = vector.load %arg1[%get3A_2, %get3A_3] : memref<8x2048xf32, #tpu.memory_space<vmem>>, vector<8x2048xf32>
    %get3A_5 = arith.constant 0 : index
    %get3A_6 = arith.constant 0 : index
    %get3A_7 = vector.load %arg2[%get3A_5, %get3A_6] : memref<8x2048xf32, #tpu.memory_space<vmem>>, vector<8x2048xf32>
    %slice3A = vector.extract_strided_slice %get3A_4 {offsets = [0, 0], sizes = [1, 2048], strides = [1, 1]} : vector<8x2048xf32> to vector<1x2048xf32>
    %slice3A_8 = vector.extract_strided_slice %get3A_4 {offsets = [1, 0], sizes = [1, 2048], strides = [1, 1]} : vector<8x2048xf32> to vector<1x2048xf32>
    %slice3A_9 = vector.extract_strided_slice %get3A_4 {offsets = [2, 0], sizes = [1, 2048], strides = [1, 1]} : vector<8x2048xf32> to vector<1x2048xf32>
    %slice3A_10 = vector.extract_strided_slice %get3A_4 {offsets = [3, 0], sizes = [1, 2048], strides = [1, 1]} : vector<8x2048xf32> to vector<1x2048xf32>
    %slice3A_11 = vector.extract_strided_slice %get3A_4 {offsets = [4, 0], sizes = [1, 2048], strides = [1, 1]} : vector<8x2048xf32> to vector<1x2048xf32>
    %slice3A_12 = vector.extract_strided_slice %get3A_4 {offsets = [5, 0], sizes = [1, 2048], strides = [1, 1]} : vector<8x2048xf32> to vector<1x2048xf32>
    %slice3A_13 = vector.extract_strided_slice %get3A_7 {offsets = [0, 0], sizes = [1, 2048], strides = [1, 1]} : vector<8x2048xf32> to vector<1x2048xf32>
    %max3A = arith.constant 1.000000e+00 : f32
    %max3A_14 = vector.broadcast %max3A : f32 to vector<1x2048xf32>
    %max3A_15 = arith.maximumf %slice3A_13, %max3A_14 : vector<1x2048xf32>
    %slice3A_16 = vector.extract_strided_slice %get3A_7 {offsets = [1, 0], sizes = [1, 2048], strides = [1, 1]} : vector<8x2048xf32> to vector<1x2048xf32>
    %div3A = arith.divf %slice3A_16, %max3A_15 : vector<1x2048xf32>
    %slice3A_17 = vector.extract_strided_slice %get3A_7 {offsets = [2, 0], sizes = [1, 2048], strides = [1, 1]} : vector<8x2048xf32> to vector<1x2048xf32>
    %div3A_18 = arith.divf %slice3A_17, %max3A_15 : vector<1x2048xf32>
    %slice3A_19 = vector.extract_strided_slice %get3A_7 {offsets = [3, 0], sizes = [1, 2048], strides = [1, 1]} : vector<8x2048xf32> to vector<1x2048xf32>
    %div3A_20 = arith.divf %slice3A_19, %max3A_15 : vector<1x2048xf32>
    %broadcast_in_dim3A = arith.constant 0.000000e+00 : f32
    %broadcast_in_dim3A_21 = vector.broadcast %broadcast_in_dim3A : f32 to vector<7x2048xf32>
    %sub3A = arith.subf %slice3A_8, %div3A : vector<1x2048xf32>
    %sub3A_22 = arith.subf %slice3A_9, %div3A_18 : vector<1x2048xf32>
    %sub3A_23 = arith.subf %slice3A_10, %div3A_20 : vector<1x2048xf32>
    %sub3A_24 = arith.subf %slice3A_8, %slice3A_11 : vector<1x2048xf32>
    %sub3A_25 = arith.subf %slice3A_9, %slice3A_12 : vector<1x2048xf32>
    %concatenate3A = tpu.concatenate %slice3A_8, %slice3A_9, %slice3A_10, %sub3A, %sub3A_22, %sub3A_23, %sub3A_24, %sub3A_25, %broadcast_in_dim3A_21, %slice3A in 0 : vector<1x2048xf32>, vector<1x2048xf32>, vector<1x2048xf32>, vector<1x2048xf32>, vector<1x2048xf32>, vector<1x2048xf32>, vector<1x2048xf32>, vector<1x2048xf32>, vector<7x2048xf32>, vector<1x2048xf32> -> vector<16x2048xf32>
    %dot_general3A = arith.constant dense<0.000000e+00> : vector<64x2048xf32>
    %dot_general3A_26 = tpu.matmul %get3A_1, %concatenate3A, %dot_general3A {dimension_numbers = #tpu.dot_dimension_numbers<[1], [0], [0], [1], [0, 0, 1, 1], [], []>, transpose_lhs_hint = false} : vector<64x16xf32>, vector<16x2048xf32>, vector<64x2048xf32> -> vector<64x2048xf32>
    %gt3A = arith.constant 0.000000e+00 : f32
    %gt3A_27 = vector.broadcast %gt3A : f32 to vector<1x2048xf32>
    %gt3A_28 = arith.cmpf ogt, %slice3A, %gt3A_27 : vector<1x2048xf32>
    %max3A_29 = arith.constant 0.000000e+00 : f32
    %max3A_30 = vector.broadcast %max3A_29 : f32 to vector<64x2048xf32>
    %max3A_31 = arith.maximumf %dot_general3A_26, %max3A_30 : vector<64x2048xf32>
    %jit3A = arith.constant 0.000000e+00 : f32
    %broadcast_in_dim3A_32 = vector.shape_cast %gt3A_28 : vector<1x2048xi1> to vector<1x2048xi1>
    %broadcast_in_dim3A_33 = vector.broadcast %broadcast_in_dim3A_32 : vector<1x2048xi1> to vector<64x2048xi1>
    %broadcast_in_dim3A_34 = vector.broadcast %jit3A : f32 to vector<64x2048xf32>
    %select_n3A = arith.select %broadcast_in_dim3A_33, %max3A_31, %broadcast_in_dim3A_34 : vector<64x2048xi1>, vector<64x2048xf32>
    %swap3A = arith.constant 0 : index
    %swap3A_35 = arith.constant 0 : index
    %swap3A_36 = vector.load %arg6[%swap3A, %swap3A_35] : memref<64x2048xf32, #tpu.memory_space<vmem>>, vector<64x2048xf32>
    tpu.vector_store %arg6[%swap3A, %swap3A_35], %select_n3A {strides = array<i32>} : memref<64x2048xf32, #tpu.memory_space<vmem>>, vector<64x2048xf32>,
    %get3A_37 = arith.constant 0 : index
    %get3A_38 = arith.constant 0 : index
    %get3A_39 = vector.load %arg3[%get3A_37, %get3A_38] : memref<8x2048xf32, #tpu.memory_space<vmem>>, vector<8x2048xf32>
    %get3A_40 = arith.constant 0 : index
    %get3A_41 = arith.constant 0 : index
    %get3A_42 = vector.load %arg4[%get3A_40, %get3A_41] : memref<8x2048xf32, #tpu.memory_space<vmem>>, vector<8x2048xf32>
    %slice3A_43 = vector.extract_strided_slice %get3A_39 {offsets = [0, 0], sizes = [1, 2048], strides = [1, 1]} : vector<8x2048xf32> to vector<1x2048xf32>
    %slice3A_44 = vector.extract_strided_slice %get3A_39 {offsets = [1, 0], sizes = [1, 2048], strides = [1, 1]} : vector<8x2048xf32> to vector<1x2048xf32>
    %slice3A_45 = vector.extract_strided_slice %get3A_39 {offsets = [2, 0], sizes = [1, 2048], strides = [1, 1]} : vector<8x2048xf32> to vector<1x2048xf32>
    %slice3A_46 = vector.extract_strided_slice %get3A_39 {offsets = [3, 0], sizes = [1, 2048], strides = [1, 1]} : vector<8x2048xf32> to vector<1x2048xf32>
    %slice3A_47 = vector.extract_strided_slice %get3A_39 {offsets = [4, 0], sizes = [1, 2048], strides = [1, 1]} : vector<8x2048xf32> to vector<1x2048xf32>
    %slice3A_48 = vector.extract_strided_slice %get3A_39 {offsets = [5, 0], sizes = [1, 2048], strides = [1, 1]} : vector<8x2048xf32> to vector<1x2048xf32>
    %slice3A_49 = vector.extract_strided_slice %get3A_42 {offsets = [0, 0], sizes = [1, 2048], strides = [1, 1]} : vector<8x2048xf32> to vector<1x2048xf32>
    %max3A_50 = arith.constant 1.000000e+00 : f32
    %max3A_51 = vector.broadcast %max3A_50 : f32 to vector<1x2048xf32>
    %max3A_52 = arith.maximumf %slice3A_49, %max3A_51 : vector<1x2048xf32>
    %slice3A_53 = vector.extract_strided_slice %get3A_42 {offsets = [1, 0], sizes = [1, 2048], strides = [1, 1]} : vector<8x2048xf32> to vector<1x2048xf32>
    %div3A_54 = arith.divf %slice3A_53, %max3A_52 : vector<1x2048xf32>
    %slice3A_55 = vector.extract_strided_slice %get3A_42 {offsets = [2, 0], sizes = [1, 2048], strides = [1, 1]} : vector<8x2048xf32> to vector<1x2048xf32>
    %div3A_56 = arith.divf %slice3A_55, %max3A_52 : vector<1x2048xf32>
    %slice3A_57 = vector.extract_strided_slice %get3A_42 {offsets = [3, 0], sizes = [1, 2048], strides = [1, 1]} : vector<8x2048xf32> to vector<1x2048xf32>
    %div3A_58 = arith.divf %slice3A_57, %max3A_52 : vector<1x2048xf32>
    %broadcast_in_dim3A_59 = arith.constant 0.000000e+00 : f32
    %broadcast_in_dim3A_60 = vector.broadcast %broadcast_in_dim3A_59 : f32 to vector<7x2048xf32>
    %sub3A_61 = arith.subf %slice3A_44, %div3A_54 : vector<1x2048xf32>
    %sub3A_62 = arith.subf %slice3A_45, %div3A_56 : vector<1x2048xf32>
    %sub3A_63 = arith.subf %slice3A_46, %div3A_58 : vector<1x2048xf32>
    %sub3A_64 = arith.subf %slice3A_44, %slice3A_47 : vector<1x2048xf32>
    %sub3A_65 = arith.subf %slice3A_45, %slice3A_48 : vector<1x2048xf32>
    %concatenate3A_66 = tpu.concatenate %slice3A_44, %slice3A_45, %slice3A_46, %sub3A_61, %sub3A_62, %sub3A_63, %sub3A_64, %sub3A_65, %broadcast_in_dim3A_60, %slice3A_43 in 0 : vector<1x2048xf32>, vector<1x2048xf32>, vector<1x2048xf32>, vector<1x2048xf32>, vector<1x2048xf32>, vector<1x2048xf32>, vector<1x2048xf32>, vector<1x2048xf32>, vector<7x2048xf32>, vector<1x2048xf32> -> vector<16x2048xf32>
    %dot_general3A_67 = arith.constant dense<0.000000e+00> : vector<64x2048xf32>
    %dot_general3A_68 = tpu.matmul %get3A_1, %concatenate3A_66, %dot_general3A_67 {dimension_numbers = #tpu.dot_dimension_numbers<[1], [0], [0], [1], [0, 0, 1, 1], [], []>, transpose_lhs_hint = false} : vector<64x16xf32>, vector<16x2048xf32>, vector<64x2048xf32> -> vector<64x2048xf32>
    %gt3A_69 = arith.constant 0.000000e+00 : f32
    %gt3A_70 = vector.broadcast %gt3A_69 : f32 to vector<1x2048xf32>
    %gt3A_71 = arith.cmpf ogt, %slice3A_43, %gt3A_70 : vector<1x2048xf32>
    %max3A_72 = arith.constant 0.000000e+00 : f32
    %max3A_73 = vector.broadcast %max3A_72 : f32 to vector<64x2048xf32>
    %max3A_74 = arith.maximumf %dot_general3A_68, %max3A_73 : vector<64x2048xf32>
    %jit3A_75 = arith.constant 0.000000e+00 : f32
    %broadcast_in_dim3A_76 = vector.shape_cast %gt3A_71 : vector<1x2048xi1> to vector<1x2048xi1>
    %broadcast_in_dim3A_77 = vector.broadcast %broadcast_in_dim3A_76 : vector<1x2048xi1> to vector<64x2048xi1>
    %broadcast_in_dim3A_78 = vector.broadcast %jit3A_75 : f32 to vector<64x2048xf32>
    %select_n3A_79 = arith.select %broadcast_in_dim3A_77, %max3A_74, %broadcast_in_dim3A_78 : vector<64x2048xi1>, vector<64x2048xf32>
    %swap3A_80 = arith.constant 0 : index
    %swap3A_81 = arith.constant 0 : index
    %swap3A_82 = vector.load %arg7[%swap3A_80, %swap3A_81] : memref<64x2048xf32, #tpu.memory_space<vmem>>, vector<64x2048xf32>
    tpu.vector_store %arg7[%swap3A_80, %swap3A_81], %select_n3A_79 {strides = array<i32>} : memref<64x2048xf32, #tpu.memory_space<vmem>>, vector<64x2048xf32>,
    return
  }
  func.func @transform_0(%arg0: i32) -> (i32, i32) {
    %c0_i32 = arith.constant 0 : i32
    %c0_i32_0 = arith.constant 0 : i32
    return %c0_i32, %arg0 : i32, i32
  }
  func.func @transform_1(%arg0: i32) -> (i32, i32) {
    %c0_i32 = arith.constant 0 : i32
    %c0_i32_0 = arith.constant 0 : i32
    return %c0_i32, %arg0 : i32, i32
  }
  func.func @transform_2(%arg0: i32) -> (i32, i32) {
    %c0_i32 = arith.constant 0 : i32
    %c0_i32_0 = arith.constant 0 : i32
    return %c0_i32, %arg0 : i32, i32
  }
  func.func @transform_3(%arg0: i32) -> (i32, i32) {
    %c0_i32 = arith.constant 0 : i32
    %c0_i32_0 = arith.constant 0 : i32
    return %c0_i32, %arg0 : i32, i32
  }
  func.func @transform_4(%arg0: i32) -> (i32, i32) {
    %c0_i32 = arith.constant 0 : i32
    %c0_i32_0 = arith.constant 0 : i32
    %c0_i32_1 = arith.constant 0 : i32
    return %c0_i32, %c0_i32_0 : i32, i32
  }
  func.func @transform_5(%arg0: i32) -> (i32, i32) {
    %c0_i32 = arith.constant 0 : i32
    %c0_i32_0 = arith.constant 0 : i32
    return %c0_i32, %arg0 : i32, i32
  }
  func.func @transform_6(%arg0: i32) -> (i32, i32) {
    %c0_i32 = arith.constant 0 : i32
    %c0_i32_0 = arith.constant 0 : i32
    return %c0_i32, %arg0 : i32, i32
  }
}

module attributes {stable_mosaic.version = 14 : i64} {
  func.func @_combine_body(%arg0: i32, %arg1: i32, %arg2: memref<1x64x512xf32, #tpu.memory_space<vmem>>, %arg3: memref<1x64x512xf32, #tpu.memory_space<vmem>>, %arg4: memref<1x4x512xf32, #tpu.memory_space<vmem>>, %arg5: memref<1x4x512xf32, #tpu.memory_space<vmem>>, %arg6: memref<512x64xf32, #tpu.memory_space<vmem>>) attributes {dimension_semantics = [#tpu.dimension_semantics<arbitrary>, #tpu.dimension_semantics<arbitrary>], iteration_bounds = array<i64: 2, 128>, scalar_prefetch = 0 : i64, scratch_operands = 0 : i64, tpu.core_type = #tpu.core_type<tc>, window_params = [{transform_indices = @transform_0, window_bounds = array<i64: 1, 64, 512>}, {transform_indices = @transform_1, window_bounds = array<i64: 1, 64, 512>}, {transform_indices = @transform_2, window_bounds = array<i64: 1, 4, 512>}, {transform_indices = @transform_3, window_bounds = array<i64: 1, 4, 512>}, {transform_indices = @transform_4, window_bounds = array<i64: 512, 64>}]} {
    %get3A = arith.constant 0 : index
    %get3A_0 = arith.constant 0 : index
    %get3A_1 = arith.constant 0 : index
    %get3A_2 = vector.load %arg4[%get3A, %get3A_0, %get3A_1] : memref<1x4x512xf32, #tpu.memory_space<vmem>>, vector<1x1x512xf32>
    %get3A_3 = vector.shape_cast %get3A_2 : vector<1x1x512xf32> to vector<1x512xf32>
    %max3A = arith.constant 1.000000e+00 : f32
    %max3A_4 = vector.broadcast %max3A : f32 to vector<1x512xf32>
    %max3A_5 = arith.maximumf %get3A_3, %max3A_4 : vector<1x512xf32>
    %get3A_6 = arith.constant 0 : index
    %get3A_7 = arith.constant 0 : index
    %get3A_8 = arith.constant 0 : index
    %get3A_9 = vector.load %arg5[%get3A_6, %get3A_7, %get3A_8] : memref<1x4x512xf32, #tpu.memory_space<vmem>>, vector<1x1x512xf32>
    %get3A_10 = vector.shape_cast %get3A_9 : vector<1x1x512xf32> to vector<1x512xf32>
    %max3A_11 = arith.constant 1.000000e+00 : f32
    %max3A_12 = vector.broadcast %max3A_11 : f32 to vector<1x512xf32>
    %max3A_13 = arith.maximumf %get3A_10, %max3A_12 : vector<1x512xf32>
    %get3A_14 = arith.constant 0 : index
    %get3A_15 = arith.constant 0 : index
    %get3A_16 = arith.constant 0 : index
    %get3A_17 = vector.load %arg3[%get3A_14, %get3A_15, %get3A_16] : memref<1x64x512xf32, #tpu.memory_space<vmem>>, vector<1x64x512xf32>
    %get3A_18 = vector.shape_cast %get3A_17 : vector<1x64x512xf32> to vector<64x512xf32>
    %div3A = vector.broadcast %max3A_13 : vector<1x512xf32> to vector<64x512xf32>
    %div3A_19 = arith.divf %get3A_18, %div3A : vector<64x512xf32>
    %get3A_20 = arith.constant 0 : index
    %get3A_21 = arith.constant 0 : index
    %get3A_22 = arith.constant 0 : index
    %get3A_23 = vector.load %arg2[%get3A_20, %get3A_21, %get3A_22] : memref<1x64x512xf32, #tpu.memory_space<vmem>>, vector<1x64x512xf32>
    %get3A_24 = vector.shape_cast %get3A_23 : vector<1x64x512xf32> to vector<64x512xf32>
    %div3A_25 = vector.broadcast %max3A_5 : vector<1x512xf32> to vector<64x512xf32>
    %div3A_26 = arith.divf %get3A_24, %div3A_25 : vector<64x512xf32>
    %sub3A = arith.subf %div3A_19, %div3A_26 : vector<64x512xf32>
    %transpose3A = tpu.transpose %sub3A, [1, 0] : vector<64x512xf32> -> vector<512x64xf32>
    %swap3A = arith.constant 0 : index
    %swap3A_27 = arith.constant 0 : index
    %swap3A_28 = vector.load %arg6[%swap3A, %swap3A_27] : memref<512x64xf32, #tpu.memory_space<vmem>>, vector<512x64xf32>
    tpu.vector_store %arg6[%swap3A, %swap3A_27], %transpose3A {strides = array<i32>} : memref<512x64xf32, #tpu.memory_space<vmem>>, vector<512x64xf32>,
    return
  }
  func.func @transform_0(%arg0: i32, %arg1: i32) -> (i32, i32, i32) {
    %c0_i32 = arith.constant 0 : i32
    %c0_i32_0 = arith.constant 0 : i32
    return %arg0, %c0_i32, %arg1 : i32, i32, i32
  }
  func.func @transform_1(%arg0: i32, %arg1: i32) -> (i32, i32, i32) {
    %c0_i32 = arith.constant 0 : i32
    %c0_i32_0 = arith.constant 0 : i32
    return %arg0, %c0_i32, %arg1 : i32, i32, i32
  }
  func.func @transform_2(%arg0: i32, %arg1: i32) -> (i32, i32, i32) {
    %c0_i32 = arith.constant 0 : i32
    %c0_i32_0 = arith.constant 0 : i32
    return %arg0, %c0_i32, %arg1 : i32, i32, i32
  }
  func.func @transform_3(%arg0: i32, %arg1: i32) -> (i32, i32, i32) {
    %c0_i32 = arith.constant 0 : i32
    %c0_i32_0 = arith.constant 0 : i32
    return %arg0, %c0_i32, %arg1 : i32, i32, i32
  }
  func.func @transform_4(%arg0: i32, %arg1: i32) -> (i32, i32) {
    %mul3A = arith.constant 128 : i32
    %mul3A_0 = arith.muli %arg0, %mul3A : i32
    %add3A = arith.addi %mul3A_0, %arg1 : i32
    %c0_i32 = arith.constant 0 : i32
    %c0_i32_1 = arith.constant 0 : i32
    return %add3A, %c0_i32 : i32, i32
  }
}

</mosaic_0001>

<sc_bundles>
// kernel: kernel.10.cloned.1.call-start
scs
__scs_entry_jumppad:
0x0: {  	(pc) =	sbr.rel $0x88, $3  }
0x1: {  	(tag) =	ssettag $0x0;
	lr =	simm.s32 $0x1  }
0x2: {  	[smem:$0x3F9D] =	sst lr;
	_ =	strace $0xD0000000  }
0x3: {  	_ = 	snop  }
0x4: {  	_ = 	snop  }
0x5: {  	_ = 	snop  }
0x6: {  	_ = 	snop  }
0x7: {  	_ = 	snop  }
__scs_overlays_trampoline_lowered:
0x8: {  	[smem:$0x3FAC] =	sst s0  }
0x9: {  	[smem:$0x3FAD] =	sst s1  }
0xa: {  	[smem:$0x3FAE] =	sst s2  }
0xb: {  	[smem:$0x3FAF] =	sst s3  }
0xc: {  	[smem:$0x3FB0] =	sst s4  }
0xd: {  	[smem:$0x3FB1] =	sst s5  }
0xe: {  	[smem:$0x3FB2] =	sst s6  }
0xf: {  	[smem:$0x3FB3] =	sst s7  }
0x10: {  	[smem:$0x3FB4] =	sst s8  }
0x11: {  	[smem:$0x3FB5] =	sst s9;
	s0 =	simm.s32 @!p0 $0x0  }
0x12: {  	s1 =	sld [smem:$0x3F9B];
	s0 =	simm.s32 @p0 $0x1  }
0x13: {  	[smem:$0x3FB6] =	sst s0;
	s0 =	simm.s32 @!p1 $0x0  }
0x14: {  	s2 =	sld [smem:$0x3F9A];
	s0 =	simm.s32 @p1 $0x1  }
0x15: {  	[smem:$0x3FB7] =	sst s0;
	s0 =	simm.s32 @!p2 $0x0  }
0x16: {  	s3 =	sld [smem:$0x3FDB];
	s0 =	simm.s32 @p2 $0x1  }
0x17: {  	s4 =	simm.s32 $0x1BF5;
	[smem:$0x3FB9] =	sst s0  }
0x18: {  	s0 =	sld [smem:$0x3F9C];
	_ =	swait.ge [sflag:s4], $0x0  }
0x19: {  	s7 =	sld [smem:$0x3F9D]  }
0x1a: {  	s8 =	sadd.s32 $0xFFFFE003, lr  }
0x1b: {  	s9 =	sadd.s32 $0xFFFFFEF7, lr;
	s5 =	simm.s32 $0xFFFFFFFF;
	p2 =	slt.u32 s8, $0xFFFFF086  }
0x1c: {  	p1 =	slt.u32 s9, $0xF7A;
	s5 =	simm.s32 @!p2 $0x0  }
0x1d: {  	s5 =	simm.s32 @p1 $0x1;
	p0 =	seq.s32 s7, s2  }
0x1e: {  	s7 =	smul.u32 @!p0 $0xF7A, s2;
	p2 =	seq.s32 @!p0 s5, $0x0  }
0x1f: {  	s9 =	smul.u32 $0xF7A, s1;
	s8 =	simm.s32 @!p0 $0x1BF5;
	p2 =	por !p2, p0  }
0x20: {  	[sflag:s8] =	ssyncset.s32 @!p0 $0xFFFFF086;
	s6 =	sadd.s32 @!p0 s3, s7;
	s7 =	simm.s32 @!p0 $0x108  }
0x21: {  	s3 =	sadd.s32 s3, s9;
	s6 =	sadd.s32 @!p0 $0x88, s6;
	s7 =	simm.s32 @p2 $0x1082  }
0x22: {  	[simem:s7], [sflag:s8] =	dma.local @!p0 [hbm:s6], $0xF7A  }
0x23: {  	s9 =	sor.u32 $0xD0000000, s2;
	s6 =	simm.s32 $0x108;
	_ =	swait.ge @!p0 [sflag:s8], $0x0  }
0x24: {  	s3 =	sadd.s32 $0x88, s3;
	s6 =	simm.s32 @!p1 $0x1082;
	[sflag:s4] =	ssyncset.s32 $0xFFFFF086  }
0x25: {  	[simem:s6], [sflag:s4] =	dma.local [hbm:s3], $0xF7A  }
0x26: {  	[smem:$0x3F9D] =	sst s1;
	(tag) =	ssettag s2;
	_ =	strace s9  }
0x27: {  	s1 =	sld [smem:$0x3FAD]  }
0x28: {  	s2 =	sld [smem:$0x3FAE]  }
0x29: {  	s4 =	sld [smem:$0x3FB0]  }
0x2a: {  	p0 =	seq.s32 s5, $0x0;
	s5 =	sld [smem:$0x3FB1]  }
0x2b: {  	s6 =	sld [smem:$0x3FB2]  }
0x2c: {  	s7 =	sld [smem:$0x3FB3]  }
0x2d: {  	s3 =	simm.s32 $0x108;
	s8 =	sld [smem:$0x3FB4]  }
0x2e: {  	s3 =	simm.s32 @!p0 $0x1082;
	s9 =	sld [smem:$0x3FB5]  }
0x2f: {  	lr =	sadd.s32 s0, s3;
	s0 =	sld [smem:$0x3FAC]  }
0x30: {  	s3 =	sld [smem:$0x3FAF]  }
0x31: {  	[smem:$0x3FB8] =	sst s10  }
0x32: {  	s10 =	sld [smem:$0x3FB6];
	_ =	sdelay $0x3  }
0x33: {  	p0 =	seq.s32 s10, $0x1;
	s10 =	sld [smem:$0x3FB8];
	_ =	sdelay $0x3  }
0x34: {  	[smem:$0x3FB8] =	sst s10  }
0x35: {  	s10 =	sld [smem:$0x3FB7];
	_ =	sdelay $0x3  }
0x36: {  	p1 =	seq.s32 s10, $0x1;
	s10 =	sld [smem:$0x3FB8];
	_ =	sdelay $0x3  }
0x37: {  	[smem:$0x3FB8] =	sst s10  }
0x38: {  	s10 =	sld [smem:$0x3FB9]  }
0x39: {  	_ = 	snop;
	(pc) =	sbr.ind lr, $3  }
0x3a: {  	_ = 	snop  }
0x3b: {  	_ = 	snop  }
0x3c: {  	p2 =	seq.s32 s10, $0x1;
	s10 =	sld [smem:$0x3FB8]  }
0x3d: {  	_ =	shalt  }
0x3e: {  	_ =	shalt  }
0x3f: {  	_ =	shalt  }
0x40: {  	_ =	shalt  }
0x41: {  	_ =	shalt  }
0x42: {  	_ =	shalt  }
0x43: {  	_ =	shalt  }
0x44: {  	_ =	shalt  }
0x45: {  	_ =	shalt  }
0x46: {  	_ =	shalt  }
0x47: {  	_ =	shalt  }
0x48: {  	_ =	shalt  }
0x49: {  	_ =	shalt  }
0x4a: {  	_ =	shalt  }
0x4b: {  	_ =	shalt  }
0x4c: {  	_ =	shalt  }
0x4d: {  	_ =	shalt  }
0x4e: {  	_ =	shalt  }
0x4f: {  	_ =	shalt  }
0x50: {  	_ =	shalt  }
0x51: {  	_ =	shalt  }
0x52: {  	_ =	shalt  }
0x53: {  	_ =	shalt  }
0x54: {  	_ =	shalt  }
0x55: {  	_ =	shalt  }
0x56: {  	_ =	shalt  }
0x57: {  	_ =	shalt  }
0x58: {  	_ =	shalt  }
0x59: {  	_ =	shalt  }
0x5a: {  	_ =	shalt  }
0x5b: {  	_ =	shalt  }
0x5c: {  	_ =	shalt  }
0x5d: {  	_ =	shalt  }
0x5e: {  	_ =	shalt  }
0x5f: {  	_ =	shalt  }
0x60: {  	_ =	shalt  }
0x61: {  	_ =	shalt  }
0x62: {  	_ =	shalt  }
0x63: {  	_ =	shalt  }
0x64: {  	_ =	shalt  }
0x65: {  	_ =	shalt  }
0x66: {  	_ =	shalt  }
0x67: {  	_ =	shalt  }
0x68: {  	_ =	shalt  }
0x69: {  	_ =	shalt  }
0x6a: {  	_ =	shalt  }
0x6b: {  	_ =	shalt  }
0x6c: {  	_ =	shalt  }
0x6d: {  	_ =	shalt  }
0x6e: {  	_ =	shalt  }
0x6f: {  	_ =	shalt  }
0x70: {  	_ =	shalt  }
0x71: {  	_ =	shalt  }
0x72: {  	_ =	shalt  }
0x73: {  	_ =	shalt  }
0x74: {  	_ =	shalt  }
0x75: {  	_ =	shalt  }
0x76: {  	_ =	shalt  }
0x77: {  	_ =	shalt  }
0x78: {  	_ =	shalt  }
0x79: {  	_ =	shalt  }
0x7a: {  	_ =	shalt  }
0x7b: {  	_ =	shalt  }
0x7c: {  	_ =	shalt  }
0x7d: {  	_ =	shalt  }
0x7e: {  	_ =	shalt  }
0x7f: {  	_ =	shalt  }
0x80: {  	_ =	shalt  }
0x81: {  	_ =	shalt  }
0x82: {  	_ =	shalt  }
0x83: {  	_ =	shalt  }
0x84: {  	_ =	shalt  }
0x85: {  	_ =	shalt  }
0x86: {  	_ =	shalt  }
0x87: {  	_ =	shalt  }
.Lfunc_end0:
.L_simem_size_0:
called_computation.3_lowered:
.L_overlay_start_0:
0x88: {  	s2 =	sld [smem:$0x3FD9]  }
0x89: {  	s3 =	sld [smem:$0x3FFE];
	_ =	sdelay $0x1  }
0x8a: {  	s1 =	srdreg.scid  }
0x8b: {  	s0 =	sand.u32 $0x1, s1  }
0x8c: {  	s16 =	sshll.u32 s0, $0xA;
	s2 =	sadd.s32 s3, s2  }
0x8d: {  	s2 =	sadd.s32 s2, s16  }
0x8e: {  	[smem:$0x3FC4] =	sst s2  }
0x8f: {  	_ = 	snop  }
0x90: {  	(tm) =	ssettm $0x1  }
0x91: {  	s17 =	sld [smem:$0x3FFB];
	_ =	sdelay $0x3  }
0x92: {  	_ =	strace s17  }
0x93: {  	s2 =	sld [smem:$0x3FFC];
	_ =	sdelay $0x3  }
0x94: {  	_ =	strace s2  }
0x95: {  	s2 =	sld [smem:$0x3FFD];
	_ =	sdelay $0x3  }
0x96: {  	_ =	strace s2  }
0x97: {  	_ =	strace $0x8FFFFFFF  }
0x98: {  	s18 =	sld [smem:$0x3FDB];
	_ =	sdelay $0x1  }
0x99: {  	s19 =	simm.s32 $_scs_section_size  }
0x9a: {  	s4 =	simm.s32 $_size__tile_overlayer_lowered;
	s5 =	simm.s32 $_tile_overlayer_lowered  }
0x9b: {  	s22 =	simm.s32 $0x1BFF;
	s21 =	sshll.u32 s5, $0x1;
	s2 =	sadd.s32 s19, s18  }
0x9c: {  	s6 =	simm.s32 $0x0;
	s20 =	sshll.u32 s4, $0x1;
	s4 =	sadd.s32 s21, s2  }
0x9d: {  	[timem:s6], [sflag:s22] =	dma.local [hbm:s4], s20  }
0x9e: {  	_ =	swait.ge [sflag:s22], s20  }
0x9f: {  	s3 =	ssub.s32 $0x0, s20;
	[sflag:s22] =	ssyncset.done $0x0  }
0xa0: {  	[sflag:s22] =	ssyncadd.s32 s3;
	_ =	sdelay $0x1  }
0xa1: {  	s23 =	simm.s32 $0x1B8B  }
0xa2: {  	_ =	swait.ge [sflag:s23], $0x1  }
0xa3: {  	[sflag:s23] =	ssyncset.done $0x0  }
0xa4: {  	s25 =	simm.s32 $0x1B8E;
	s24 =	sld [smem:$0x3FFE];
	[sflag:s23] =	ssyncadd.s32 $0xFFFFFFFF  }
0xa5: {  	s26 =	simm.s32 $execute0_lowered;
	[smem:$0x3FD2] =	sst s25  }
0xa6: {  	s4 =	sshll.u32 s26, $0x1;
	_ =	strace $0x8000004F;
	[dreg:$0x1] =	wrdreg $0xFFFFFFFF  }
0xa7: {  	s28 =	simm.s32 $_size_execute0_lowered;
	s2 =	sadd.s32 s2, s4;
	[dreg:$0x0] =	wrdreg $0x0  }
0xa8: {  	s4 =	sshll.u32 s28, $0x1;
	[dreg:$0x2] =	wrdreg s2  }
0xa9: {  	[dreg:$0x3] =	wrdreg s4  }
0xaa: {  	[dreg:$0x4] =	wrdreg $0xC0  }
0xab: {  	_ =	task [dreg:s6], $0x5FFFF  }
0xac: {  	[dreg:$0x1] =	wrdreg $0xFFFFFFFF  }
0xad: {  	[dreg:$0x0] =	wrdreg $0x60  }
0xae: {  	[dreg:$0x2] =	wrdreg s24  }
0xaf: {  	[dreg:$0x3] =	wrdreg $0x9  }
0xb0: {  	_ =	task.clear_ibuf [dreg:s6], $0x4FFFF;
	_ =	strace $0x9000004F  }
0xb1: {  	s29 =	simm.s32 $0x9;
	_ =	strace $0x80000051  }
0xb2: {  	_ =	swait.ge [sflag:s29], $0x1  }
0xb3: {  	[sflag:s29] =	ssyncadd.s32 $0xFFFFFFFF  }
0xb4: {  	_ =	strace $0x90000051  }
0xb5: {  	_ =	sfence  }
0xb6: {  	s30 =	sld [smem:$0x0];
	_ =	sdelay $0x2  }
0xb7: {  	s31 =	sshll.u32 s1, $0xD;
	s1 =	sshrl.u32 s1, $0x2  }
0xb8: {  	s3 =	sand.u32 $0x4000, s31;
	s1 =	sadd.s32 s1, s30  }
0xb9: {  	s0 =	sor.u32 s3, s0;
	s1 =	sshll.u32 s1, $0x11  }
0xba: {  	s0 =	sor.u32 s1, s0  }
0xbb: {  	s0 =	sadd.s32 $0x8F2B, s0  }
0xbc: {  	[sflag:s0] =	ssyncadd.remote.s32 $0x1  }
0xbd: {  	_ =	sfence.sel $0xFFFF  }
0xbe: {  	[dreg:$0x0] =	wrdreg $0xFFFFFFFF;
	(pc) =	sbr.abs _section_cstart, $3  }
0xbf: {  	[dreg:$0x1] =	wrdreg $0xFFFFFFFF  }
0xc0: {  	_ =	task.clear_ibuf [dreg:s6], $0x2FFFF;
	_ =	strace $0x9FFFFFFF  }
0xc1: {  	(tm) =	ssettm $0x7FFFFFFF  }
tec
execute0_lowered:
.L_overlay_start_1:
0x0: {  	(tag) =	ssettag $0x1  }
0x1: {  	s0 =	rddreg [dreg:$0x0]  }
0x2: {  	s1 =	simm.s32 $0x0;
	s10 =	stileid.u32;
	s2 =	srdreg.scid  }
0x3: {  	s16 =	simm.s32 $0x3100;
	s17 =	simm.s32 $0x1880;
	s18 =	simm.s32 $0x4980  }
0x4: {  	s19 =	simm.s32 $0x1;
	s20 =	simm.s32 $0x3;
	s21 =	simm.s32 $0x6200  }
0x5: {  	s22 =	simm.s32 $0x2;
	s23 =	simm.s32 $0x4;
	s24 =	simm.s32 $0x5  }
0x6: {  	s25 =	simm.s32 $0x0;
	[smem:$0x7FF] =	sst s1;
	s3 =	sadd.s32 $0x58C000, s0  }
0x7: {  	s4 =	sadd.s32 $0x404000, s0;
	s5 =	sadd.s32 $0x3C00, s0;
	s6 =	sshrl.u32 s10, $0x3  }
0x8: {  	s2 =	sand.u32 $0x1, s2;
	s7 =	sadd.s32 $0x9E00, s0;
	_ =	strace $0x80000050  }
0x9: {  	s8 =	sshll.u32 s6, $0x13;
	s9 =	ssub.s32 $0x2, s2;
	s6 =	smul.u32 $0x18800, s6  }
.Ltmp0:
0xa: {  	p0 =	seq.s32 s2, $0x1;
	s30 =	sshrl.u32 s9, $0x1;
	(pc) =	sbr.rel .LBB2_1-.Ltmp0, $4  }
0xb: {  	s0 =	sadd.s32 s8, s0;
	s8 =	sand.u32 $0x7, s10;
	s15 =	ssub.s32 s9, s30  }
0xc: {  	s13 =	sshrl.u32 s6, $0x3;
	s10 =	sadd.s32 $0x1880, s6;
	s11 =	sadd.s32 $0x3100, s6  }
0xd: {  	s12 =	sadd.s32 $0xF4000, s0;
	s14 =	sadd.s32 $0x1F4000, s0;
	s31 =	smax.u32 s15, $0x1  }
0xe: {  	v0 =	vimm.f32 $0.0e+00;
	s9 =	sadd.s32 s5, s13;
	s13 =	sadd.s32 s7, s13;
	[dreg:$0x2] =	wrdreg s31  }
.LBB2_20:
0xf: {  	s25 =	sadd.s32 $0x1, s25;
	s0 =	rddreg [dreg:$0x2]  }
0x10: {  	p1 =	sne.s32 s25, s0  }
.Ltmp1:
0x11: {  	_ = 	snop;
	(pc) =	sbr.rel @!p1 .LBB2_21-.Ltmp1, $1  }
0x12: {  	_ =	sdelay $0x3  }
.LBB2_1:
.Ltmp2:
0x13: {  	(pc) =	sbr.rel @!p0 .LBB2_2-.Ltmp2, $2  }
0x14: {  	_ =	sdelay $0x2  }
0x15: {  	s26 =	simm.s32 $0x0  }
.LBB2_11:
0x16: {  	s0 =	simm.s32 $0x0;
	s2 =	simm.s32 $0x200  }
.LBB2_12:
0x17: {  	p1 =	sne.s32 s2, $0x3FE00;
	[tilespmem:s0+$0x6270] =	vst v0  }
0x18: {  	[tilespmem:s0+$0x6200] =	vst v0  }
0x19: {  	[tilespmem:s0+$0x6210] =	vst v0  }
.Ltmp3:
0x1a: {  	[tilespmem:s0+$0x6220] =	vst v0;
	(pc) =	sbr.rel @p1 .LBB2_12-.Ltmp3, $4  }
0x1b: {  	[tilespmem:s0+$0x6230] =	vst v0  }
0x1c: {  	[tilespmem:s0+$0x6240] =	vst v0  }
0x1d: {  	[tilespmem:s0+$0x6250] =	vst v0  }
0x1e: {  	[tilespmem:s0+$0x6260] =	vst v0;
	s0 =	sshra.s32 s2, $0x2;
	s2 =	sadd.s32 $0x200, s2  }
0x1f: {  	[tilespmem:s0+$0x6270] =	vst v0  }
0x20: {  	[tilespmem:s0+$0x6200] =	vst v0  }
0x21: {  	[tilespmem:s0+$0x6210] =	vst v0  }
0x22: {  	[tilespmem:s0+$0x6220] =	vst v0  }
0x23: {  	[tilespmem:s0+$0x6230] =	vst v0  }
0x24: {  	[tilespmem:s0+$0x6240] =	vst v0;
	s2 =	sshll.u32 s26, $0x3  }
0x25: {  	[tilespmem:s0+$0x6250] =	vst v0;
	s28 =	sor.u32 s8, s2  }
0x26: {  	[tilespmem:s0+$0x6260] =	vst v0;
	s30 =	simm.s32 $0x0;
	s29 =	smul.u32 $0x31000, s28  }
0x27: {  	[tilespmem:s30], [sflag:$0x1] =	stream.linear.gather [hbm4b:s13+s30], $0x1880, $0x38;
	[tilespmem:$0x16200] =	vst v63  }
0x28: {  	s31 =	sadd.s32 s6, s29  }
0x29: {  	s0 =	sshrl.u32 s31, $0x3  }
0x2a: {  	s0 =	sadd.s32 s4, s0  }
0x2b: {  	[tilespmem:s16], [sflag:$0x3] =	stream.linear.gather [hbm4b:s0+s30], $0x1880, $0x38;
	[tilespmem:$0x16200] =	vst v63  }
.LBB2_15:
0x2c: {  	s31 =	smul.u32 $0x3100, s30;
	_ =	sdelay $0x1  }
0x2d: {  	s0 =	sadd.s32 s31, s10  }
0x2e: {  	s2 =	sshrl.u32 s0, $0x3;
	s0 =	sadd.s32 s29, s0  }
0x2f: {  	s2 =	sadd.s32 s7, s2;
	s0 =	sshrl.u32 s0, $0x3  }
0x30: {  	[tilespmem:s17], [sflag:$0x2] =	stream.linear.gather [hbm4b:s2+s1], $0x1880, $0x38;
	[tilespmem:$0x16200] =	vst v63  }
0x31: {  	s0 =	sadd.s32 s4, s0  }
0x32: {  	[tilespmem:s18], [sflag:$0x4] =	stream.linear.gather [hbm4b:s0+s1], $0x1880, $0x38;
	[tilespmem:$0x16200] =	vst v63  }
0x33: {  	_ =	swait.ge [sflag:s19], $0x1880  }
0x34: {  	[sflag:s19] =	ssyncset.done $0x0  }
0x35: {  	[sflag:s19] =	ssyncadd.s32 $0xFFFFE780  }
0x36: {  	_ =	swait.ge [sflag:s20], $0x1880  }
0x37: {  	[sflag:s20] =	ssyncset.done $0x0  }
0x38: {  	s15 =	simm.s32 $0x40;
	[sflag:s20] =	ssyncadd.s32 $0xFFFFE780  }
0x39: {  	v1 =	vld [tilespmem:s15+$0x30]  }
0x3a: {  	v2 =	vld [tilespmem:s15+$0xFFFFFFD0]  }
0x3b: {  	s0 =	simm.s32 $0x3140;
	v3 =	vld [tilespmem:s15+$0xFFFFFFE0]  }
0x3c: {  	v4 =	vld [tilespmem:s0+$0x30]  }
0x3d: {  	v5 =	vld [tilespmem:s15+$0xFFFFFFF0]  }
0x3e: {  	v6 =	vld [tilespmem:s15+$0x0]  }
0x3f: {  	v7 =	vld [tilespmem:s15+$0x10]  }
0x40: {  	v8 =	vld [tilespmem:s15+$0x20]  }
0x41: {  	v63 =	vld [tilespmem:s0+$0xFFFFFFC0]  }
0x42: {  	v9 =	vld [tilespmem:s0+$0xFFFFFFD0]  }
0x43: {  	v10 =	vld [tilespmem:s0+$0xFFFFFFE0]  }
0x44: {  	v11 =	vld [tilespmem:s0+$0xFFFFFFF0]  }
0x45: {  	v12 =	vld [tilespmem:s0+$0x0]  }
0x46: {  	v13 =	vld [tilespmem:s0+$0x10]  }
0x47: {  	[tilespmem:v1+s21+$0x0] =	vst.idx.add.f32.msk $0xffff, v4  }
0x48: {  	v1 =	vld [tilespmem:s15+$0xFFFFFFC0]  }
0x49: {  	v14 =	vld [tilespmem:s0+$0x20]  }
0x4a: {  	[tilespmem:v2+s21+$0x0] =	vst.idx.add.f32.msk $0xffff, v9  }
0x4b: {  	[tilespmem:v3+s21+$0x0] =	vst.idx.add.f32.msk $0xffff, v10  }
0x4c: {  	[tilespmem:v5+s21+$0x0] =	vst.idx.add.f32.msk $0xffff, v11  }
0x4d: {  	[tilespmem:v6+s21+$0x0] =	vst.idx.add.f32.msk $0xffff, v12  }
0x4e: {  	[tilespmem:v7+s21+$0x0] =	vst.idx.add.f32.msk $0xffff, v13  }
0x4f: {  	[tilespmem:v8+s21+$0x0] =	vst.idx.add.f32.msk $0xffff, v14  }
0x50: {  	s2 =	simm.s32 $0x0;
	s15 =	simm.s32 $0xC0;
	[tilespmem:v1+s21+$0x0] =	vst.idx.add.f32.msk $0xffff, v63  }
.LBB2_16:
0x51: {  	v1 =	vld [tilespmem:s15+$0x30];
	s2 =	sadd.s32 $0x80, s2  }
0x52: {  	v2 =	vld [tilespmem:s15+$0xFFFFFFD0];
	p1 =	slt.u32 s2, $0x1800  }
0x53: {  	s0 =	sadd.s32 $0x80, s0;
	v3 =	vld [tilespmem:s15+$0xFFFFFFE0]  }
0x54: {  	v4 =	vld [tilespmem:s0+$0x30]  }
0x55: {  	v5 =	vld [tilespmem:s15+$0xFFFFFFF0]  }
0x56: {  	v6 =	vld [tilespmem:s15+$0x0]  }
0x57: {  	v7 =	vld [tilespmem:s15+$0x10]  }
0x58: {  	v8 =	vld [tilespmem:s15+$0x20]  }
0x59: {  	[tilespmem:v1+s21+$0x0] =	vst.idx.add.f32.msk $0xffff, v4  }
0x5a: {  	v1 =	vld [tilespmem:s15+$0xFFFFFFC0]  }
0x5b: {  	v4 =	vld [tilespmem:s0+$0xFFFFFFC0]  }
0x5c: {  	v9 =	vld [tilespmem:s0+$0xFFFFFFD0]  }
0x5d: {  	v10 =	vld [tilespmem:s0+$0xFFFFFFE0]  }
0x5e: {  	v11 =	vld [tilespmem:s0+$0xFFFFFFF0]  }
0x5f: {  	v12 =	vld [tilespmem:s0+$0x0]  }
0x60: {  	v13 =	vld [tilespmem:s0+$0x10]  }
0x61: {  	v14 =	vld [tilespmem:s0+$0x20]  }
0x62: {  	[tilespmem:v1+s21+$0x0] =	vst.idx.add.f32.msk $0xffff, v4  }
0x63: {  	[tilespmem:v2+s21+$0x0] =	vst.idx.add.f32.msk $0xffff, v9  }
.Ltmp4:
0x64: {  	[tilespmem:v3+s21+$0x0] =	vst.idx.add.f32.msk $0xffff, v10;
	(pc) =	sbr.rel @p1 .LBB2_16-.Ltmp4, $4  }
0x65: {  	[tilespmem:v5+s21+$0x0] =	vst.idx.add.f32.msk $0xffff, v11  }
0x66: {  	[tilespmem:v6+s21+$0x0] =	vst.idx.add.f32.msk $0xffff, v12  }
0x67: {  	[tilespmem:v7+s21+$0x0] =	vst.idx.add.f32.msk $0xffff, v13  }
0x68: {  	s15 =	sadd.s32 $0x80, s15;
	[tilespmem:v8+s21+$0x0] =	vst.idx.add.f32.msk $0xffff, v14  }
0x69: {  	p1 =	seq.s32 s30, $0x7  }
0x6a: {  	s0 =	sadd.s32 @!p1 s31, s11  }
0x6b: {  	s2 =	sshrl.u32 @!p1 s0, $0x3;
	s0 =	sadd.s32 @!p1 s29, s0  }
0x6c: {  	s15 =	simm.s32 @!p1 $0x0;
	s2 =	sadd.s32 @!p1 s7, s2;
	s0 =	sshrl.u32 @!p1 s0, $0x3  }
0x6d: {  	[tilespmem:s15], [sflag:$0x1] =	stream.linear.gather @!p1 [hbm4b:s2+s15], $0x1880, $0x38;
	[tilespmem:$0x16200] =	vst v63  }
0x6e: {  	s0 =	sadd.s32 @!p1 s4, s0;
	s2 =	simm.s32 @!p1 $0x3100  }
0x6f: {  	[tilespmem:s2], [sflag:$0x3] =	stream.linear.gather @!p1 [hbm4b:s0+s15], $0x1880, $0x38;
	[tilespmem:$0x16200] =	vst v63  }
0x70: {  	_ =	swait.ge [sflag:s22], $0x1880  }
0x71: {  	[sflag:s22] =	ssyncset.done $0x0  }
0x72: {  	[sflag:s22] =	ssyncadd.s32 $0xFFFFE780  }
0x73: {  	_ =	swait.ge [sflag:s23], $0x1880  }
0x74: {  	[sflag:s23] =	ssyncset.done $0x0  }
0x75: {  	s15 =	simm.s32 $0x18C0;
	[sflag:s23] =	ssyncadd.s32 $0xFFFFE780  }
0x76: {  	v1 =	vld [tilespmem:s15+$0x30]  }
0x77: {  	v2 =	vld [tilespmem:s15+$0xFFFFFFD0]  }
0x78: {  	s31 =	simm.s32 $0x49C0;
	v3 =	vld [tilespmem:s15+$0xFFFFFFE0]  }
0x79: {  	v4 =	vld [tilespmem:s31+$0x30]  }
0x7a: {  	v5 =	vld [tilespmem:s15+$0xFFFFFFF0]  }
0x7b: {  	v6 =	vld [tilespmem:s15+$0x0]  }
0x7c: {  	v7 =	vld [tilespmem:s15+$0x10]  }
0x7d: {  	v8 =	vld [tilespmem:s15+$0x20]  }
0x7e: {  	v63 =	vld [tilespmem:s31+$0xFFFFFFC0]  }
0x7f: {  	v9 =	vld [tilespmem:s31+$0xFFFFFFD0]  }
0x80: {  	v10 =	vld [tilespmem:s31+$0xFFFFFFE0]  }
0x81: {  	v11 =	vld [tilespmem:s31+$0xFFFFFFF0]  }
0x82: {  	v12 =	vld [tilespmem:s31+$0x0]  }
0x83: {  	v13 =	vld [tilespmem:s31+$0x10]  }
0x84: {  	[tilespmem:v1+s21+$0x0] =	vst.idx.add.f32.msk $0xffff, v4  }
0x85: {  	v1 =	vld [tilespmem:s15+$0xFFFFFFC0]  }
0x86: {  	v14 =	vld [tilespmem:s31+$0x20]  }
0x87: {  	[tilespmem:v2+s21+$0x0] =	vst.idx.add.f32.msk $0xffff, v9  }
0x88: {  	[tilespmem:v3+s21+$0x0] =	vst.idx.add.f32.msk $0xffff, v10  }
0x89: {  	[tilespmem:v5+s21+$0x0] =	vst.idx.add.f32.msk $0xffff, v11  }
0x8a: {  	[tilespmem:v6+s21+$0x0] =	vst.idx.add.f32.msk $0xffff, v12  }
0x8b: {  	[tilespmem:v7+s21+$0x0] =	vst.idx.add.f32.msk $0xffff, v13  }
0x8c: {  	[tilespmem:v8+s21+$0x0] =	vst.idx.add.f32.msk $0xffff, v14  }
0x8d: {  	s30 =	sadd.s32 $0x1, s30;
	s0 =	simm.s32 $0x0;
	s2 =	simm.s32 $0x1940;
	[tilespmem:v1+s21+$0x0] =	vst.idx.add.f32.msk $0xffff, v63  }
.LBB2_18:
0x8e: {  	v1 =	vld [tilespmem:s2+$0x30];
	s0 =	sadd.s32 $0x80, s0  }
0x8f: {  	v2 =	vld [tilespmem:s2+$0xFFFFFFD0];
	p1 =	slt.u32 s0, $0x1800  }
0x90: {  	s31 =	sadd.s32 $0x80, s31;
	v3 =	vld [tilespmem:s2+$0xFFFFFFE0]  }
0x91: {  	v4 =	vld [tilespmem:s31+$0x30]  }
0x92: {  	v5 =	vld [tilespmem:s2+$0xFFFFFFF0]  }
0x93: {  	v6 =	vld [tilespmem:s2+$0x0]  }
0x94: {  	v7 =	vld [tilespmem:s2+$0x10]  }
0x95: {  	v8 =	vld [tilespmem:s2+$0x20]  }
0x96: {  	[tilespmem:v1+s21+$0x0] =	vst.idx.add.f32.msk $0xffff, v4  }
0x97: {  	v1 =	vld [tilespmem:s2+$0xFFFFFFC0]  }
0x98: {  	v4 =	vld [tilespmem:s31+$0xFFFFFFC0]  }
0x99: {  	v9 =	vld [tilespmem:s31+$0xFFFFFFD0]  }
0x9a: {  	v10 =	vld [tilespmem:s31+$0xFFFFFFE0]  }
0x9b: {  	v11 =	vld [tilespmem:s31+$0xFFFFFFF0]  }
0x9c: {  	v12 =	vld [tilespmem:s31+$0x0]  }
0x9d: {  	v13 =	vld [tilespmem:s31+$0x10]  }
0x9e: {  	v14 =	vld [tilespmem:s31+$0x20]  }
0x9f: {  	[tilespmem:v1+s21+$0x0] =	vst.idx.add.f32.msk $0xffff, v4  }
0xa0: {  	[tilespmem:v2+s21+$0x0] =	vst.idx.add.f32.msk $0xffff, v9  }
.Ltmp5:
0xa1: {  	[tilespmem:v3+s21+$0x0] =	vst.idx.add.f32.msk $0xffff, v10;
	(pc) =	sbr.rel @p1 .LBB2_18-.Ltmp5, $4  }
0xa2: {  	[tilespmem:v5+s21+$0x0] =	vst.idx.add.f32.msk $0xffff, v11  }
0xa3: {  	[tilespmem:v6+s21+$0x0] =	vst.idx.add.f32.msk $0xffff, v12  }
0xa4: {  	[tilespmem:v7+s21+$0x0] =	vst.idx.add.f32.msk $0xffff, v13  }
0xa5: {  	s2 =	sadd.s32 $0x80, s2;
	[tilespmem:v8+s21+$0x0] =	vst.idx.add.f32.msk $0xffff, v14  }
0xa6: {  	p1 =	seq.s32 s30, $0x8  }
.Ltmp6:
0xa7: {  	_ = 	snop;
	(pc) =	sbr.rel @!p1 .LBB2_15-.Ltmp6, $1  }
0xa8: {  	_ =	sdelay $0x3  }
0xa9: {  	s0 =	sshll.u32 s28, $0xD;
	s26 =	sadd.s32 $0x1, s26  }
0xaa: {  	s0 =	sadd.s32 s0, s14;
	p1 =	sne.s32 s26, $0x8  }
0xab: {  	[hbm4b:s0+s1] =	stream.linear.scatter [tilespmem:s21], [sflag:$0x5], $0x10000, $0x38;
	[tilespmem:$0x16200] =	vst v63  }
.Ltmp7:
0xac: {  	_ = 	snop;
	(pc) =	sbr.rel @p1 .LBB2_11-.Ltmp7, $4  }
.Ltmp8:
0xad: {  	_ = 	snop;
	(pc) =	sbr.rel @!p1 .LBB2_20-.Ltmp8, $4  }
0xae: {  	_ =	swait.ge [sflag:s24], $0x10000  }
0xaf: {  	[sflag:s24] =	ssyncset.done $0x0  }
0xb0: {  	[sflag:s24] =	ssyncadd.s32 $0xFFFF0000  }
0xb1: {  	_ = 	snop  }
.LBB2_2:
0xb2: {  	s0 =	simm.s32 $0x0;
	s2 =	simm.s32 $0x200  }
.LBB2_3:
0xb3: {  	p1 =	sne.s32 s2, $0x3FE00;
	[tilespmem:s0+$0x6270] =	vst v0  }
0xb4: {  	[tilespmem:s0+$0x6200] =	vst v0  }
0xb5: {  	[tilespmem:s0+$0x6210] =	vst v0  }
.Ltmp9:
0xb6: {  	[tilespmem:s0+$0x6220] =	vst v0;
	(pc) =	sbr.rel @p1 .LBB2_3-.Ltmp9, $4  }
0xb7: {  	[tilespmem:s0+$0x6230] =	vst v0  }
0xb8: {  	[tilespmem:s0+$0x6240] =	vst v0  }
0xb9: {  	[tilespmem:s0+$0x6250] =	vst v0  }
0xba: {  	[tilespmem:s0+$0x6260] =	vst v0;
	s0 =	sshra.s32 s2, $0x2;
	s2 =	sadd.s32 $0x200, s2  }
0xbb: {  	[tilespmem:s0+$0x6270] =	vst v0  }
0xbc: {  	[tilespmem:s0+$0x6200] =	vst v0  }
0xbd: {  	[tilespmem:s0+$0x6210] =	vst v0  }
0xbe: {  	[tilespmem:s0+$0x6220] =	vst v0  }
0xbf: {  	[tilespmem:s0+$0x6230] =	vst v0  }
0xc0: {  	[tilespmem:s0+$0x6240] =	vst v0;
	s2 =	sshll.u32 s26, $0x3  }
0xc1: {  	[tilespmem:s0+$0x6250] =	vst v0;
	s28 =	sor.u32 s8, s2  }
0xc2: {  	[tilespmem:s0+$0x6260] =	vst v0;
	s30 =	simm.s32 $0x0;
	s29 =	smul.u32 $0x31000, s28  }
0xc3: {  	[tilespmem:s30], [sflag:$0x1] =	stream.linear.gather [hbm4b:s9+s30], $0x1880, $0x38;
	[tilespmem:$0x16200] =	vst v63  }
0xc4: {  	s31 =	sadd.s32 s6, s29  }
0xc5: {  	s0 =	sshrl.u32 s31, $0x3  }
0xc6: {  	s0 =	sadd.s32 s3, s0  }
0xc7: {  	[tilespmem:s16], [sflag:$0x3] =	stream.linear.gather [hbm4b:s0+s30], $0x1880, $0x38;
	[tilespmem:$0x16200] =	vst v63  }
.LBB2_6:
0xc8: {  	s31 =	smul.u32 $0x3100, s30;
	_ =	sdelay $0x1  }
0xc9: {  	s0 =	sadd.s32 s31, s10  }
0xca: {  	s2 =	sshrl.u32 s0, $0x3;
	s0 =	sadd.s32 s29, s0  }
0xcb: {  	s2 =	sadd.s32 s5, s2;
	s0 =	sshrl.u32 s0, $0x3  }
0xcc: {  	[tilespmem:s17], [sflag:$0x2] =	stream.linear.gather [hbm4b:s2+s1], $0x1880, $0x38;
	[tilespmem:$0x16200] =	vst v63  }
0xcd: {  	s0 =	sadd.s32 s3, s0  }
0xce: {  	[tilespmem:s18], [sflag:$0x4] =	stream.linear.gather [hbm4b:s0+s1], $0x1880, $0x38;
	[tilespmem:$0x16200] =	vst v63  }
0xcf: {  	_ =	swait.ge [sflag:s19], $0x1880  }
0xd0: {  	[sflag:s19] =	ssyncset.done $0x0  }
0xd1: {  	[sflag:s19] =	ssyncadd.s32 $0xFFFFE780  }
0xd2: {  	_ =	swait.ge [sflag:s20], $0x1880  }
0xd3: {  	[sflag:s20] =	ssyncset.done $0x0  }
0xd4: {  	s15 =	simm.s32 $0x40;
	[sflag:s20] =	ssyncadd.s32 $0xFFFFE780  }
0xd5: {  	v1 =	vld [tilespmem:s15+$0x30]  }
0xd6: {  	v2 =	vld [tilespmem:s15+$0xFFFFFFD0]  }
0xd7: {  	s0 =	simm.s32 $0x3140;
	v3 =	vld [tilespmem:s15+$0xFFFFFFE0]  }
0xd8: {  	v4 =	vld [tilespmem:s0+$0x30]  }
0xd9: {  	v5 =	vld [tilespmem:s15+$0xFFFFFFF0]  }
0xda: {  	v6 =	vld [tilespmem:s15+$0x0]  }
0xdb: {  	v7 =	vld [tilespmem:s15+$0x10]  }
0xdc: {  	v8 =	vld [tilespmem:s15+$0x20]  }
0xdd: {  	v63 =	vld [tilespmem:s0+$0xFFFFFFC0]  }
0xde: {  	v9 =	vld [tilespmem:s0+$0xFFFFFFD0]  }
0xdf: {  	v10 =	vld [tilespmem:s0+$0xFFFFFFE0]  }
0xe0: {  	v11 =	vld [tilespmem:s0+$0xFFFFFFF0]  }
0xe1: {  	v12 =	vld [tilespmem:s0+$0x0]  }
0xe2: {  	v13 =	vld [tilespmem:s0+$0x10]  }
0xe3: {  	[tilespmem:v1+s21+$0x0] =	vst.idx.add.f32.msk $0xffff, v4  }
0xe4: {  	v1 =	vld [tilespmem:s15+$0xFFFFFFC0]  }
0xe5: {  	v14 =	vld [tilespmem:s0+$0x20]  }
0xe6: {  	[tilespmem:v2+s21+$0x0] =	vst.idx.add.f32.msk $0xffff, v9  }
0xe7: {  	[tilespmem:v3+s21+$0x0] =	vst.idx.add.f32.msk $0xffff, v10  }
0xe8: {  	[tilespmem:v5+s21+$0x0] =	vst.idx.add.f32.msk $0xffff, v11  }
0xe9: {  	[tilespmem:v6+s21+$0x0] =	vst.idx.add.f32.msk $0xffff, v12  }
0xea: {  	[tilespmem:v7+s21+$0x0] =	vst.idx.add.f32.msk $0xffff, v13  }
0xeb: {  	[tilespmem:v8+s21+$0x0] =	vst.idx.add.f32.msk $0xffff, v14  }
0xec: {  	s2 =	simm.s32 $0x0;
	s15 =	simm.s32 $0xC0;
	[tilespmem:v1+s21+$0x0] =	vst.idx.add.f32.msk $0xffff, v63  }
.LBB2_7:
0xed: {  	v1 =	vld [tilespmem:s15+$0x30];
	s2 =	sadd.s32 $0x80, s2  }
0xee: {  	v2 =	vld [tilespmem:s15+$0xFFFFFFD0];
	p1 =	slt.u32 s2, $0x1800  }
0xef: {  	s0 =	sadd.s32 $0x80, s0;
	v3 =	vld [tilespmem:s15+$0xFFFFFFE0]  }
0xf0: {  	v4 =	vld [tilespmem:s0+$0x30]  }
0xf1: {  	v5 =	vld [tilespmem:s15+$0xFFFFFFF0]  }
0xf2: {  	v6 =	vld [tilespmem:s15+$0x0]  }
0xf3: {  	v7 =	vld [tilespmem:s15+$0x10]  }
0xf4: {  	v8 =	vld [tilespmem:s15+$0x20]  }
0xf5: {  	[tilespmem:v1+s21+$0x0] =	vst.idx.add.f32.msk $0xffff, v4  }
0xf6: {  	v1 =	vld [tilespmem:s15+$0xFFFFFFC0]  }
0xf7: {  	v4 =	vld [tilespmem:s0+$0xFFFFFFC0]  }
0xf8: {  	v9 =	vld [tilespmem:s0+$0xFFFFFFD0]  }
0xf9: {  	v10 =	vld [tilespmem:s0+$0xFFFFFFE0]  }
0xfa: {  	v11 =	vld [tilespmem:s0+$0xFFFFFFF0]  }
0xfb: {  	v12 =	vld [tilespmem:s0+$0x0]  }
0xfc: {  	v13 =	vld [tilespmem:s0+$0x10]  }
0xfd: {  	v14 =	vld [tilespmem:s0+$0x20]  }
0xfe: {  	[tilespmem:v1+s21+$0x0] =	vst.idx.add.f32.msk $0xffff, v4  }
0xff: {  	[tilespmem:v2+s21+$0x0] =	vst.idx.add.f32.msk $0xffff, v9  }
.Ltmp10:
0x100: {  	[tilespmem:v3+s21+$0x0] =	vst.idx.add.f32.msk $0xffff, v10;
	(pc) =	sbr.rel @p1 .LBB2_7-.Ltmp10, $4  }
0x101: {  	[tilespmem:v5+s21+$0x0] =	vst.idx.add.f32.msk $0xffff, v11  }
0x102: {  	[tilespmem:v6+s21+$0x0] =	vst.idx.add.f32.msk $0xffff, v12  }
0x103: {  	[tilespmem:v7+s21+$0x0] =	vst.idx.add.f32.msk $0xffff, v13  }
0x104: {  	s15 =	sadd.s32 $0x80, s15;
	[tilespmem:v8+s21+$0x0] =	vst.idx.add.f32.msk $0xffff, v14  }
0x105: {  	p1 =	seq.s32 s30, $0x7  }
0x106: {  	s0 =	sadd.s32 @!p1 s31, s11  }
0x107: {  	s2 =	sshrl.u32 @!p1 s0, $0x3;
	s0 =	sadd.s32 @!p1 s29, s0  }
0x108: {  	s15 =	simm.s32 @!p1 $0x0;
	s2 =	sadd.s32 @!p1 s5, s2;
	s0 =	sshrl.u32 @!p1 s0, $0x3  }
0x109: {  	[tilespmem:s15], [sflag:$0x1] =	stream.linear.gather @!p1 [hbm4b:s2+s15], $0x1880, $0x38;
	[tilespmem:$0x16200] =	vst v63  }
0x10a: {  	s0 =	sadd.s32 @!p1 s3, s0;
	s2 =	simm.s32 @!p1 $0x3100  }
0x10b: {  	[tilespmem:s2], [sflag:$0x3] =	stream.linear.gather @!p1 [hbm4b:s0+s15], $0x1880, $0x38;
	[tilespmem:$0x16200] =	vst v63  }
0x10c: {  	_ =	swait.ge [sflag:s22], $0x1880  }
0x10d: {  	[sflag:s22] =	ssyncset.done $0x0  }
0x10e: {  	[sflag:s22] =	ssyncadd.s32 $0xFFFFE780  }
0x10f: {  	_ =	swait.ge [sflag:s23], $0x1880  }
0x110: {  	[sflag:s23] =	ssyncset.done $0x0  }
0x111: {  	s15 =	simm.s32 $0x18C0;
	[sflag:s23] =	ssyncadd.s32 $0xFFFFE780  }
0x112: {  	v1 =	vld [tilespmem:s15+$0x30]  }
0x113: {  	v2 =	vld [tilespmem:s15+$0xFFFFFFD0]  }
0x114: {  	s31 =	simm.s32 $0x49C0;
	v3 =	vld [tilespmem:s15+$0xFFFFFFE0]  }
0x115: {  	v4 =	vld [tilespmem:s31+$0x30]  }
0x116: {  	v5 =	vld [tilespmem:s15+$0xFFFFFFF0]  }
0x117: {  	v6 =	vld [tilespmem:s15+$0x0]  }
0x118: {  	v7 =	vld [tilespmem:s15+$0x10]  }
0x119: {  	v8 =	vld [tilespmem:s15+$0x20]  }
0x11a: {  	v63 =	vld [tilespmem:s31+$0xFFFFFFC0]  }
0x11b: {  	v9 =	vld [tilespmem:s31+$0xFFFFFFD0]  }
0x11c: {  	v10 =	vld [tilespmem:s31+$0xFFFFFFE0]  }
0x11d: {  	v11 =	vld [tilespmem:s31+$0xFFFFFFF0]  }
0x11e: {  	v12 =	vld [tilespmem:s31+$0x0]  }
0x11f: {  	v13 =	vld [tilespmem:s31+$0x10]  }
0x120: {  	[tilespmem:v1+s21+$0x0] =	vst.idx.add.f32.msk $0xffff, v4  }
0x121: {  	v1 =	vld [tilespmem:s15+$0xFFFFFFC0]  }
0x122: {  	v14 =	vld [tilespmem:s31+$0x20]  }
0x123: {  	[tilespmem:v2+s21+$0x0] =	vst.idx.add.f32.msk $0xffff, v9  }
0x124: {  	[tilespmem:v3+s21+$0x0] =	vst.idx.add.f32.msk $0xffff, v10  }
0x125: {  	[tilespmem:v5+s21+$0x0] =	vst.idx.add.f32.msk $0xffff, v11  }
0x126: {  	[tilespmem:v6+s21+$0x0] =	vst.idx.add.f32.msk $0xffff, v12  }
0x127: {  	[tilespmem:v7+s21+$0x0] =	vst.idx.add.f32.msk $0xffff, v13  }
0x128: {  	[tilespmem:v8+s21+$0x0] =	vst.idx.add.f32.msk $0xffff, v14  }
0x129: {  	s30 =	sadd.s32 $0x1, s30;
	s0 =	simm.s32 $0x0;
	s2 =	simm.s32 $0x1940;
	[tilespmem:v1+s21+$0x0] =	vst.idx.add.f32.msk $0xffff, v63  }
.LBB2_9:
0x12a: {  	v1 =	vld [tilespmem:s2+$0x30];
	s0 =	sadd.s32 $0x80, s0  }
0x12b: {  	v2 =	vld [tilespmem:s2+$0xFFFFFFD0];
	p1 =	slt.u32 s0, $0x1800  }
0x12c: {  	s31 =	sadd.s32 $0x80, s31;
	v3 =	vld [tilespmem:s2+$0xFFFFFFE0]  }
0x12d: {  	v4 =	vld [tilespmem:s31+$0x30]  }
0x12e: {  	v5 =	vld [tilespmem:s2+$0xFFFFFFF0]  }
0x12f: {  	v6 =	vld [tilespmem:s2+$0x0]  }
0x130: {  	v7 =	vld [tilespmem:s2+$0x10]  }
0x131: {  	v8 =	vld [tilespmem:s2+$0x20]  }
0x132: {  	[tilespmem:v1+s21+$0x0] =	vst.idx.add.f32.msk $0xffff, v4  }
0x133: {  	v1 =	vld [tilespmem:s2+$0xFFFFFFC0]  }
0x134: {  	v4 =	vld [tilespmem:s31+$0xFFFFFFC0]  }
0x135: {  	v9 =	vld [tilespmem:s31+$0xFFFFFFD0]  }
0x136: {  	v10 =	vld [tilespmem:s31+$0xFFFFFFE0]  }
0x137: {  	v11 =	vld [tilespmem:s31+$0xFFFFFFF0]  }
0x138: {  	v12 =	vld [tilespmem:s31+$0x0]  }
0x139: {  	v13 =	vld [tilespmem:s31+$0x10]  }
0x13a: {  	v14 =	vld [tilespmem:s31+$0x20]  }
0x13b: {  	[tilespmem:v1+s21+$0x0] =	vst.idx.add.f32.msk $0xffff, v4  }
0x13c: {  	[tilespmem:v2+s21+$0x0] =	vst.idx.add.f32.msk $0xffff, v9  }
.Ltmp11:
0x13d: {  	[tilespmem:v3+s21+$0x0] =	vst.idx.add.f32.msk $0xffff, v10;
	(pc) =	sbr.rel @p1 .LBB2_9-.Ltmp11, $4  }
0x13e: {  	[tilespmem:v5+s21+$0x0] =	vst.idx.add.f32.msk $0xffff, v11  }
0x13f: {  	[tilespmem:v6+s21+$0x0] =	vst.idx.add.f32.msk $0xffff, v12  }
0x140: {  	[tilespmem:v7+s21+$0x0] =	vst.idx.add.f32.msk $0xffff, v13  }
0x141: {  	s2 =	sadd.s32 $0x80, s2;
	[tilespmem:v8+s21+$0x0] =	vst.idx.add.f32.msk $0xffff, v14  }
0x142: {  	p1 =	seq.s32 s30, $0x8  }
.Ltmp12:
0x143: {  	_ = 	snop;
	(pc) =	sbr.rel @!p1 .LBB2_6-.Ltmp12, $1  }
0x144: {  	_ =	sdelay $0x3  }
0x145: {  	s0 =	sshll.u32 s28, $0xD;
	s26 =	sadd.s32 $0x1, s26  }
0x146: {  	s0 =	sadd.s32 s0, s12;
	p1 =	seq.s32 s26, $0x8  }
0x147: {  	[hbm4b:s0+s1] =	stream.linear.scatter [tilespmem:s21], [sflag:$0x5], $0x10000, $0x38;
	[tilespmem:$0x16200] =	vst v63  }
.Ltmp13:
0x148: {  	_ = 	snop;
	(pc) =	sbr.rel @!p1 .LBB2_2-.Ltmp13, $4  }
.Ltmp14:
0x149: {  	_ = 	snop;
	(pc) =	sbr.rel @p1 .LBB2_20-.Ltmp14, $4  }
0x14a: {  	_ =	swait.ge [sflag:s24], $0x10000  }
0x14b: {  	[sflag:s24] =	ssyncset.done $0x0  }
0x14c: {  	[sflag:s24] =	ssyncadd.s32 $0xFFFF0000  }
0x14d: {  	_ = 	snop  }
.LBB2_21:
0x14e: {  	_ =	sfence.sel $0x180000  }
0x14f: {  	[bflag:$0x0] =	sbarrier.arrive $0xFFFF  }
0x150: {  	_ =	strace $0x90000050  }
0x151: {  	s0 =	stileid.u32;
	[bflag:$0x2] =	sbarrier.arrive $0xFFFF  }
0x152: {  	p0 =	sne.s32 s0, $0x0;
	s0 =	rddreg [dreg:$0x1]  }
0x153: {  	s0 =	sadd.s32 @!p0 $0x100000, s0  }
0x154: {  	[sflag:s0] =	ssyncadd.tile.s32 @!p0 $0x1;
	_ =	shalt  }
.Lfunc_end2:
_tile_overlayer_lowered:
.L_overlay_start_2:
0x155: {  	(tag) =	ssettag $0x2  }
0x156: {  	s0 =	rddreg [dreg:$0x0];
	s2 =	stileid.u32  }
0x157: {  	s1 =	rddreg [dreg:$0x1];
	p0 =	sne.s32 s2, $0x0  }
0x158: {  	s3 =	rddreg [dreg:$0x2];
	[bflag:$0x3] =	sbarrier.arrive $0xFFFF;
	s2 =	simm.s32 @!p0 $0x1C05  }
0x159: {  	[timem:s3], [sflag:s2] =	dma.local @!p0 [hbm:s0], s1  }
0x15a: {  	s0 =	simm.s32 @!p0 $0x5  }
0x15b: {  	_ =	swait.ge @!p0 [sflag:s0], s1  }
0x15c: {  	s1 =	ssub.s32 @!p0 $0x0, s1;
	[sflag:s0] =	ssyncset.done @!p0 $0x0  }
0x15d: {  	[sflag:s0] =	ssyncadd.s32 @!p0 s1  }
0x15e: {  	[bflag:$0x3] =	sbarrier.arrive $0xFFFF  }
0x15f: {  	_ =	shalt  }

// kernel: kernel.7.cloned.1.call-start
scs
__scs_entry_jumppad:
0x0: {  	(pc) =	sbr.rel $0x88, $3  }
0x1: {  	(tag) =	ssettag $0x0;
	lr =	simm.s32 $0x1  }
0x2: {  	[smem:$0x3F9D] =	sst lr;
	_ =	strace $0xD0000000  }
0x3: {  	_ = 	snop  }
0x4: {  	_ = 	snop  }
0x5: {  	_ = 	snop  }
0x6: {  	_ = 	snop  }
0x7: {  	_ = 	snop  }
__scs_overlays_trampoline_lowered:
0x8: {  	[smem:$0x3FAC] =	sst s0  }
0x9: {  	[smem:$0x3FAD] =	sst s1  }
0xa: {  	[smem:$0x3FAE] =	sst s2  }
0xb: {  	[smem:$0x3FAF] =	sst s3  }
0xc: {  	[smem:$0x3FB0] =	sst s4  }
0xd: {  	[smem:$0x3FB1] =	sst s5  }
0xe: {  	[smem:$0x3FB2] =	sst s6  }
0xf: {  	[smem:$0x3FB3] =	sst s7  }
0x10: {  	[smem:$0x3FB4] =	sst s8  }
0x11: {  	[smem:$0x3FB5] =	sst s9;
	s0 =	simm.s32 @!p0 $0x0  }
0x12: {  	s1 =	sld [smem:$0x3F9B];
	s0 =	simm.s32 @p0 $0x1  }
0x13: {  	[smem:$0x3FB6] =	sst s0;
	s0 =	simm.s32 @!p1 $0x0  }
0x14: {  	s2 =	sld [smem:$0x3F9A];
	s0 =	simm.s32 @p1 $0x1  }
0x15: {  	[smem:$0x3FB7] =	sst s0;
	s0 =	simm.s32 @!p2 $0x0  }
0x16: {  	s3 =	sld [smem:$0x3FDB];
	s0 =	simm.s32 @p2 $0x1  }
0x17: {  	s4 =	simm.s32 $0x1BF5;
	[smem:$0x3FB9] =	sst s0  }
0x18: {  	s0 =	sld [smem:$0x3F9C];
	_ =	swait.ge [sflag:s4], $0x0  }
0x19: {  	s7 =	sld [smem:$0x3F9D]  }
0x1a: {  	s8 =	sadd.s32 $0xFFFFE003, lr  }
0x1b: {  	s9 =	sadd.s32 $0xFFFFFEF7, lr;
	s5 =	simm.s32 $0xFFFFFFFF;
	p2 =	slt.u32 s8, $0xFFFFF086  }
0x1c: {  	p1 =	slt.u32 s9, $0xF7A;
	s5 =	simm.s32 @!p2 $0x0  }
0x1d: {  	s5 =	simm.s32 @p1 $0x1;
	p0 =	seq.s32 s7, s2  }
0x1e: {  	s7 =	smul.u32 @!p0 $0xF7A, s2;
	p2 =	seq.s32 @!p0 s5, $0x0  }
0x1f: {  	s9 =	smul.u32 $0xF7A, s1;
	s8 =	simm.s32 @!p0 $0x1BF5;
	p2 =	por !p2, p0  }
0x20: {  	[sflag:s8] =	ssyncset.s32 @!p0 $0xFFFFF086;
	s6 =	sadd.s32 @!p0 s3, s7;
	s7 =	simm.s32 @!p0 $0x108  }
0x21: {  	s3 =	sadd.s32 s3, s9;
	s6 =	sadd.s32 @!p0 $0x88, s6;
	s7 =	simm.s32 @p2 $0x1082  }
0x22: {  	[simem:s7], [sflag:s8] =	dma.local @!p0 [hbm:s6], $0xF7A  }
0x23: {  	s9 =	sor.u32 $0xD0000000, s2;
	s6 =	simm.s32 $0x108;
	_ =	swait.ge @!p0 [sflag:s8], $0x0  }
0x24: {  	s3 =	sadd.s32 $0x88, s3;
	s6 =	simm.s32 @!p1 $0x1082;
	[sflag:s4] =	ssyncset.s32 $0xFFFFF086  }
0x25: {  	[simem:s6], [sflag:s4] =	dma.local [hbm:s3], $0xF7A  }
0x26: {  	[smem:$0x3F9D] =	sst s1;
	(tag) =	ssettag s2;
	_ =	strace s9  }
0x27: {  	s1 =	sld [smem:$0x3FAD]  }
0x28: {  	s2 =	sld [smem:$0x3FAE]  }
0x29: {  	s4 =	sld [smem:$0x3FB0]  }
0x2a: {  	p0 =	seq.s32 s5, $0x0;
	s5 =	sld [smem:$0x3FB1]  }
0x2b: {  	s6 =	sld [smem:$0x3FB2]  }
0x2c: {  	s7 =	sld [smem:$0x3FB3]  }
0x2d: {  	s3 =	simm.s32 $0x108;
	s8 =	sld [smem:$0x3FB4]  }
0x2e: {  	s3 =	simm.s32 @!p0 $0x1082;
	s9 =	sld [smem:$0x3FB5]  }
0x2f: {  	lr =	sadd.s32 s0, s3;
	s0 =	sld [smem:$0x3FAC]  }
0x30: {  	s3 =	sld [smem:$0x3FAF]  }
0x31: {  	[smem:$0x3FB8] =	sst s10  }
0x32: {  	s10 =	sld [smem:$0x3FB6];
	_ =	sdelay $0x3  }
0x33: {  	p0 =	seq.s32 s10, $0x1;
	s10 =	sld [smem:$0x3FB8];
	_ =	sdelay $0x3  }
0x34: {  	[smem:$0x3FB8] =	sst s10  }
0x35: {  	s10 =	sld [smem:$0x3FB7];
	_ =	sdelay $0x3  }
0x36: {  	p1 =	seq.s32 s10, $0x1;
	s10 =	sld [smem:$0x3FB8];
	_ =	sdelay $0x3  }
0x37: {  	[smem:$0x3FB8] =	sst s10  }
0x38: {  	s10 =	sld [smem:$0x3FB9]  }
0x39: {  	_ = 	snop;
	(pc) =	sbr.ind lr, $3  }
0x3a: {  	_ = 	snop  }
0x3b: {  	_ = 	snop  }
0x3c: {  	p2 =	seq.s32 s10, $0x1;
	s10 =	sld [smem:$0x3FB8]  }
0x3d: {  	_ =	shalt  }
0x3e: {  	_ =	shalt  }
0x3f: {  	_ =	shalt  }
0x40: {  	_ =	shalt  }
0x41: {  	_ =	shalt  }
0x42: {  	_ =	shalt  }
0x43: {  	_ =	shalt  }
0x44: {  	_ =	shalt  }
0x45: {  	_ =	shalt  }
0x46: {  	_ =	shalt  }
0x47: {  	_ =	shalt  }
0x48: {  	_ =	shalt  }
0x49: {  	_ =	shalt  }
0x4a: {  	_ =	shalt  }
0x4b: {  	_ =	shalt  }
0x4c: {  	_ =	shalt  }
0x4d: {  	_ =	shalt  }
0x4e: {  	_ =	shalt  }
0x4f: {  	_ =	shalt  }
0x50: {  	_ =	shalt  }
0x51: {  	_ =	shalt  }
0x52: {  	_ =	shalt  }
0x53: {  	_ =	shalt  }
0x54: {  	_ =	shalt  }
0x55: {  	_ =	shalt  }
0x56: {  	_ =	shalt  }
0x57: {  	_ =	shalt  }
0x58: {  	_ =	shalt  }
0x59: {  	_ =	shalt  }
0x5a: {  	_ =	shalt  }
0x5b: {  	_ =	shalt  }
0x5c: {  	_ =	shalt  }
0x5d: {  	_ =	shalt  }
0x5e: {  	_ =	shalt  }
0x5f: {  	_ =	shalt  }
0x60: {  	_ =	shalt  }
0x61: {  	_ =	shalt  }
0x62: {  	_ =	shalt  }
0x63: {  	_ =	shalt  }
0x64: {  	_ =	shalt  }
0x65: {  	_ =	shalt  }
0x66: {  	_ =	shalt  }
0x67: {  	_ =	shalt  }
0x68: {  	_ =	shalt  }
0x69: {  	_ =	shalt  }
0x6a: {  	_ =	shalt  }
0x6b: {  	_ =	shalt  }
0x6c: {  	_ =	shalt  }
0x6d: {  	_ =	shalt  }
0x6e: {  	_ =	shalt  }
0x6f: {  	_ =	shalt  }
0x70: {  	_ =	shalt  }
0x71: {  	_ =	shalt  }
0x72: {  	_ =	shalt  }
0x73: {  	_ =	shalt  }
0x74: {  	_ =	shalt  }
0x75: {  	_ =	shalt  }
0x76: {  	_ =	shalt  }
0x77: {  	_ =	shalt  }
0x78: {  	_ =	shalt  }
0x79: {  	_ =	shalt  }
0x7a: {  	_ =	shalt  }
0x7b: {  	_ =	shalt  }
0x7c: {  	_ =	shalt  }
0x7d: {  	_ =	shalt  }
0x7e: {  	_ =	shalt  }
0x7f: {  	_ =	shalt  }
0x80: {  	_ =	shalt  }
0x81: {  	_ =	shalt  }
0x82: {  	_ =	shalt  }
0x83: {  	_ =	shalt  }
0x84: {  	_ =	shalt  }
0x85: {  	_ =	shalt  }
0x86: {  	_ =	shalt  }
0x87: {  	_ =	shalt  }
.Lfunc_end0:
.L_simem_size_0:
called_computation.2_lowered:
.L_overlay_start_0:
0x88: {  	s2 =	sld [smem:$0x3FD9]  }
0x89: {  	s3 =	sld [smem:$0x3FFE];
	_ =	sdelay $0x1  }
0x8a: {  	s1 =	srdreg.scid  }
0x8b: {  	s0 =	sand.u32 $0x1, s1  }
0x8c: {  	s17 =	sshll.u32 s0, $0xA;
	s2 =	sadd.s32 s3, s2  }
0x8d: {  	s2 =	sadd.s32 s2, s17  }
0x8e: {  	[smem:$0x3FC4] =	sst s2  }
0x8f: {  	_ = 	snop  }
0x90: {  	s2 =	sld [smem:$0x3FD0];
	(tm) =	ssettm $0x1  }
0x91: {  	s18 =	sld [smem:$0x3FFB];
	_ =	sdelay $0x3  }
0x92: {  	_ =	strace s18  }
0x93: {  	s3 =	sld [smem:$0x3FFC];
	_ =	sdelay $0x3  }
0x94: {  	_ =	strace s3  }
0x95: {  	s3 =	sld [smem:$0x3FFD];
	_ =	sdelay $0x3  }
0x96: {  	_ =	strace s3  }
0x97: {  	_ =	strace $0x8FFFFFFF  }
0x98: {  	s19 =	sld [smem:$0x3FDB];
	_ =	sdelay $0x1  }
0x99: {  	s4 =	simm.s32 $_scs_section_size  }
0x9a: {  	s5 =	simm.s32 $_size__tile_overlayer_lowered;
	s6 =	simm.s32 $_tile_overlayer_lowered  }
0x9b: {  	s22 =	simm.s32 $0x1BFF;
	s21 =	sshll.u32 s6, $0x1;
	s3 =	sadd.s32 s4, s19  }
0x9c: {  	s7 =	simm.s32 $0x0;
	s20 =	sshll.u32 s5, $0x1;
	s5 =	sadd.s32 s21, s3  }
0x9d: {  	[timem:s7], [sflag:s22] =	dma.local [hbm:s5], s20  }
0x9e: {  	_ =	swait.ge [sflag:s22], s20  }
0x9f: {  	s4 =	ssub.s32 $0x0, s20;
	[sflag:s22] =	ssyncset.done $0x0  }
0xa0: {  	[sflag:s22] =	ssyncadd.s32 s4;
	_ =	sdelay $0x1  }
0xa1: {  	s23 =	simm.s32 $0x1B8B  }
0xa2: {  	_ =	swait.ge [sflag:s23], $0x1  }
0xa3: {  	[sflag:s23] =	ssyncset.done $0x0  }
0xa4: {  	s25 =	simm.s32 $0x1B8E;
	s24 =	sld [smem:$0x3FFE];
	[sflag:s23] =	ssyncadd.s32 $0xFFFFFFFF  }
0xa5: {  	s26 =	simm.s32 $execute0_lowered;
	[smem:$0x3FD2] =	sst s25  }
0xa6: {  	s5 =	sshll.u32 s26, $0x1;
	_ =	strace $0x80000046;
	[dreg:$0x1] =	wrdreg $0xFFFFFFFF  }
0xa7: {  	s28 =	simm.s32 $_size_execute0_lowered;
	s3 =	sadd.s32 s3, s5;
	[dreg:$0x0] =	wrdreg $0x0  }
0xa8: {  	s5 =	sshll.u32 s28, $0x1;
	[dreg:$0x2] =	wrdreg s3  }
0xa9: {  	[dreg:$0x3] =	wrdreg s5  }
0xaa: {  	[dreg:$0x4] =	wrdreg $0xC0  }
0xab: {  	_ =	task [dreg:s7], $0x5FFFF  }
0xac: {  	[dreg:$0x1] =	wrdreg $0xFFFFFFFF  }
0xad: {  	[dreg:$0x0] =	wrdreg $0x60  }
0xae: {  	[dreg:$0x2] =	wrdreg s2  }
0xaf: {  	[dreg:$0x3] =	wrdreg s24  }
0xb0: {  	[dreg:$0x4] =	wrdreg $0x9  }
0xb1: {  	_ =	task.clear_ibuf [dreg:s7], $0x5FFFF;
	_ =	strace $0x90000046  }
0xb2: {  	s29 =	simm.s32 $0x9;
	_ =	strace $0x80000048  }
0xb3: {  	_ =	swait.ge [sflag:s29], $0x1  }
0xb4: {  	[sflag:s29] =	ssyncadd.s32 $0xFFFFFFFF  }
0xb5: {  	_ =	strace $0x90000048  }
0xb6: {  	_ =	sfence  }
0xb7: {  	s30 =	sld [smem:$0x0];
	_ =	sdelay $0x2  }
0xb8: {  	s31 =	sshll.u32 s1, $0xD;
	s1 =	sshrl.u32 s1, $0x2  }
0xb9: {  	s3 =	sand.u32 $0x4000, s31;
	s1 =	sadd.s32 s1, s30  }
0xba: {  	s0 =	sor.u32 s3, s0;
	s1 =	sshll.u32 s1, $0x11  }
0xbb: {  	s0 =	sor.u32 s1, s0  }
0xbc: {  	s0 =	sadd.s32 $0x8F2B, s0  }
0xbd: {  	[sflag:s0] =	ssyncadd.remote.s32 $0x1  }
0xbe: {  	_ =	sfence.sel $0xFFFF  }
0xbf: {  	[dreg:$0x0] =	wrdreg $0xFFFFFFFF;
	(pc) =	sbr.abs _section_cstart, $3  }
0xc0: {  	[dreg:$0x1] =	wrdreg $0xFFFFFFFF  }
0xc1: {  	_ =	task.clear_ibuf [dreg:s7], $0x2FFFF;
	_ =	strace $0x9FFFFFFF  }
0xc2: {  	(tm) =	ssettm $0x7FFFFFFF  }
0xc3: {  	_ =	shalt  }
tec
execute0_lowered:
.L_overlay_start_1:
0x0: {  	(tag) =	ssettag $0x1  }
0x1: {  	s1 =	rddreg [dreg:$0x0]  }
0x2: {  	s0 =	rddreg [dreg:$0x1];
	s2 =	simm.s32 $0x0  }
0x3: {  	s13 =	stileid.u32;
	s8 =	srdreg.scid;
	s28 =	simm.s32 $0x4  }
0x4: {  	s29 =	simm.s32 $0x7;
	s30 =	simm.s32 $0x6200;
	s31 =	simm.s32 $0x6  }
0x5: {  	[smem:$0x7FF] =	sst s2;
	s4 =	sadd.s32 $0x41000, s0;
	s5 =	sadd.s32 $0x3C00, s0  }
0x6: {  	s6 =	sadd.s32 $0x9E00, s0;
	s7 =	sadd.s32 $0x72000, s0;
	s3 =	sand.u32 $0x3, s13  }
0x7: {  	s11 =	sand.u32 $0x1, s8;
	s12 =	sshrl.u32 s13, $0x2;
	s8 =	sadd.s32 $0xA3000, s0  }
0x8: {  	p1 =	slt.u32 s13, $0x8;
	_ =	strace $0x80000047;
	s9 =	sshll.u32 s3, $0xD  }
0x9: {  	s10 =	ssub.s32 $0x2, s11;
	s15 =	smul.u32 $0x18800, s12;
	p0 =	seq.s32 s11, $0x0  }
0xa: {  	s12 =	sshll.u32 s12, $0xF;
	p2 =	seq.s32 s11, $0x1;
	s14 =	sadd.s32 s9, s0  }
0xb: {  	s20 =	sshrl.u32 s10, $0x1;
	s9 =	smul.u32 $0x31000, s3;
	p0 =	por !p0, !p1  }
0xc: {  	p1 =	por !p1, !p2;
	s0 =	ssub.s32 s10, s20;
	s21 =	sshrl.u32 s15, $0x3  }
0xd: {  	p0 =	por !p0, !p0;
	s13 =	sadd.s32 $0x1880, s15;
	s24 =	sadd.s32 s12, s14  }
0xe: {  	s14 =	sadd.s32 $0x3100, s15;
	p1 =	por !p1, !p1;
	s20 =	simm.s32 $0x0  }
0xf: {  	s10 =	sadd.s32 s15, s9;
	s22 =	sadd.s32 s5, s21;
	s12 =	sadd.s32 $0xD4000, s24  }
0x10: {  	s3 =	sadd.s32 s6, s21;
	s26 =	sadd.s32 $0xE4000, s24;
	[dreg:$0x3] =	wrdreg s22  }
0x11: {  	s19 =	smax.u32 s0, $0x1;
	s21 =	simm.s32 $0x1880;
	[dreg:$0x5] =	wrdreg s12  }
.Ltmp0:
0x12: {  	s24 =	simm.s32 $0x3;
	[dreg:$0x6] =	wrdreg s3;
	(pc) =	sbr.rel .LBB2_1-.Ltmp0, $4  }
0x13: {  	s0 =	simm.s32 $0x7A80;
	s16 =	sshrl.u32 s10, $0x3;
	[dreg:$0x8] =	wrdreg s26  }
0x14: {  	s22 =	simm.s32 $0x4980;
	s26 =	simm.s32 $0x2;
	s23 =	sadd.s32 s1, s16  }
0x15: {  	s3 =	simm.s32 $0x5;
	s25 =	sadd.s32 s4, s16;
	[dreg:$0x4] =	wrdreg s23  }
0x16: {  	v0 =	vimm.f32 $0.0e+00;
	[dreg:$0x7] =	wrdreg s25;
	s23 =	simm.s32 $0x1;
	s25 =	simm.s32 $0x9300  }
.LBB2_41:
0x17: {  	s20 =	sadd.s32 $0x1, s20  }
0x18: {  	p2 =	sne.s32 s20, s19  }
.Ltmp1:
0x19: {  	_ = 	snop;
	(pc) =	sbr.rel @!p2 .LBB2_42-.Ltmp1, $1  }
0x1a: {  	_ =	sdelay $0x3  }
.LBB2_1:
.Ltmp2:
0x1b: {  	(pc) =	sbr.rel @!p0 .LBB2_21-.Ltmp2, $1  }
0x1c: {  	_ =	sdelay $0x3  }
0x1d: {  	s11 =	sshra.s32 s2, $0x2;
	s12 =	sadd.s32 $0x200, s2  }
.LBB2_3:
0x1e: {  	p2 =	sne.s32 s12, $0x3FE00;
	[tilespmem:s11+$0x9370] =	vst v0  }
0x1f: {  	[tilespmem:s11+$0x9300] =	vst v0  }
0x20: {  	[tilespmem:s11+$0x9310] =	vst v0  }
.Ltmp3:
0x21: {  	[tilespmem:s11+$0x9320] =	vst v0;
	(pc) =	sbr.rel @p2 .LBB2_3-.Ltmp3, $4  }
0x22: {  	[tilespmem:s11+$0x9330] =	vst v0  }
0x23: {  	[tilespmem:s11+$0x9340] =	vst v0  }
0x24: {  	[tilespmem:s11+$0x9350] =	vst v0  }
0x25: {  	[tilespmem:s11+$0x9360] =	vst v0;
	s11 =	sshra.s32 s12, $0x2;
	s12 =	sadd.s32 $0x200, s12  }
0x26: {  	[tilespmem:s11+$0x9370] =	vst v0  }
0x27: {  	[tilespmem:s11+$0x9300] =	vst v0  }
0x28: {  	[tilespmem:s11+$0x9310] =	vst v0  }
0x29: {  	[tilespmem:s11+$0x9320] =	vst v0  }
0x2a: {  	[tilespmem:s11+$0x9330] =	vst v0  }
0x2b: {  	[tilespmem:s11+$0x9340] =	vst v0  }
0x2c: {  	[tilespmem:s11+$0x9350] =	vst v0  }
0x2d: {  	[tilespmem:s11+$0x9360] =	vst v0;
	s12 =	simm.s32 $0x0;
	s17 =	rddreg [dreg:$0x3]  }
0x2e: {  	[tilespmem:s12], [sflag:$0x1] =	stream.linear.gather [hbm4b:s17+s12], $0x1880, $0x38;
	[tilespmem:$0x19300] =	vst v63  }
0x2f: {  	s18 =	rddreg [dreg:$0x4];
	s15 =	simm.s32 $0x3100  }
0x30: {  	[tilespmem:s15], [sflag:$0x3] =	stream.linear.gather [hbm4b:s18+s12], $0x1880, $0x38;
	[tilespmem:$0x19300] =	vst v63  }
.LBB2_6:
0x31: {  	s15 =	smul.u32 $0x3100, s12;
	_ =	sdelay $0x1  }
0x32: {  	s11 =	sadd.s32 s15, s13  }
0x33: {  	s16 =	sshrl.u32 s11, $0x3;
	s11 =	sadd.s32 s9, s11  }
0x34: {  	s16 =	sadd.s32 s5, s16;
	s11 =	sshrl.u32 s11, $0x3  }
0x35: {  	[tilespmem:s21], [sflag:$0x2] =	stream.linear.gather [hbm4b:s16+s2], $0x1880, $0x38;
	[tilespmem:$0x19300] =	vst v63  }
0x36: {  	s11 =	sadd.s32 s1, s11  }
0x37: {  	[tilespmem:s22], [sflag:$0x4] =	stream.linear.gather [hbm4b:s11+s2], $0x1880, $0x38;
	[tilespmem:$0x19300] =	vst v63  }
0x38: {  	_ =	swait.ge [sflag:s23], $0x1880  }
0x39: {  	[sflag:s23] =	ssyncset.done $0x0  }
0x3a: {  	[sflag:s23] =	ssyncadd.s32 $0xFFFFE780  }
0x3b: {  	_ =	swait.ge [sflag:s24], $0x1880  }
0x3c: {  	[sflag:s24] =	ssyncset.done $0x0  }
0x3d: {  	s18 =	simm.s32 $0x40;
	[sflag:s24] =	ssyncadd.s32 $0xFFFFE780  }
0x3e: {  	v1 =	vld [tilespmem:s18+$0x30]  }
0x3f: {  	v2 =	vld [tilespmem:s18+$0xFFFFFFD0]  }
0x40: {  	s17 =	simm.s32 $0x3140;
	v3 =	vld [tilespmem:s18+$0xFFFFFFE0]  }
0x41: {  	v4 =	vld [tilespmem:s17+$0x30]  }
0x42: {  	v5 =	vld [tilespmem:s18+$0xFFFFFFF0]  }
0x43: {  	v6 =	vld [tilespmem:s18+$0x0]  }
0x44: {  	v7 =	vld [tilespmem:s18+$0x10]  }
0x45: {  	v8 =	vld [tilespmem:s18+$0x20]  }
0x46: {  	v63 =	vld [tilespmem:s17+$0xFFFFFFC0]  }
0x47: {  	v9 =	vld [tilespmem:s17+$0xFFFFFFD0]  }
0x48: {  	v10 =	vld [tilespmem:s17+$0xFFFFFFE0]  }
0x49: {  	v11 =	vld [tilespmem:s17+$0xFFFFFFF0]  }
0x4a: {  	v12 =	vld [tilespmem:s17+$0x0]  }
0x4b: {  	v13 =	vld [tilespmem:s17+$0x10]  }
0x4c: {  	[tilespmem:v1+s25+$0x0] =	vst.idx.add.f32.msk $0xffff, v4  }
0x4d: {  	v1 =	vld [tilespmem:s18+$0xFFFFFFC0]  }
0x4e: {  	v14 =	vld [tilespmem:s17+$0x20]  }
0x4f: {  	[tilespmem:v2+s25+$0x0] =	vst.idx.add.f32.msk $0xffff, v9  }
0x50: {  	[tilespmem:v3+s25+$0x0] =	vst.idx.add.f32.msk $0xffff, v10  }
0x51: {  	[tilespmem:v5+s25+$0x0] =	vst.idx.add.f32.msk $0xffff, v11  }
0x52: {  	[tilespmem:v6+s25+$0x0] =	vst.idx.add.f32.msk $0xffff, v12  }
0x53: {  	[tilespmem:v7+s25+$0x0] =	vst.idx.add.f32.msk $0xffff, v13  }
0x54: {  	[tilespmem:v8+s25+$0x0] =	vst.idx.add.f32.msk $0xffff, v14  }
0x55: {  	s11 =	simm.s32 $0xC0;
	s18 =	simm.s32 $0x0;
	[tilespmem:v1+s25+$0x0] =	vst.idx.add.f32.msk $0xffff, v63  }
.LBB2_7:
0x56: {  	v1 =	vld [tilespmem:s11+$0x30];
	s18 =	sadd.s32 $0x80, s18  }
0x57: {  	v2 =	vld [tilespmem:s11+$0xFFFFFFD0];
	p2 =	slt.u32 s18, $0x1800  }
0x58: {  	s17 =	sadd.s32 $0x80, s17;
	v3 =	vld [tilespmem:s11+$0xFFFFFFE0]  }
0x59: {  	v4 =	vld [tilespmem:s17+$0x30]  }
0x5a: {  	v5 =	vld [tilespmem:s11+$0xFFFFFFF0]  }
0x5b: {  	v6 =	vld [tilespmem:s11+$0x0]  }
0x5c: {  	v7 =	vld [tilespmem:s11+$0x10]  }
0x5d: {  	v8 =	vld [tilespmem:s11+$0x20]  }
0x5e: {  	[tilespmem:v1+s25+$0x0] =	vst.idx.add.f32.msk $0xffff, v4  }
0x5f: {  	v1 =	vld [tilespmem:s11+$0xFFFFFFC0]  }
0x60: {  	v4 =	vld [tilespmem:s17+$0xFFFFFFC0]  }
0x61: {  	v9 =	vld [tilespmem:s17+$0xFFFFFFD0]  }
0x62: {  	v10 =	vld [tilespmem:s17+$0xFFFFFFE0]  }
0x63: {  	v11 =	vld [tilespmem:s17+$0xFFFFFFF0]  }
0x64: {  	v12 =	vld [tilespmem:s17+$0x0]  }
0x65: {  	v13 =	vld [tilespmem:s17+$0x10]  }
0x66: {  	v14 =	vld [tilespmem:s17+$0x20]  }
0x67: {  	[tilespmem:v1+s25+$0x0] =	vst.idx.add.f32.msk $0xffff, v4  }
0x68: {  	[tilespmem:v2+s25+$0x0] =	vst.idx.add.f32.msk $0xffff, v9  }
.Ltmp4:
0x69: {  	[tilespmem:v3+s25+$0x0] =	vst.idx.add.f32.msk $0xffff, v10;
	(pc) =	sbr.rel @p2 .LBB2_7-.Ltmp4, $4  }
0x6a: {  	[tilespmem:v5+s25+$0x0] =	vst.idx.add.f32.msk $0xffff, v11  }
0x6b: {  	[tilespmem:v6+s25+$0x0] =	vst.idx.add.f32.msk $0xffff, v12  }
0x6c: {  	[tilespmem:v7+s25+$0x0] =	vst.idx.add.f32.msk $0xffff, v13  }
0x6d: {  	s11 =	sadd.s32 $0x80, s11;
	[tilespmem:v8+s25+$0x0] =	vst.idx.add.f32.msk $0xffff, v14  }
0x6e: {  	p2 =	seq.s32 s12, $0x7  }
0x6f: {  	s11 =	sadd.s32 @!p2 s15, s14  }
0x70: {  	s15 =	sshrl.u32 @!p2 s11, $0x3;
	s11 =	sadd.s32 @!p2 s9, s11  }
0x71: {  	s16 =	simm.s32 @!p2 $0x0;
	s15 =	sadd.s32 @!p2 s5, s15;
	s11 =	sshrl.u32 @!p2 s11, $0x3  }
0x72: {  	[tilespmem:s16], [sflag:$0x1] =	stream.linear.gather @!p2 [hbm4b:s15+s16], $0x1880, $0x38;
	[tilespmem:$0x19300] =	vst v63  }
0x73: {  	s11 =	sadd.s32 @!p2 s1, s11;
	s15 =	simm.s32 @!p2 $0x3100  }
0x74: {  	[tilespmem:s15], [sflag:$0x3] =	stream.linear.gather @!p2 [hbm4b:s11+s16], $0x1880, $0x38;
	[tilespmem:$0x19300] =	vst v63  }
0x75: {  	_ =	swait.ge [sflag:s26], $0x1880  }
0x76: {  	[sflag:s26] =	ssyncset.done $0x0  }
0x77: {  	[sflag:s26] =	ssyncadd.s32 $0xFFFFE780  }
0x78: {  	_ =	swait.ge [sflag:s28], $0x1880  }
0x79: {  	[sflag:s28] =	ssyncset.done $0x0  }
0x7a: {  	s18 =	simm.s32 $0x18C0;
	[sflag:s28] =	ssyncadd.s32 $0xFFFFE780  }
0x7b: {  	v1 =	vld [tilespmem:s18+$0x30]  }
0x7c: {  	v2 =	vld [tilespmem:s18+$0xFFFFFFD0]  }
0x7d: {  	s15 =	simm.s32 $0x49C0;
	v3 =	vld [tilespmem:s18+$0xFFFFFFE0]  }
0x7e: {  	v4 =	vld [tilespmem:s15+$0x30]  }
0x7f: {  	v5 =	vld [tilespmem:s18+$0xFFFFFFF0]  }
0x80: {  	v6 =	vld [tilespmem:s18+$0x0]  }
0x81: {  	v7 =	vld [tilespmem:s18+$0x10]  }
0x82: {  	v8 =	vld [tilespmem:s18+$0x20]  }
0x83: {  	v63 =	vld [tilespmem:s15+$0xFFFFFFC0]  }
0x84: {  	v9 =	vld [tilespmem:s15+$0xFFFFFFD0]  }
0x85: {  	v10 =	vld [tilespmem:s15+$0xFFFFFFE0]  }
0x86: {  	v11 =	vld [tilespmem:s15+$0xFFFFFFF0]  }
0x87: {  	v12 =	vld [tilespmem:s15+$0x0]  }
0x88: {  	v13 =	vld [tilespmem:s15+$0x10]  }
0x89: {  	[tilespmem:v1+s25+$0x0] =	vst.idx.add.f32.msk $0xffff, v4  }
0x8a: {  	v1 =	vld [tilespmem:s18+$0xFFFFFFC0]  }
0x8b: {  	v14 =	vld [tilespmem:s15+$0x20]  }
0x8c: {  	[tilespmem:v2+s25+$0x0] =	vst.idx.add.f32.msk $0xffff, v9  }
0x8d: {  	[tilespmem:v3+s25+$0x0] =	vst.idx.add.f32.msk $0xffff, v10  }
0x8e: {  	[tilespmem:v5+s25+$0x0] =	vst.idx.add.f32.msk $0xffff, v11  }
0x8f: {  	[tilespmem:v6+s25+$0x0] =	vst.idx.add.f32.msk $0xffff, v12  }
0x90: {  	[tilespmem:v7+s25+$0x0] =	vst.idx.add.f32.msk $0xffff, v13  }
0x91: {  	[tilespmem:v8+s25+$0x0] =	vst.idx.add.f32.msk $0xffff, v14  }
0x92: {  	s12 =	sadd.s32 $0x1, s12;
	s17 =	simm.s32 $0x0;
	s11 =	simm.s32 $0x1940;
	[tilespmem:v1+s25+$0x0] =	vst.idx.add.f32.msk $0xffff, v63  }
.LBB2_9:
0x93: {  	v1 =	vld [tilespmem:s11+$0x30];
	s17 =	sadd.s32 $0x80, s17  }
0x94: {  	v2 =	vld [tilespmem:s11+$0xFFFFFFD0];
	p2 =	slt.u32 s17, $0x1800  }
0x95: {  	s15 =	sadd.s32 $0x80, s15;
	v3 =	vld [tilespmem:s11+$0xFFFFFFE0]  }
0x96: {  	v4 =	vld [tilespmem:s15+$0x30]  }
0x97: {  	v5 =	vld [tilespmem:s11+$0xFFFFFFF0]  }
0x98: {  	v6 =	vld [tilespmem:s11+$0x0]  }
0x99: {  	v7 =	vld [tilespmem:s11+$0x10]  }
0x9a: {  	v8 =	vld [tilespmem:s11+$0x20]  }
0x9b: {  	[tilespmem:v1+s25+$0x0] =	vst.idx.add.f32.msk $0xffff, v4  }
0x9c: {  	v1 =	vld [tilespmem:s11+$0xFFFFFFC0]  }
0x9d: {  	v4 =	vld [tilespmem:s15+$0xFFFFFFC0]  }
0x9e: {  	v9 =	vld [tilespmem:s15+$0xFFFFFFD0]  }
0x9f: {  	v10 =	vld [tilespmem:s15+$0xFFFFFFE0]  }
0xa0: {  	v11 =	vld [tilespmem:s15+$0xFFFFFFF0]  }
0xa1: {  	v12 =	vld [tilespmem:s15+$0x0]  }
0xa2: {  	v13 =	vld [tilespmem:s15+$0x10]  }
0xa3: {  	v14 =	vld [tilespmem:s15+$0x20]  }
0xa4: {  	[tilespmem:v1+s25+$0x0] =	vst.idx.add.f32.msk $0xffff, v4  }
0xa5: {  	[tilespmem:v2+s25+$0x0] =	vst.idx.add.f32.msk $0xffff, v9  }
.Ltmp5:
0xa6: {  	[tilespmem:v3+s25+$0x0] =	vst.idx.add.f32.msk $0xffff, v10;
	(pc) =	sbr.rel @p2 .LBB2_9-.Ltmp5, $4  }
0xa7: {  	[tilespmem:v5+s25+$0x0] =	vst.idx.add.f32.msk $0xffff, v11  }
0xa8: {  	[tilespmem:v6+s25+$0x0] =	vst.idx.add.f32.msk $0xffff, v12  }
0xa9: {  	[tilespmem:v7+s25+$0x0] =	vst.idx.add.f32.msk $0xffff, v13  }
0xaa: {  	s11 =	sadd.s32 $0x80, s11;
	[tilespmem:v8+s25+$0x0] =	vst.idx.add.f32.msk $0xffff, v14  }
0xab: {  	p2 =	seq.s32 s12, $0x8  }
.Ltmp6:
0xac: {  	_ = 	snop;
	(pc) =	sbr.rel @!p2 .LBB2_6-.Ltmp6, $1  }
0xad: {  	_ =	sdelay $0x3  }
0xae: {  	s12 =	simm.s32 $0x0;
	s11 =	rddreg [dreg:$0x5]  }
0xaf: {  	[hbm4b:s11+s12] =	stream.linear.scatter [tilespmem:s25], [sflag:$0x7], $0x10000, $0x38;
	[tilespmem:$0x19300] =	vst v63  }
0xb0: {  	_ =	swait.ge [sflag:s29], $0x10000  }
0xb1: {  	[sflag:s29] =	ssyncset.done $0x0  }
0xb2: {  	s18 =	rddreg [dreg:$0x3];
	[sflag:s29] =	ssyncadd.s32 $0xFFFF0000  }
0xb3: {  	[tilespmem:s12], [sflag:$0x1] =	stream.linear.gather [hbm4b:s18+s12], $0x1880, $0x38;
	[tilespmem:$0x19300] =	vst v63  }
.LBB2_11:
0xb4: {  	s17 =	smul.u32 $0x3100, s12;
	_ =	sdelay $0x1  }
0xb5: {  	s15 =	sadd.s32 s17, s13  }
0xb6: {  	s11 =	sshrl.u32 s15, $0x3  }
0xb7: {  	s11 =	sadd.s32 s5, s11  }
0xb8: {  	[tilespmem:s21], [sflag:$0x2] =	stream.linear.gather [hbm4b:s11+s2], $0x1880, $0x38;
	[tilespmem:$0x19300] =	vst v63  }
0xb9: {  	_ =	swait.ge [sflag:s23], $0x1880  }
0xba: {  	p2 =	seq.s32 s12, $0x0;
	[sflag:s23] =	ssyncset.done $0x0  }
0xbb: {  	s11 =	simm.s32 @!p2 $0x5;
	[sflag:s23] =	ssyncadd.s32 $0xFFFFE780  }
0xbc: {  	_ =	swait.ge @!p2 [sflag:s11], $0x1880  }
0xbd: {  	[sflag:s11] =	ssyncset.done @!p2 $0x0  }
0xbe: {  	s18 =	simm.s32 $0x40;
	[sflag:s11] =	ssyncadd.s32 @!p2 $0xFFFFE780  }
0xbf: {  	v1 =	vld [tilespmem:s18+$0x30]  }
0xc0: {  	v2 =	vld [tilespmem:s18+$0xFFFFFFD0]  }
0xc1: {  	v3 =	vld [tilespmem:s18+$0xFFFFFFE0]  }
0xc2: {  	v4 =	vld [tilespmem:s18+$0xFFFFFFF0]  }
0xc3: {  	v7 =	vld [tilespmem:s18+$0x0]  }
0xc4: {  	v8 =	vld [tilespmem:s18+$0x10]  }
0xc5: {  	v9 =	vld [tilespmem:s18+$0x20]  }
0xc6: {  	v10 =	vld [tilespmem:s18+$0xFFFFFFC0]  }
0xc7: {  	v11 =	vld.idx.msk [tilespmem:v1+s25+$0x0], $0xffff  }
0xc8: {  	v12 =	vld.idx.msk [tilespmem:v2+s25+$0x0], $0xffff  }
0xc9: {  	v6 =	vld.idx.msk [tilespmem:v3+s25+$0x0], $0xffff  }
0xca: {  	v5 =	vld.idx.msk [tilespmem:v4+s25+$0x0], $0xffff  }
0xcb: {  	v2 =	vld.idx.msk [tilespmem:v7+s25+$0x0], $0xffff  }
0xcc: {  	s18 =	simm.s32 $0x6240;
	v3 =	vld.idx.msk [tilespmem:v8+s25+$0x0], $0xffff  }
0xcd: {  	v1 =	vld.idx.msk [tilespmem:v9+s25+$0x0], $0xffff;
	[tilespmem:s18+$0x30] =	vst v11  }
0xce: {  	s16 =	simm.s32 $0xC0;
	s11 =	simm.s32 $0x0;
	v4 =	vld.idx.msk [tilespmem:v10+s25+$0x0], $0xffff;
	[tilespmem:s18+$0xFFFFFFD0] =	vst v12  }
.LBB2_12:
0xcf: {  	v7 =	vld [tilespmem:s16+$0x30];
	s11 =	sadd.s32 $0x80, s11;
	[tilespmem:s18+$0xFFFFFFE0] =	vst v6  }
0xd0: {  	v6 =	vld [tilespmem:s16+$0xFFFFFFD0];
	p3 =	slt.u32 s11, $0x1800;
	[tilespmem:s18+$0xFFFFFFF0] =	vst v5  }
0xd1: {  	v5 =	vld [tilespmem:s16+$0xFFFFFFE0];
	[tilespmem:s18+$0x0] =	vst v2  }
0xd2: {  	v2 =	vld [tilespmem:s16+$0xFFFFFFF0];
	[tilespmem:s18+$0x10] =	vst v3  }
0xd3: {  	v3 =	vld [tilespmem:s16+$0x0];
	[tilespmem:s18+$0x20] =	vst v1  }
0xd4: {  	v1 =	vld [tilespmem:s16+$0x10];
	[tilespmem:s18+$0xFFFFFFC0] =	vst v4  }
0xd5: {  	v4 =	vld [tilespmem:s16+$0x20]  }
0xd6: {  	v8 =	vld [tilespmem:s16+$0xFFFFFFC0]  }
0xd7: {  	v7 =	vld.idx.msk [tilespmem:v7+s25+$0x0], $0xffff  }
0xd8: {  	v9 =	vld.idx.msk [tilespmem:v6+s25+$0x0], $0xffff  }
0xd9: {  	v6 =	vld.idx.msk [tilespmem:v5+s25+$0x0], $0xffff  }
.Ltmp7:
0xda: {  	v5 =	vld.idx.msk [tilespmem:v2+s25+$0x0], $0xffff;
	(pc) =	sbr.rel @p3 .LBB2_12-.Ltmp7, $4  }
0xdb: {  	v2 =	vld.idx.msk [tilespmem:v3+s25+$0x0], $0xffff  }
0xdc: {  	s18 =	sadd.s32 $0x80, s18;
	v3 =	vld.idx.msk [tilespmem:v1+s25+$0x0], $0xffff  }
0xdd: {  	v1 =	vld.idx.msk [tilespmem:v4+s25+$0x0], $0xffff;
	[tilespmem:s18+$0x30] =	vst v7  }
0xde: {  	s16 =	sadd.s32 $0x80, s16;
	v4 =	vld.idx.msk [tilespmem:v8+s25+$0x0], $0xffff;
	[tilespmem:s18+$0xFFFFFFD0] =	vst v9  }
0xdf: {  	[tilespmem:s18+$0xFFFFFFE0] =	vst v6  }
0xe0: {  	[tilespmem:s18+$0xFFFFFFF0] =	vst v5;
	p3 =	sne.s32 s12, $0x7  }
.Ltmp8:
0xe1: {  	[tilespmem:s18+$0x0] =	vst v2;
	(pc) =	sbr.rel @p3 .LBB2_15-.Ltmp8, $4  }
0xe2: {  	s11 =	sadd.s32 s17, s10;
	[tilespmem:s18+$0x10] =	vst v3  }
0xe3: {  	s11 =	sshrl.u32 s11, $0x3;
	[tilespmem:s18+$0x20] =	vst v1  }
0xe4: {  	s11 =	sadd.s32 s7, s11;
	[tilespmem:s18+$0xFFFFFFC0] =	vst v4  }
0xe5: {  	[hbm4b:s11+s2] =	stream.linear.scatter [tilespmem:s30], [sflag:$0x5], $0x1880, $0x38;
	[tilespmem:$0x19300] =	vst v63  }
.Ltmp9:
0xe6: {  	(pc) =	sbr.rel .LBB2_16-.Ltmp9, $4  }
0xe7: {  	_ = 	snop  }
0xe8: {  	_ =	swait.ge [sflag:s26], $0x1880  }
0xe9: {  	[sflag:s26] =	ssyncset.done $0x0  }
0xea: {  	[sflag:s26] =	ssyncadd.s32 $0xFFFFE780  }
.LBB2_15:
0xeb: {  	s11 =	sadd.s32 s17, s14  }
0xec: {  	s11 =	sshrl.u32 s11, $0x3  }
.Ltmp10:
0xed: {  	s11 =	sadd.s32 s5, s11;
	(pc) =	sbr.rel @p2 .LBB2_17-.Ltmp10, $4  }
0xee: {  	[tilespmem:s2], [sflag:$0x1] =	stream.linear.gather [hbm4b:s11+s2], $0x1880, $0x38;
	[tilespmem:$0x19300] =	vst v63  }
0xef: {  	_ =	swait.ge [sflag:s26], $0x1880  }
0xf0: {  	[sflag:s26] =	ssyncset.done $0x0  }
0xf1: {  	[sflag:s26] =	ssyncadd.s32 $0xFFFFE780  }
.LBB2_16:
0xf2: {  	_ =	swait.ge [sflag:s31], $0x1880  }
0xf3: {  	[sflag:s31] =	ssyncset.done $0x0  }
0xf4: {  	[sflag:s31] =	ssyncadd.s32 $0xFFFFE780  }
.LBB2_17:
0xf5: {  	s11 =	simm.s32 $0x18C0  }
0xf6: {  	v1 =	vld [tilespmem:s11+$0x30]  }
0xf7: {  	v2 =	vld [tilespmem:s11+$0xFFFFFFD0]  }
0xf8: {  	v3 =	vld [tilespmem:s11+$0xFFFFFFE0]  }
0xf9: {  	v4 =	vld [tilespmem:s11+$0xFFFFFFF0]  }
0xfa: {  	v5 =	vld [tilespmem:s11+$0x0]  }
0xfb: {  	v7 =	vld [tilespmem:s11+$0x10]  }
0xfc: {  	v8 =	vld [tilespmem:s11+$0x20]  }
0xfd: {  	v9 =	vld [tilespmem:s11+$0xFFFFFFC0]  }
0xfe: {  	v10 =	vld.idx.msk [tilespmem:v1+s25+$0x0], $0xffff  }
0xff: {  	v11 =	vld.idx.msk [tilespmem:v2+s25+$0x0], $0xffff  }
0x100: {  	v6 =	vld.idx.msk [tilespmem:v3+s25+$0x0], $0xffff  }
0x101: {  	v4 =	vld.idx.msk [tilespmem:v4+s25+$0x0], $0xffff  }
0x102: {  	v2 =	vld.idx.msk [tilespmem:v5+s25+$0x0], $0xffff  }
0x103: {  	s17 =	simm.s32 $0x7AC0;
	v3 =	vld.idx.msk [tilespmem:v7+s25+$0x0], $0xffff  }
0x104: {  	v1 =	vld.idx.msk [tilespmem:v8+s25+$0x0], $0xffff;
	[tilespmem:s17+$0x30] =	vst v10  }
0x105: {  	s12 =	sadd.s32 $0x1, s12;
	s16 =	simm.s32 $0x1940;
	s11 =	simm.s32 $0x0;
	v5 =	vld.idx.msk [tilespmem:v9+s25+$0x0], $0xffff;
	[tilespmem:s17+$0xFFFFFFD0] =	vst v11  }
.LBB2_18:
0x106: {  	v7 =	vld [tilespmem:s16+$0x30];
	s11 =	sadd.s32 $0x80, s11;
	[tilespmem:s17+$0xFFFFFFE0] =	vst v6  }
0x107: {  	v6 =	vld [tilespmem:s16+$0xFFFFFFD0];
	p2 =	slt.u32 s11, $0x1800;
	[tilespmem:s17+$0xFFFFFFF0] =	vst v4  }
0x108: {  	v4 =	vld [tilespmem:s16+$0xFFFFFFE0];
	[tilespmem:s17+$0x0] =	vst v2  }
0x109: {  	v2 =	vld [tilespmem:s16+$0xFFFFFFF0];
	[tilespmem:s17+$0x10] =	vst v3  }
0x10a: {  	v3 =	vld [tilespmem:s16+$0x0];
	[tilespmem:s17+$0x20] =	vst v1  }
0x10b: {  	v1 =	vld [tilespmem:s16+$0x10];
	[tilespmem:s17+$0xFFFFFFC0] =	vst v5  }
0x10c: {  	v5 =	vld [tilespmem:s16+$0x20]  }
0x10d: {  	v8 =	vld [tilespmem:s16+$0xFFFFFFC0]  }
0x10e: {  	v7 =	vld.idx.msk [tilespmem:v7+s25+$0x0], $0xffff  }
0x10f: {  	v9 =	vld.idx.msk [tilespmem:v6+s25+$0x0], $0xffff  }
0x110: {  	v6 =	vld.idx.msk [tilespmem:v4+s25+$0x0], $0xffff  }
.Ltmp11:
0x111: {  	v4 =	vld.idx.msk [tilespmem:v2+s25+$0x0], $0xffff;
	(pc) =	sbr.rel @p2 .LBB2_18-.Ltmp11, $4  }
0x112: {  	v2 =	vld.idx.msk [tilespmem:v3+s25+$0x0], $0xffff  }
0x113: {  	s17 =	sadd.s32 $0x80, s17;
	v3 =	vld.idx.msk [tilespmem:v1+s25+$0x0], $0xffff  }
0x114: {  	v1 =	vld.idx.msk [tilespmem:v5+s25+$0x0], $0xffff;
	[tilespmem:s17+$0x30] =	vst v7  }
0x115: {  	s16 =	sadd.s32 $0x80, s16;
	v5 =	vld.idx.msk [tilespmem:v8+s25+$0x0], $0xffff;
	[tilespmem:s17+$0xFFFFFFD0] =	vst v9  }
0x116: {  	[tilespmem:s17+$0xFFFFFFE0] =	vst v6  }
0x117: {  	[tilespmem:s17+$0xFFFFFFF0] =	vst v4;
	p2 =	sne.s32 s12, $0x8  }
.Ltmp12:
0x118: {  	[tilespmem:s17+$0x0] =	vst v2;
	(pc) =	sbr.rel @p2 .LBB2_11-.Ltmp12, $4  }
0x119: {  	s11 =	sadd.s32 s9, s15;
	[tilespmem:s17+$0x10] =	vst v3  }
0x11a: {  	s11 =	sshrl.u32 s11, $0x3;
	[tilespmem:s17+$0x20] =	vst v1  }
0x11b: {  	s11 =	sadd.s32 s7, s11;
	[tilespmem:s17+$0xFFFFFFC0] =	vst v5  }
0x11c: {  	[hbm4b:s11+s2] =	stream.linear.scatter [tilespmem:s0], [sflag:$0x6], $0x1880, $0x38;
	[tilespmem:$0x19300] =	vst v63  }
0x11d: {  	_ =	swait.ge [sflag:s3], $0x1880  }
0x11e: {  	[sflag:s3] =	ssyncset.done $0x0  }
0x11f: {  	[sflag:s3] =	ssyncadd.s32 $0xFFFFE780  }
0x120: {  	_ =	swait.ge [sflag:s31], $0x1880  }
0x121: {  	[sflag:s31] =	ssyncset.done $0x0  }
0x122: {  	[sflag:s31] =	ssyncadd.s32 $0xFFFFE780  }
.LBB2_21:
.Ltmp13:
0x123: {  	(pc) =	sbr.rel @!p1 .LBB2_41-.Ltmp13, $2  }
0x124: {  	_ =	sdelay $0x2  }
0x125: {  	s12 =	simm.s32 $0x0  }
0x126: {  	s11 =	sshra.s32 s12, $0x2;
	s12 =	sadd.s32 $0x200, s12  }
.LBB2_23:
0x127: {  	p2 =	sne.s32 s12, $0x3FE00;
	[tilespmem:s11+$0x9370] =	vst v0  }
0x128: {  	[tilespmem:s11+$0x9300] =	vst v0  }
0x129: {  	[tilespmem:s11+$0x9310] =	vst v0  }
.Ltmp14:
0x12a: {  	[tilespmem:s11+$0x9320] =	vst v0;
	(pc) =	sbr.rel @p2 .LBB2_23-.Ltmp14, $4  }
0x12b: {  	[tilespmem:s11+$0x9330] =	vst v0  }
0x12c: {  	[tilespmem:s11+$0x9340] =	vst v0  }
0x12d: {  	[tilespmem:s11+$0x9350] =	vst v0  }
0x12e: {  	[tilespmem:s11+$0x9360] =	vst v0;
	s11 =	sshra.s32 s12, $0x2;
	s12 =	sadd.s32 $0x200, s12  }
0x12f: {  	[tilespmem:s11+$0x9370] =	vst v0  }
0x130: {  	[tilespmem:s11+$0x9300] =	vst v0  }
0x131: {  	[tilespmem:s11+$0x9310] =	vst v0  }
0x132: {  	[tilespmem:s11+$0x9320] =	vst v0  }
0x133: {  	[tilespmem:s11+$0x9330] =	vst v0  }
0x134: {  	[tilespmem:s11+$0x9340] =	vst v0  }
0x135: {  	[tilespmem:s11+$0x9350] =	vst v0  }
0x136: {  	[tilespmem:s11+$0x9360] =	vst v0;
	s12 =	simm.s32 $0x0;
	s17 =	rddreg [dreg:$0x6]  }
0x137: {  	[tilespmem:s12], [sflag:$0x1] =	stream.linear.gather [hbm4b:s17+s12], $0x1880, $0x38;
	[tilespmem:$0x19300] =	vst v63  }
0x138: {  	s18 =	rddreg [dreg:$0x7];
	s15 =	simm.s32 $0x3100  }
0x139: {  	[tilespmem:s15], [sflag:$0x3] =	stream.linear.gather [hbm4b:s18+s12], $0x1880, $0x38;
	[tilespmem:$0x19300] =	vst v63  }
.LBB2_26:
0x13a: {  	s15 =	smul.u32 $0x3100, s12;
	_ =	sdelay $0x1  }
0x13b: {  	s11 =	sadd.s32 s15, s13  }
0x13c: {  	s16 =	sshrl.u32 s11, $0x3;
	s11 =	sadd.s32 s9, s11  }
0x13d: {  	s16 =	sadd.s32 s6, s16;
	s11 =	sshrl.u32 s11, $0x3  }
0x13e: {  	[tilespmem:s21], [sflag:$0x2] =	stream.linear.gather [hbm4b:s16+s2], $0x1880, $0x38;
	[tilespmem:$0x19300] =	vst v63  }
0x13f: {  	s11 =	sadd.s32 s4, s11  }
0x140: {  	[tilespmem:s22], [sflag:$0x4] =	stream.linear.gather [hbm4b:s11+s2], $0x1880, $0x38;
	[tilespmem:$0x19300] =	vst v63  }
0x141: {  	_ =	swait.ge [sflag:s23], $0x1880  }
0x142: {  	[sflag:s23] =	ssyncset.done $0x0  }
0x143: {  	[sflag:s23] =	ssyncadd.s32 $0xFFFFE780  }
0x144: {  	_ =	swait.ge [sflag:s24], $0x1880  }
0x145: {  	[sflag:s24] =	ssyncset.done $0x0  }
0x146: {  	s18 =	simm.s32 $0x40;
	[sflag:s24] =	ssyncadd.s32 $0xFFFFE780  }
0x147: {  	v1 =	vld [tilespmem:s18+$0x30]  }
0x148: {  	v2 =	vld [tilespmem:s18+$0xFFFFFFD0]  }
0x149: {  	s17 =	simm.s32 $0x3140;
	v3 =	vld [tilespmem:s18+$0xFFFFFFE0]  }
0x14a: {  	v4 =	vld [tilespmem:s17+$0x30]  }
0x14b: {  	v5 =	vld [tilespmem:s18+$0xFFFFFFF0]  }
0x14c: {  	v6 =	vld [tilespmem:s18+$0x0]  }
0x14d: {  	v7 =	vld [tilespmem:s18+$0x10]  }
0x14e: {  	v8 =	vld [tilespmem:s18+$0x20]  }
0x14f: {  	v63 =	vld [tilespmem:s17+$0xFFFFFFC0]  }
0x150: {  	v9 =	vld [tilespmem:s17+$0xFFFFFFD0]  }
0x151: {  	v10 =	vld [tilespmem:s17+$0xFFFFFFE0]  }
0x152: {  	v11 =	vld [tilespmem:s17+$0xFFFFFFF0]  }
0x153: {  	v12 =	vld [tilespmem:s17+$0x0]  }
0x154: {  	v13 =	vld [tilespmem:s17+$0x10]  }
0x155: {  	[tilespmem:v1+s25+$0x0] =	vst.idx.add.f32.msk $0xffff, v4  }
0x156: {  	v1 =	vld [tilespmem:s18+$0xFFFFFFC0]  }
0x157: {  	v14 =	vld [tilespmem:s17+$0x20]  }
0x158: {  	[tilespmem:v2+s25+$0x0] =	vst.idx.add.f32.msk $0xffff, v9  }
0x159: {  	[tilespmem:v3+s25+$0x0] =	vst.idx.add.f32.msk $0xffff, v10  }
0x15a: {  	[tilespmem:v5+s25+$0x0] =	vst.idx.add.f32.msk $0xffff, v11  }
0x15b: {  	[tilespmem:v6+s25+$0x0] =	vst.idx.add.f32.msk $0xffff, v12  }
0x15c: {  	[tilespmem:v7+s25+$0x0] =	vst.idx.add.f32.msk $0xffff, v13  }
0x15d: {  	[tilespmem:v8+s25+$0x0] =	vst.idx.add.f32.msk $0xffff, v14  }
0x15e: {  	s11 =	simm.s32 $0xC0;
	s18 =	simm.s32 $0x0;
	[tilespmem:v1+s25+$0x0] =	vst.idx.add.f32.msk $0xffff, v63  }
.LBB2_27:
0x15f: {  	v1 =	vld [tilespmem:s11+$0x30];
	s18 =	sadd.s32 $0x80, s18  }
0x160: {  	v2 =	vld [tilespmem:s11+$0xFFFFFFD0];
	p2 =	slt.u32 s18, $0x1800  }
0x161: {  	s17 =	sadd.s32 $0x80, s17;
	v3 =	vld [tilespmem:s11+$0xFFFFFFE0]  }
0x162: {  	v4 =	vld [tilespmem:s17+$0x30]  }
0x163: {  	v5 =	vld [tilespmem:s11+$0xFFFFFFF0]  }
0x164: {  	v6 =	vld [tilespmem:s11+$0x0]  }
0x165: {  	v7 =	vld [tilespmem:s11+$0x10]  }
0x166: {  	v8 =	vld [tilespmem:s11+$0x20]  }
0x167: {  	[tilespmem:v1+s25+$0x0] =	vst.idx.add.f32.msk $0xffff, v4  }
0x168: {  	v1 =	vld [tilespmem:s11+$0xFFFFFFC0]  }
0x169: {  	v4 =	vld [tilespmem:s17+$0xFFFFFFC0]  }
0x16a: {  	v9 =	vld [tilespmem:s17+$0xFFFFFFD0]  }
0x16b: {  	v10 =	vld [tilespmem:s17+$0xFFFFFFE0]  }
0x16c: {  	v11 =	vld [tilespmem:s17+$0xFFFFFFF0]  }
0x16d: {  	v12 =	vld [tilespmem:s17+$0x0]  }
0x16e: {  	v13 =	vld [tilespmem:s17+$0x10]  }
0x16f: {  	v14 =	vld [tilespmem:s17+$0x20]  }
0x170: {  	[tilespmem:v1+s25+$0x0] =	vst.idx.add.f32.msk $0xffff, v4  }
0x171: {  	[tilespmem:v2+s25+$0x0] =	vst.idx.add.f32.msk $0xffff, v9  }
.Ltmp15:
0x172: {  	[tilespmem:v3+s25+$0x0] =	vst.idx.add.f32.msk $0xffff, v10;
	(pc) =	sbr.rel @p2 .LBB2_27-.Ltmp15, $4  }
0x173: {  	[tilespmem:v5+s25+$0x0] =	vst.idx.add.f32.msk $0xffff, v11  }
0x174: {  	[tilespmem:v6+s25+$0x0] =	vst.idx.add.f32.msk $0xffff, v12  }
0x175: {  	[tilespmem:v7+s25+$0x0] =	vst.idx.add.f32.msk $0xffff, v13  }
0x176: {  	s11 =	sadd.s32 $0x80, s11;
	[tilespmem:v8+s25+$0x0] =	vst.idx.add.f32.msk $0xffff, v14  }
0x177: {  	p2 =	seq.s32 s12, $0x7  }
0x178: {  	s11 =	sadd.s32 @!p2 s15, s14  }
0x179: {  	s15 =	sshrl.u32 @!p2 s11, $0x3;
	s11 =	sadd.s32 @!p2 s9, s11  }
0x17a: {  	s16 =	simm.s32 @!p2 $0x0;
	s15 =	sadd.s32 @!p2 s6, s15;
	s11 =	sshrl.u32 @!p2 s11, $0x3  }
0x17b: {  	[tilespmem:s16], [sflag:$0x1] =	stream.linear.gather @!p2 [hbm4b:s15+s16], $0x1880, $0x38;
	[tilespmem:$0x19300] =	vst v63  }
0x17c: {  	s11 =	sadd.s32 @!p2 s4, s11;
	s15 =	simm.s32 @!p2 $0x3100  }
0x17d: {  	[tilespmem:s15], [sflag:$0x3] =	stream.linear.gather @!p2 [hbm4b:s11+s16], $0x1880, $0x38;
	[tilespmem:$0x19300] =	vst v63  }
0x17e: {  	_ =	swait.ge [sflag:s26], $0x1880  }
0x17f: {  	[sflag:s26] =	ssyncset.done $0x0  }
0x180: {  	[sflag:s26] =	ssyncadd.s32 $0xFFFFE780  }
0x181: {  	_ =	swait.ge [sflag:s28], $0x1880  }
0x182: {  	[sflag:s28] =	ssyncset.done $0x0  }
0x183: {  	s18 =	simm.s32 $0x18C0;
	[sflag:s28] =	ssyncadd.s32 $0xFFFFE780  }
0x184: {  	v1 =	vld [tilespmem:s18+$0x30]  }
0x185: {  	v2 =	vld [tilespmem:s18+$0xFFFFFFD0]  }
0x186: {  	s15 =	simm.s32 $0x49C0;
	v3 =	vld [tilespmem:s18+$0xFFFFFFE0]  }
0x187: {  	v4 =	vld [tilespmem:s15+$0x30]  }
0x188: {  	v5 =	vld [tilespmem:s18+$0xFFFFFFF0]  }
0x189: {  	v6 =	vld [tilespmem:s18+$0x0]  }
0x18a: {  	v7 =	vld [tilespmem:s18+$0x10]  }
0x18b: {  	v8 =	vld [tilespmem:s18+$0x20]  }
0x18c: {  	v63 =	vld [tilespmem:s15+$0xFFFFFFC0]  }
0x18d: {  	v9 =	vld [tilespmem:s15+$0xFFFFFFD0]  }
0x18e: {  	v10 =	vld [tilespmem:s15+$0xFFFFFFE0]  }
0x18f: {  	v11 =	vld [tilespmem:s15+$0xFFFFFFF0]  }
0x190: {  	v12 =	vld [tilespmem:s15+$0x0]  }
0x191: {  	v13 =	vld [tilespmem:s15+$0x10]  }
0x192: {  	[tilespmem:v1+s25+$0x0] =	vst.idx.add.f32.msk $0xffff, v4  }
0x193: {  	v1 =	vld [tilespmem:s18+$0xFFFFFFC0]  }
0x194: {  	v14 =	vld [tilespmem:s15+$0x20]  }
0x195: {  	[tilespmem:v2+s25+$0x0] =	vst.idx.add.f32.msk $0xffff, v9  }
0x196: {  	[tilespmem:v3+s25+$0x0] =	vst.idx.add.f32.msk $0xffff, v10  }
0x197: {  	[tilespmem:v5+s25+$0x0] =	vst.idx.add.f32.msk $0xffff, v11  }
0x198: {  	[tilespmem:v6+s25+$0x0] =	vst.idx.add.f32.msk $0xffff, v12  }
0x199: {  	[tilespmem:v7+s25+$0x0] =	vst.idx.add.f32.msk $0xffff, v13  }
0x19a: {  	[tilespmem:v8+s25+$0x0] =	vst.idx.add.f32.msk $0xffff, v14  }
0x19b: {  	s12 =	sadd.s32 $0x1, s12;
	s17 =	simm.s32 $0x0;
	s11 =	simm.s32 $0x1940;
	[tilespmem:v1+s25+$0x0] =	vst.idx.add.f32.msk $0xffff, v63  }
.LBB2_29:
0x19c: {  	v1 =	vld [tilespmem:s11+$0x30];
	s17 =	sadd.s32 $0x80, s17  }
0x19d: {  	v2 =	vld [tilespmem:s11+$0xFFFFFFD0];
	p2 =	slt.u32 s17, $0x1800  }
0x19e: {  	s15 =	sadd.s32 $0x80, s15;
	v3 =	vld [tilespmem:s11+$0xFFFFFFE0]  }
0x19f: {  	v4 =	vld [tilespmem:s15+$0x30]  }
0x1a0: {  	v5 =	vld [tilespmem:s11+$0xFFFFFFF0]  }
0x1a1: {  	v6 =	vld [tilespmem:s11+$0x0]  }
0x1a2: {  	v7 =	vld [tilespmem:s11+$0x10]  }
0x1a3: {  	v8 =	vld [tilespmem:s11+$0x20]  }
0x1a4: {  	[tilespmem:v1+s25+$0x0] =	vst.idx.add.f32.msk $0xffff, v4  }
0x1a5: {  	v1 =	vld [tilespmem:s11+$0xFFFFFFC0]  }
0x1a6: {  	v4 =	vld [tilespmem:s15+$0xFFFFFFC0]  }
0x1a7: {  	v9 =	vld [tilespmem:s15+$0xFFFFFFD0]  }
0x1a8: {  	v10 =	vld [tilespmem:s15+$0xFFFFFFE0]  }
0x1a9: {  	v11 =	vld [tilespmem:s15+$0xFFFFFFF0]  }
0x1aa: {  	v12 =	vld [tilespmem:s15+$0x0]  }
0x1ab: {  	v13 =	vld [tilespmem:s15+$0x10]  }
0x1ac: {  	v14 =	vld [tilespmem:s15+$0x20]  }
0x1ad: {  	[tilespmem:v1+s25+$0x0] =	vst.idx.add.f32.msk $0xffff, v4  }
0x1ae: {  	[tilespmem:v2+s25+$0x0] =	vst.idx.add.f32.msk $0xffff, v9  }
.Ltmp16:
0x1af: {  	[tilespmem:v3+s25+$0x0] =	vst.idx.add.f32.msk $0xffff, v10;
	(pc) =	sbr.rel @p2 .LBB2_29-.Ltmp16, $4  }
0x1b0: {  	[tilespmem:v5+s25+$0x0] =	vst.idx.add.f32.msk $0xffff, v11  }
0x1b1: {  	[tilespmem:v6+s25+$0x0] =	vst.idx.add.f32.msk $0xffff, v12  }
0x1b2: {  	[tilespmem:v7+s25+$0x0] =	vst.idx.add.f32.msk $0xffff, v13  }
0x1b3: {  	s11 =	sadd.s32 $0x80, s11;
	[tilespmem:v8+s25+$0x0] =	vst.idx.add.f32.msk $0xffff, v14  }
0x1b4: {  	p2 =	seq.s32 s12, $0x8  }
.Ltmp17:
0x1b5: {  	_ = 	snop;
	(pc) =	sbr.rel @!p2 .LBB2_26-.Ltmp17, $1  }
0x1b6: {  	_ =	sdelay $0x3  }
0x1b7: {  	s12 =	simm.s32 $0x0;
	s11 =	rddreg [dreg:$0x8]  }
0x1b8: {  	[hbm4b:s11+s12] =	stream.linear.scatter [tilespmem:s25], [sflag:$0x7], $0x10000, $0x38;
	[tilespmem:$0x19300] =	vst v63  }
0x1b9: {  	_ =	swait.ge [sflag:s29], $0x10000  }
0x1ba: {  	[sflag:s29] =	ssyncset.done $0x0  }
0x1bb: {  	s18 =	rddreg [dreg:$0x6];
	[sflag:s29] =	ssyncadd.s32 $0xFFFF0000  }
0x1bc: {  	[tilespmem:s12], [sflag:$0x1] =	stream.linear.gather [hbm4b:s18+s12], $0x1880, $0x38;
	[tilespmem:$0x19300] =	vst v63  }
.LBB2_31:
0x1bd: {  	s17 =	smul.u32 $0x3100, s12;
	_ =	sdelay $0x1  }
0x1be: {  	s15 =	sadd.s32 s17, s13  }
0x1bf: {  	s11 =	sshrl.u32 s15, $0x3  }
0x1c0: {  	s11 =	sadd.s32 s6, s11  }
0x1c1: {  	[tilespmem:s21], [sflag:$0x2] =	stream.linear.gather [hbm4b:s11+s2], $0x1880, $0x38;
	[tilespmem:$0x19300] =	vst v63  }
0x1c2: {  	_ =	swait.ge [sflag:s23], $0x1880  }
0x1c3: {  	p2 =	seq.s32 s12, $0x0;
	[sflag:s23] =	ssyncset.done $0x0  }
0x1c4: {  	s11 =	simm.s32 @!p2 $0x5;
	[sflag:s23] =	ssyncadd.s32 $0xFFFFE780  }
0x1c5: {  	_ =	swait.ge @!p2 [sflag:s11], $0x1880  }
0x1c6: {  	[sflag:s11] =	ssyncset.done @!p2 $0x0  }
0x1c7: {  	s18 =	simm.s32 $0x40;
	[sflag:s11] =	ssyncadd.s32 @!p2 $0xFFFFE780  }
0x1c8: {  	v1 =	vld [tilespmem:s18+$0x30]  }
0x1c9: {  	v2 =	vld [tilespmem:s18+$0xFFFFFFD0]  }
0x1ca: {  	v3 =	vld [tilespmem:s18+$0xFFFFFFE0]  }
0x1cb: {  	v4 =	vld [tilespmem:s18+$0xFFFFFFF0]  }
0x1cc: {  	v7 =	vld [tilespmem:s18+$0x0]  }
0x1cd: {  	v8 =	vld [tilespmem:s18+$0x10]  }
0x1ce: {  	v9 =	vld [tilespmem:s18+$0x20]  }
0x1cf: {  	v10 =	vld [tilespmem:s18+$0xFFFFFFC0]  }
0x1d0: {  	v11 =	vld.idx.msk [tilespmem:v1+s25+$0x0], $0xffff  }
0x1d1: {  	v12 =	vld.idx.msk [tilespmem:v2+s25+$0x0], $0xffff  }
0x1d2: {  	v6 =	vld.idx.msk [tilespmem:v3+s25+$0x0], $0xffff  }
0x1d3: {  	v5 =	vld.idx.msk [tilespmem:v4+s25+$0x0], $0xffff  }
0x1d4: {  	v2 =	vld.idx.msk [tilespmem:v7+s25+$0x0], $0xffff  }
0x1d5: {  	s18 =	simm.s32 $0x6240;
	v3 =	vld.idx.msk [tilespmem:v8+s25+$0x0], $0xffff  }
0x1d6: {  	v1 =	vld.idx.msk [tilespmem:v9+s25+$0x0], $0xffff;
	[tilespmem:s18+$0x30] =	vst v11  }
0x1d7: {  	s16 =	simm.s32 $0xC0;
	s11 =	simm.s32 $0x0;
	v4 =	vld.idx.msk [tilespmem:v10+s25+$0x0], $0xffff;
	[tilespmem:s18+$0xFFFFFFD0] =	vst v12  }
.LBB2_32:
0x1d8: {  	v7 =	vld [tilespmem:s16+$0x30];
	s11 =	sadd.s32 $0x80, s11;
	[tilespmem:s18+$0xFFFFFFE0] =	vst v6  }
0x1d9: {  	v6 =	vld [tilespmem:s16+$0xFFFFFFD0];
	p3 =	slt.u32 s11, $0x1800;
	[tilespmem:s18+$0xFFFFFFF0] =	vst v5  }
0x1da: {  	v5 =	vld [tilespmem:s16+$0xFFFFFFE0];
	[tilespmem:s18+$0x0] =	vst v2  }
0x1db: {  	v2 =	vld [tilespmem:s16+$0xFFFFFFF0];
	[tilespmem:s18+$0x10] =	vst v3  }
0x1dc: {  	v3 =	vld [tilespmem:s16+$0x0];
	[tilespmem:s18+$0x20] =	vst v1  }
0x1dd: {  	v1 =	vld [tilespmem:s16+$0x10];
	[tilespmem:s18+$0xFFFFFFC0] =	vst v4  }
0x1de: {  	v4 =	vld [tilespmem:s16+$0x20]  }
0x1df: {  	v8 =	vld [tilespmem:s16+$0xFFFFFFC0]  }
0x1e0: {  	v7 =	vld.idx.msk [tilespmem:v7+s25+$0x0], $0xffff  }
0x1e1: {  	v9 =	vld.idx.msk [tilespmem:v6+s25+$0x0], $0xffff  }
0x1e2: {  	v6 =	vld.idx.msk [tilespmem:v5+s25+$0x0], $0xffff  }
.Ltmp18:
0x1e3: {  	v5 =	vld.idx.msk [tilespmem:v2+s25+$0x0], $0xffff;
	(pc) =	sbr.rel @p3 .LBB2_32-.Ltmp18, $4  }
0x1e4: {  	v2 =	vld.idx.msk [tilespmem:v3+s25+$0x0], $0xffff  }
0x1e5: {  	s18 =	sadd.s32 $0x80, s18;
	v3 =	vld.idx.msk [tilespmem:v1+s25+$0x0], $0xffff  }
0x1e6: {  	v1 =	vld.idx.msk [tilespmem:v4+s25+$0x0], $0xffff;
	[tilespmem:s18+$0x30] =	vst v7  }
0x1e7: {  	s16 =	sadd.s32 $0x80, s16;
	v4 =	vld.idx.msk [tilespmem:v8+s25+$0x0], $0xffff;
	[tilespmem:s18+$0xFFFFFFD0] =	vst v9  }
0x1e8: {  	[tilespmem:s18+$0xFFFFFFE0] =	vst v6  }
0x1e9: {  	[tilespmem:s18+$0xFFFFFFF0] =	vst v5;
	p3 =	sne.s32 s12, $0x7  }
.Ltmp19:
0x1ea: {  	[tilespmem:s18+$0x0] =	vst v2;
	(pc) =	sbr.rel @p3 .LBB2_35-.Ltmp19, $4  }
0x1eb: {  	s11 =	sadd.s32 s17, s10;
	[tilespmem:s18+$0x10] =	vst v3  }
0x1ec: {  	s11 =	sshrl.u32 s11, $0x3;
	[tilespmem:s18+$0x20] =	vst v1  }
0x1ed: {  	s11 =	sadd.s32 s8, s11;
	[tilespmem:s18+$0xFFFFFFC0] =	vst v4  }
0x1ee: {  	[hbm4b:s11+s2] =	stream.linear.scatter [tilespmem:s30], [sflag:$0x5], $0x1880, $0x38;
	[tilespmem:$0x19300] =	vst v63  }
.Ltmp20:
0x1ef: {  	(pc) =	sbr.rel .LBB2_36-.Ltmp20, $4  }
0x1f0: {  	_ = 	snop  }
0x1f1: {  	_ =	swait.ge [sflag:s26], $0x1880  }
0x1f2: {  	[sflag:s26] =	ssyncset.done $0x0  }
0x1f3: {  	[sflag:s26] =	ssyncadd.s32 $0xFFFFE780  }
.LBB2_35:
0x1f4: {  	s11 =	sadd.s32 s17, s14  }
0x1f5: {  	s11 =	sshrl.u32 s11, $0x3  }
.Ltmp21:
0x1f6: {  	s11 =	sadd.s32 s6, s11;
	(pc) =	sbr.rel @p2 .LBB2_37-.Ltmp21, $4  }
0x1f7: {  	[tilespmem:s2], [sflag:$0x1] =	stream.linear.gather [hbm4b:s11+s2], $0x1880, $0x38;
	[tilespmem:$0x19300] =	vst v63  }
0x1f8: {  	_ =	swait.ge [sflag:s26], $0x1880  }
0x1f9: {  	[sflag:s26] =	ssyncset.done $0x0  }
0x1fa: {  	[sflag:s26] =	ssyncadd.s32 $0xFFFFE780  }
.LBB2_36:
0x1fb: {  	_ =	swait.ge [sflag:s31], $0x1880  }
0x1fc: {  	[sflag:s31] =	ssyncset.done $0x0  }
0x1fd: {  	[sflag:s31] =	ssyncadd.s32 $0xFFFFE780  }
.LBB2_37:
0x1fe: {  	s11 =	simm.s32 $0x18C0  }
0x1ff: {  	v1 =	vld [tilespmem:s11+$0x30]  }
0x200: {  	v2 =	vld [tilespmem:s11+$0xFFFFFFD0]  }
0x201: {  	v3 =	vld [tilespmem:s11+$0xFFFFFFE0]  }
0x202: {  	v4 =	vld [tilespmem:s11+$0xFFFFFFF0]  }
0x203: {  	v5 =	vld [tilespmem:s11+$0x0]  }
0x204: {  	v7 =	vld [tilespmem:s11+$0x10]  }
0x205: {  	v8 =	vld [tilespmem:s11+$0x20]  }
0x206: {  	v9 =	vld [tilespmem:s11+$0xFFFFFFC0]  }
0x207: {  	v10 =	vld.idx.msk [tilespmem:v1+s25+$0x0], $0xffff  }
0x208: {  	v11 =	vld.idx.msk [tilespmem:v2+s25+$0x0], $0xffff  }
0x209: {  	v6 =	vld.idx.msk [tilespmem:v3+s25+$0x0], $0xffff  }
0x20a: {  	v4 =	vld.idx.msk [tilespmem:v4+s25+$0x0], $0xffff  }
0x20b: {  	v2 =	vld.idx.msk [tilespmem:v5+s25+$0x0], $0xffff  }
0x20c: {  	s17 =	simm.s32 $0x7AC0;
	v3 =	vld.idx.msk [tilespmem:v7+s25+$0x0], $0xffff  }
0x20d: {  	v1 =	vld.idx.msk [tilespmem:v8+s25+$0x0], $0xffff;
	[tilespmem:s17+$0x30] =	vst v10  }
0x20e: {  	s12 =	sadd.s32 $0x1, s12;
	s16 =	simm.s32 $0x1940;
	s11 =	simm.s32 $0x0;
	v5 =	vld.idx.msk [tilespmem:v9+s25+$0x0], $0xffff;
	[tilespmem:s17+$0xFFFFFFD0] =	vst v11  }
.LBB2_38:
0x20f: {  	v7 =	vld [tilespmem:s16+$0x30];
	s11 =	sadd.s32 $0x80, s11;
	[tilespmem:s17+$0xFFFFFFE0] =	vst v6  }
0x210: {  	v6 =	vld [tilespmem:s16+$0xFFFFFFD0];
	p2 =	slt.u32 s11, $0x1800;
	[tilespmem:s17+$0xFFFFFFF0] =	vst v4  }
0x211: {  	v4 =	vld [tilespmem:s16+$0xFFFFFFE0];
	[tilespmem:s17+$0x0] =	vst v2  }
0x212: {  	v2 =	vld [tilespmem:s16+$0xFFFFFFF0];
	[tilespmem:s17+$0x10] =	vst v3  }
0x213: {  	v3 =	vld [tilespmem:s16+$0x0];
	[tilespmem:s17+$0x20] =	vst v1  }
0x214: {  	v1 =	vld [tilespmem:s16+$0x10];
	[tilespmem:s17+$0xFFFFFFC0] =	vst v5  }
0x215: {  	v5 =	vld [tilespmem:s16+$0x20]  }
0x216: {  	v8 =	vld [tilespmem:s16+$0xFFFFFFC0]  }
0x217: {  	v7 =	vld.idx.msk [tilespmem:v7+s25+$0x0], $0xffff  }
0x218: {  	v9 =	vld.idx.msk [tilespmem:v6+s25+$0x0], $0xffff  }
0x219: {  	v6 =	vld.idx.msk [tilespmem:v4+s25+$0x0], $0xffff  }
.Ltmp22:
0x21a: {  	v4 =	vld.idx.msk [tilespmem:v2+s25+$0x0], $0xffff;
	(pc) =	sbr.rel @p2 .LBB2_38-.Ltmp22, $4  }
0x21b: {  	v2 =	vld.idx.msk [tilespmem:v3+s25+$0x0], $0xffff  }
0x21c: {  	s17 =	sadd.s32 $0x80, s17;
	v3 =	vld.idx.msk [tilespmem:v1+s25+$0x0], $0xffff  }
0x21d: {  	v1 =	vld.idx.msk [tilespmem:v5+s25+$0x0], $0xffff;
	[tilespmem:s17+$0x30] =	vst v7  }
0x21e: {  	s16 =	sadd.s32 $0x80, s16;
	v5 =	vld.idx.msk [tilespmem:v8+s25+$0x0], $0xffff;
	[tilespmem:s17+$0xFFFFFFD0] =	vst v9  }
0x21f: {  	[tilespmem:s17+$0xFFFFFFE0] =	vst v6  }
0x220: {  	[tilespmem:s17+$0xFFFFFFF0] =	vst v4;
	p2 =	sne.s32 s12, $0x8  }
.Ltmp23:
0x221: {  	[tilespmem:s17+$0x0] =	vst v2;
	(pc) =	sbr.rel @p2 .LBB2_31-.Ltmp23, $4  }
0x222: {  	s11 =	sadd.s32 s9, s15;
	[tilespmem:s17+$0x10] =	vst v3  }
0x223: {  	s11 =	sshrl.u32 s11, $0x3;
	[tilespmem:s17+$0x20] =	vst v1  }
0x224: {  	s11 =	sadd.s32 s8, s11;
	[tilespmem:s17+$0xFFFFFFC0] =	vst v5  }
0x225: {  	[hbm4b:s11+s2] =	stream.linear.scatter [tilespmem:s0], [sflag:$0x6], $0x1880, $0x38;
	[tilespmem:$0x19300] =	vst v63  }
0x226: {  	_ =	swait.ge [sflag:s3], $0x1880  }
.Ltmp24:
0x227: {  	[sflag:s3] =	ssyncset.done $0x0;
	(pc) =	sbr.rel .LBB2_41-.Ltmp24, $4  }
0x228: {  	[sflag:s3] =	ssyncadd.s32 $0xFFFFE780  }
0x229: {  	_ =	swait.ge [sflag:s31], $0x1880  }
0x22a: {  	[sflag:s31] =	ssyncset.done $0x0  }
0x22b: {  	[sflag:s31] =	ssyncadd.s32 $0xFFFFE780  }
.LBB2_42:
0x22c: {  	_ =	sfence.sel $0x180000  }
0x22d: {  	[bflag:$0x0] =	sbarrier.arrive $0xFFFF  }
0x22e: {  	_ =	strace $0x90000047  }
0x22f: {  	s0 =	stileid.u32;
	[bflag:$0x2] =	sbarrier.arrive $0xFFFF  }
0x230: {  	p0 =	sne.s32 s0, $0x0;
	s0 =	rddreg [dreg:$0x2]  }
0x231: {  	s0 =	sadd.s32 @!p0 $0x100000, s0  }
0x232: {  	[sflag:s0] =	ssyncadd.tile.s32 @!p0 $0x1;
	_ =	shalt  }
.Lfunc_end2:
_tile_overlayer_lowered:
.L_overlay_start_2:
0x233: {  	(tag) =	ssettag $0x2  }
0x234: {  	s0 =	rddreg [dreg:$0x0];
	s2 =	stileid.u32  }
0x235: {  	s1 =	rddreg [dreg:$0x1];
	p0 =	sne.s32 s2, $0x0  }
0x236: {  	s3 =	rddreg [dreg:$0x2];
	[bflag:$0x3] =	sbarrier.arrive $0xFFFF;
	s2 =	simm.s32 @!p0 $0x1C07  }
0x237: {  	[timem:s3], [sflag:s2] =	dma.local @!p0 [hbm:s0], s1  }
0x238: {  	s0 =	simm.s32 @!p0 $0x7  }
0x239: {  	_ =	swait.ge @!p0 [sflag:s0], s1  }
0x23a: {  	s1 =	ssub.s32 @!p0 $0x0, s1;
	[sflag:s0] =	ssyncset.done @!p0 $0x0  }
0x23b: {  	[sflag:s0] =	ssyncadd.s32 @!p0 s1  }
0x23c: {  	[bflag:$0x3] =	sbarrier.arrive $0xFFFF  }
0x23d: {  	_ =	shalt  }

// kernel: sparse-core-data-format-call.1.cloned.1.call-start
scs
called_computation.1_lowered:
.L_overlay_start_0:
0x0: {  	s2 =	sld [smem:$0x3FD9]  }
0x1: {  	s3 =	sld [smem:$0x3FFE];
	_ =	sdelay $0x1  }
0x2: {  	s1 =	srdreg.scid  }
0x3: {  	s0 =	sand.u32 $0x1, s1  }
0x4: {  	s18 =	sshll.u32 s0, $0xA;
	s2 =	sadd.s32 s3, s2  }
0x5: {  	s2 =	sadd.s32 s2, s18  }
0x6: {  	[smem:$0x3FC4] =	sst s2  }
0x7: {  	_ = 	snop  }
0x8: {  	(tm) =	ssettm $0x1  }
0x9: {  	s19 =	sld [smem:$0x3FFB];
	_ =	sdelay $0x3  }
0xa: {  	_ =	strace s19  }
0xb: {  	s2 =	sld [smem:$0x3FFC];
	_ =	sdelay $0x3  }
0xc: {  	_ =	strace s2  }
0xd: {  	s2 =	sld [smem:$0x3FFD];
	_ =	sdelay $0x3  }
0xe: {  	_ =	strace s2  }
0xf: {  	_ =	strace $0x8FFFFFFF  }
0x10: {  	s20 =	sld [smem:$0x3FDB];
	_ =	sdelay $0x1  }
0x11: {  	s21 =	simm.s32 $_scs_section_size  }
0x12: {  	s4 =	simm.s32 $_size__tile_overlayer_lowered;
	s5 =	simm.s32 $_tile_overlayer_lowered  }
0x13: {  	s6 =	simm.s32 $0x1BFF;
	s22 =	sshll.u32 s5, $0x1;
	s3 =	sadd.s32 s21, s20  }
0x14: {  	s23 =	simm.s32 $0x0;
	s4 =	sshll.u32 s4, $0x1;
	s5 =	sadd.s32 s22, s3  }
0x15: {  	[timem:s23], [sflag:s6] =	dma.local [hbm:s5], s4  }
0x16: {  	_ =	swait.ge [sflag:s6], s4  }
0x17: {  	s4 =	ssub.s32 $0x0, s4;
	[sflag:s6] =	ssyncset.done $0x0  }
0x18: {  	[sflag:s6] =	ssyncadd.s32 s4;
	_ =	sdelay $0x1  }
0x19: {  	s24 =	simm.s32 $0x1B8B  }
0x1a: {  	_ =	swait.ge [sflag:s24], $0x1  }
0x1b: {  	[sflag:s24] =	ssyncset.done $0x0  }
0x1c: {  	[sflag:s24] =	ssyncadd.s32 $0xFFFFFFFF  }
0x1d: {  	s4 =	sld [smem:$0x0]  }
0x1e: {  	s5 =	sand.u32 $0xFFFFFFFE, s1  }
0x1f: {  	p0 =	sne.s32 s1, s5  }
0x20: {  	s5 =	sshll.u32 @p0 s5, $0xE  }
0x21: {  	s5 =	sadd.s32 @p0 $0x11B8D, s5;
	s6 =	sshll.u32 @p0 s4, $0x11  }
0x22: {  	s5 =	sor.u32 @p0 s6, s5  }
0x23: {  	[sflag:s5] =	ssyncadd.remote.s32 @p0 $0x1;
	_ =	sdelay $0x1  }
0x24: {  	s5 =	simm.s32 @p0 $0x1B8D  }
0x25: {  	_ =	swait.eq @p0 [sflag:s5], $0x1  }
0x26: {  	[sflag:s5] =	ssyncadd.s32 @p0 $0xFFFFFFFF  }
0x27: {  	s6 =	sshll.u32 @!p0 s1, $0xE  }
0x28: {  	s6 =	sor.u32 @!p0 $0x4000, s6;
	s5 =	simm.s32 @!p0 $0x1B8D  }
0x29: {  	s4 =	sshll.u32 @!p0 s4, $0x11;
	s6 =	sadd.s32 @!p0 $0x11B8D, s6;
	_ =	swait.eq @!p0 [sflag:s5], $0x1  }
0x2a: {  	s4 =	sor.u32 @!p0 s4, s6;
	[sflag:s5] =	ssyncadd.s32 @!p0 $0xFFFFFFFF  }
0x2b: {  	s26 =	simm.s32 $0x1B8E;
	s25 =	sld [smem:$0x3FFE];
	[sflag:s4] =	ssyncadd.remote.s32 @!p0 $0x1  }
0x2c: {  	s27 =	simm.s32 $execute0_lowered;
	[smem:$0x3FD2] =	sst s26  }
0x2d: {  	s5 =	sshll.u32 s27, $0x1;
	_ =	strace $0x8000004C;
	[dreg:$0x1] =	wrdreg $0xFFFFFFFF  }
0x2e: {  	s28 =	simm.s32 $_size_execute0_lowered;
	s3 =	sadd.s32 s3, s5;
	[dreg:$0x0] =	wrdreg $0x0  }
0x2f: {  	s5 =	sshll.u32 s28, $0x1;
	[dreg:$0x2] =	wrdreg s3  }
0x30: {  	[dreg:$0x3] =	wrdreg s5  }
0x31: {  	[dreg:$0x4] =	wrdreg $0xC0  }
0x32: {  	_ =	task [dreg:s23], $0x5FFFF  }
0x33: {  	[dreg:$0x1] =	wrdreg $0xFFFFFFFF  }
0x34: {  	[dreg:$0x0] =	wrdreg $0x60  }
0x35: {  	[dreg:$0x2] =	wrdreg s25  }
0x36: {  	[dreg:$0x3] =	wrdreg $0xA  }
0x37: {  	_ =	task.clear_ibuf [dreg:s23], $0x4FFFF;
	_ =	strace $0x9000004C  }
0x38: {  	s29 =	simm.s32 $0xA;
	_ =	strace $0x8000004E  }
0x39: {  	_ =	swait.ge [sflag:s29], $0x1  }
0x3a: {  	[sflag:s29] =	ssyncadd.s32 $0xFFFFFFFF  }
0x3b: {  	_ =	strace $0x9000004E  }
0x3c: {  	_ =	sfence  }
0x3d: {  	s30 =	sld [smem:$0x0];
	_ =	sdelay $0x2  }
0x3e: {  	s31 =	sshll.u32 s1, $0xD;
	s1 =	sshrl.u32 s1, $0x2  }
0x3f: {  	s4 =	sand.u32 $0x4000, s31;
	s1 =	sadd.s32 s1, s30  }
0x40: {  	s0 =	sor.u32 s4, s0;
	s1 =	sshll.u32 s1, $0x11  }
0x41: {  	s0 =	sor.u32 s1, s0  }
0x42: {  	s0 =	sadd.s32 $0x8F2B, s0  }
0x43: {  	[sflag:s0] =	ssyncadd.remote.s32 $0x1  }
0x44: {  	_ =	sfence.sel $0xFFFF  }
0x45: {  	[dreg:$0x0] =	wrdreg $0xFFFFFFFF;
	(pc) =	sbr.abs _section_cstart, $3  }
0x46: {  	[dreg:$0x1] =	wrdreg $0xFFFFFFFF  }
0x47: {  	_ =	task.clear_ibuf [dreg:s23], $0x2FFFF;
	_ =	strace $0x9FFFFFFF  }
0x48: {  	(tm) =	ssettm $0x7FFFFFFF  }
0x49: {  	_ =	shalt  }
tec
execute0_lowered:
.L_overlay_start_1:
0x0: {  	(tag) =	ssettag $0x1  }
0x1: {  	s0 =	stileid.u32  }
0x2: {  	s1 =	srdreg.scid;
	s4 =	rddreg [dreg:$0x0]  }
0x3: {  	s7 =	simm.s32 $0x1;
	s8 =	simm.s32 $0x2;
	s15 =	simm.s32 $0x0  }
0x4: {  	s9 =	simm.s32 $0x800;
	s2 =	sshll.u32 s0, $0x1;
	s1 =	sshll.u32 s1, $0x5  }
0x5: {  	s10 =	simm.s32 $0x31000;
	s11 =	simm.s32 $0x0;
	s1 =	sor.u32 s2, s1  }
0x6: {  	s16 =	simm.s32 $0x0;
	s14 =	simm.s32 $0x0;
	s2 =	sand.u32 $0x30, s1  }
0x7: {  	s3 =	sadd.s32 $0x27C000, s4;
	s4 =	sadd.s32 $0x58C000, s4;
	s6 =	ssub.s32 $0x620, s2  }
.Ltmp0:
0x8: {  	s1 =	rddreg [dreg:$0x1];
	s5 =	sand.u32 $0x30, s6;
	(pc) =	sbr.rel .LBB1_1-.Ltmp0, $4  }
0x9: {  	_ =	strace $0x8000004D;
	s12 =	smov.u32 s2;
	p0 =	sne.s32 s5, $0x0  }
0xa: {  	s6 =	sshrl.u32 s6, $0x6;
	s5 =	simm.s32 $0x1;
	s7 =	simm.s32 @!p0 $0x0  }
0xb: {  	[sflag:s5] =	ssyncpa.u1 $0x0;
	s6 =	sadd.s32 s7, s6;
	s7 =	sand.u32 $0x7, s0  }
0xc: {  	[sflag:s8] =	ssyncpa.u1 $0x0;
	s8 =	sadd.s32 $0x1, s6;
	s13 =	smov.u32 s7  }
.LBB1_7:
0xd: {  	s17 =	sadd.s32 $0x40, s12  }
0xe: {  	s15 =	sadd.s32 $0x8, s13;
	s19 =	smov.u32 s13;
	p1 =	sgt.s32 s17, $0x61F  }
0xf: {  	s19 =	smov.u32 @p1 s15  }
0x10: {  	s17 =	smov.u32 @p1 s2;
	p1 =	sgt.s32 s19, $0x7  }
0x11: {  	s19 =	smov.u32 @p1 s7;
	p1 =	sne.s32 s14, s8  }
.Ltmp1:
0x12: {  	p0 =	slt.u32 s14, $0x2;
	(pc) =	sbr.rel @!p1 .LBB1_8-.Ltmp1, $4  }
0x13: {  	s18 =	simm.s32 @!p0 $0x2  }
0x14: {  	s16 =	smov.u32 s13;
	s11 =	sadd.s32 $0x4000, s11;
	_ =	swait.ge @!p0 [sflag:s18], $0x4000  }
0x15: {  	s15 =	smov.u32 s12;
	[sflag:s18] =	ssyncset.done @!p0 $0x0;
	s12 =	smov.u32 s17  }
0x16: {  	s14 =	sadd.s32 $0x1, s14;
	[sflag:s18] =	ssyncadd.s32 @!p0 $0xFFFFC000;
	s13 =	smov.u32 s19  }
.LBB1_1:
0x17: {  	p0 =	sge.u32 s14, s6  }
0x18: {  	s17 =	smul.u32 @!p0 $0x31000, s13  }
0x19: {  	s31 =	sadd.s32 $0xFFFFFFFF, s14;
	s18 =	sxor.u32 @!p0 $0xFFFFFFFF, s14  }
0x1a: {  	s19 =	sshll.u32 @!p0 s12, $0x7;
	s18 =	sshll.u32 @!p0 s18, $0xE;
	s17 =	sadd.s32 @!p0 s3, s17  }
0x1b: {  	s18 =	sand.u32 @!p0 $0x4000, s18;
	s17 =	sadd.s32 @!p0 s19, s17;
	s19 =	simm.s32 @!p0 $0x0  }
0x1c: {  	[tilespmem:s18], [sflag:$0x1] =	stream.linear.gather @!p0 [hbm4b:s17+s19], $0x4000, $0x38;
	[tilespmem:$0x10000] =	vst v63  }
0x1d: {  	p0 =	sge.u32 s31, s6  }
.Ltmp2:
0x1e: {  	_ = 	snop;
	(pc) =	sbr.rel @p0 .LBB1_7-.Ltmp2, $1  }
0x1f: {  	_ =	sdelay $0x3  }
0x20: {  	s17 =	sand.u32 $0x4000, s11  }
0x21: {  	_ =	swait.ge [sflag:s5], $0x4000;
	s20 =	sshll.u32 s14, $0xE;
	s18 =	sor.u32 $0x8040, s17  }
0x22: {  	s19 =	sor.u32 $0x40, s17;
	[sflag:s5] =	ssyncset.done $0x0;
	s31 =	sand.u32 $0x4000, s20  }
0x23: {  	s20 =	simm.s32 $0x0;
	[sflag:s5] =	ssyncadd.s32 $0xFFFFC000;
	s17 =	sor.u32 $0x8000, s31  }
.LBB1_3:
0x24: {  	v0 =	vmov s19;
	_ =	sdelay $0x3  }
0x25: {  	s22 =	simm.s32 $0x0  }
0x26: {  	v6 =	vld.idx.msk [tilespmem:v0+s22+$0x30 ss:$0x1], $0xffff  }
0x27: {  	v7 =	vld.idx.msk [tilespmem:v0+s22+$0xFFFFFFC0 ss:$0x1], $0xffff  }
0x28: {  	v5 =	vld.idx.msk [tilespmem:v0+s22+$0xFFFFFFD0 ss:$0x1], $0xffff  }
0x29: {  	v4 =	vld.idx.msk [tilespmem:v0+s22+$0xFFFFFFE0 ss:$0x1], $0xffff  }
0x2a: {  	v3 =	vld.idx.msk [tilespmem:v0+s22+$0xFFFFFFF0 ss:$0x1], $0xffff  }
0x2b: {  	v1 =	vld.idx.msk [tilespmem:v0+s22+$0x0 ss:$0x1], $0xffff  }
0x2c: {  	v2 =	vld.idx.msk [tilespmem:v0+s22+$0x10 ss:$0x1], $0xffff;
	[tilespmem:s18+$0x30] =	vst v6  }
0x2d: {  	s21 =	simm.s32 $0x80;
	s23 =	simm.s32 $0x400;
	[tilespmem:s18+$0xFFFFFFC0] =	vst v7;
	v6 =	vld.idx.msk [tilespmem:v0+s22+$0x20 ss:$0x1], $0xffff;
	s22 =	smov.u32 s18  }
.LBB1_4:
0x2e: {  	p0 =	sne.s32 s23, $0xE00;
	v7 =	vld.idx.msk [tilespmem:v0+s21+$0x30 ss:$0x1], $0xffff;
	[tilespmem:s22+$0xFFFFFFD0] =	vst v5  }
0x2f: {  	v8 =	vld.idx.msk [tilespmem:v0+s21+$0xFFFFFFC0 ss:$0x1], $0xffff;
	[tilespmem:s22+$0xFFFFFFE0] =	vst v4  }
0x30: {  	v5 =	vld.idx.msk [tilespmem:v0+s21+$0xFFFFFFD0 ss:$0x1], $0xffff;
	[tilespmem:s22+$0xFFFFFFF0] =	vst v3  }
.Ltmp3:
0x31: {  	v4 =	vld.idx.msk [tilespmem:v0+s21+$0xFFFFFFE0 ss:$0x1], $0xffff;
	[tilespmem:s22+$0x0] =	vst v1;
	(pc) =	sbr.rel @p0 .LBB1_4-.Ltmp3, $4  }
0x32: {  	v3 =	vld.idx.msk [tilespmem:v0+s21+$0xFFFFFFF0 ss:$0x1], $0xffff;
	[tilespmem:s22+$0x10] =	vst v2  }
0x33: {  	v1 =	vld.idx.msk [tilespmem:v0+s21+$0x0 ss:$0x1], $0xffff;
	[tilespmem:s22+$0x20] =	vst v6;
	s22 =	sadd.s32 $0x800, s22  }
0x34: {  	v2 =	vld.idx.msk [tilespmem:v0+s21+$0x10 ss:$0x1], $0xffff;
	[tilespmem:s22+$0x30] =	vst v7  }
0x35: {  	[tilespmem:s22+$0xFFFFFFC0] =	vst v8;
	v6 =	vld.idx.msk [tilespmem:v0+s21+$0x20 ss:$0x1], $0xffff;
	s21 =	sshra.s32 s23, $0x2;
	s23 =	sadd.s32 $0x200, s23  }
0x36: {  	_ =	sdelay $0x2  }
0x37: {  	[tilespmem:s22+$0xFFFFFFD0] =	vst v5  }
0x38: {  	v56 =	vld.idx.msk [tilespmem:v0+s21+$0x30 ss:$0x1], $0xffff;
	[tilespmem:s22+$0xFFFFFFE0] =	vst v4  }
0x39: {  	v57 =	vld.idx.msk [tilespmem:v0+s21+$0xFFFFFFC0 ss:$0x1], $0xffff;
	[tilespmem:s22+$0xFFFFFFF0] =	vst v3  }
0x3a: {  	v58 =	vld.idx.msk [tilespmem:v0+s21+$0xFFFFFFD0 ss:$0x1], $0xffff;
	[tilespmem:s22+$0x0] =	vst v1  }
0x3b: {  	v59 =	vld.idx.msk [tilespmem:v0+s21+$0xFFFFFFE0 ss:$0x1], $0xffff;
	[tilespmem:s22+$0x10] =	vst v2  }
0x3c: {  	v60 =	vld.idx.msk [tilespmem:v0+s21+$0xFFFFFFF0 ss:$0x1], $0xffff;
	s31 =	sadd.s32 $0x800, s22;
	[tilespmem:s22+$0x20] =	vst v6  }
0x3d: {  	v61 =	vld.idx.msk [tilespmem:v0+s21+$0x0 ss:$0x1], $0xffff;
	[tilespmem:s31+$0x30] =	vst v56  }
0x3e: {  	v62 =	vld.idx.msk [tilespmem:v0+s21+$0x10 ss:$0x1], $0xffff;
	s20 =	sadd.s32 $0x1, s20;
	[tilespmem:s31+$0xFFFFFFC0] =	vst v57  }
0x3f: {  	v63 =	vld.idx.msk [tilespmem:v0+s21+$0x20 ss:$0x1], $0xffff;
	p0 =	sne.s32 s20, $0x10;
	[tilespmem:s31+$0xFFFFFFD0] =	vst v58  }
.Ltmp4:
0x40: {  	[tilespmem:s31+$0xFFFFFFE0] =	vst v59;
	(pc) =	sbr.rel @p0 .LBB1_3-.Ltmp4, $4  }
0x41: {  	[tilespmem:s31+$0xFFFFFFF0] =	vst v60  }
0x42: {  	[tilespmem:s31+$0x0] =	vst v61  }
0x43: {  	[tilespmem:s31+$0x10] =	vst v62  }
0x44: {  	s18 =	sadd.s32 $0x80, s18;
	s19 =	sadd.s32 $0x400, s19;
	[tilespmem:s31+$0x20] =	vst v63  }
0x45: {  	s15 =	sand.u32 $0x1FFFFFF, s15  }
0x46: {  	s18 =	smulhi.u32 $0x14E5E0B, s15;
	_ =	sdelay $0x1  }
0x47: {  	s16 =	smul.u32 $0x31000, s16;
	s18 =	sshrl.u32 s18, $0x3  }
0x48: {  	s18 =	smul.u32 $0x620, s18  }
.Ltmp5:
0x49: {  	_ = 	snop;
	(pc) =	sbr.rel .LBB1_7-.Ltmp5, $4  }
0x4a: {  	s15 =	ssub.s32 s15, s18  }
0x4b: {  	s16 =	sadd.s32 s4, s16;
	s15 =	sshll.u32 s15, $0x4  }
0x4c: {  	s15 =	sadd.s32 s15, s16  }
0x4d: {  	[hbm4b:s15+s9] =	stream.strided.scatter [tilespmem:s17], [sflag:$0x2], $0x4000, s10, s9, $0x38;
	[tilespmem:$0x10000] =	vst v63  }
.LBB1_8:
0x4e: {  	_ =	sfence.sel $0x180000  }
0x4f: {  	s2 =	simm.s32 $0x1;
	[bflag:$0x0] =	sbarrier.arrive $0xFFFF  }
0x50: {  	s31 =	simm.s32 $0x2;
	[sflag:s2] =	ssyncpa.u1 $0x1  }
0x51: {  	[sflag:s31] =	ssyncpa.u1 $0x1  }
0x52: {  	p0 =	sne.s32 s0, $0x0;
	_ =	strace $0x9000004D  }
0x53: {  	s0 =	sadd.s32 @!p0 $0x100000, s1;
	[bflag:$0x2] =	sbarrier.arrive $0xFFFF  }
0x54: {  	[sflag:s0] =	ssyncadd.tile.s32 @!p0 $0x1;
	_ =	shalt  }
.Lfunc_end1:
_tile_overlayer_lowered:
.L_overlay_start_2:
0x55: {  	(tag) =	ssettag $0x2  }
0x56: {  	s0 =	rddreg [dreg:$0x0];
	s2 =	stileid.u32  }
0x57: {  	s1 =	rddreg [dreg:$0x1];
	p0 =	sne.s32 s2, $0x0  }
0x58: {  	s3 =	rddreg [dreg:$0x2];
	[bflag:$0x3] =	sbarrier.arrive $0xFFFF;
	s2 =	simm.s32 @!p0 $0x1C01  }
0x59: {  	[timem:s3], [sflag:s2] =	dma.local @!p0 [hbm:s0], s1  }
0x5a: {  	s0 =	simm.s32 @!p0 $0x1  }
0x5b: {  	_ =	swait.ge @!p0 [sflag:s0], s1  }
0x5c: {  	s1 =	ssub.s32 @!p0 $0x0, s1;
	[sflag:s0] =	ssyncset.done @!p0 $0x0  }
0x5d: {  	[sflag:s0] =	ssyncadd.s32 @!p0 s1  }
0x5e: {  	[bflag:$0x3] =	sbarrier.arrive $0xFFFF  }
0x5f: {  	_ =	shalt  }

// kernel: sparse-core-data-format-call.cloned.1.call-start
scs
called_computation_lowered:
.L_overlay_start_0:
0x0: {  	s1 =	sld [smem:$0x3FD9]  }
0x1: {  	s2 =	sld [smem:$0x3FFE];
	_ =	sdelay $0x1  }
0x2: {  	s3 =	srdreg.scid  }
0x3: {  	s0 =	sand.u32 $0x1, s3  }
0x4: {  	s17 =	sshll.u32 s0, $0xA;
	s1 =	sadd.s32 s2, s1  }
0x5: {  	s1 =	sadd.s32 s1, s17  }
0x6: {  	[smem:$0x3FC4] =	sst s1  }
0x7: {  	_ = 	snop  }
0x8: {  	(tm) =	ssettm $0x1  }
0x9: {  	s18 =	sld [smem:$0x3FFB];
	_ =	sdelay $0x3  }
0xa: {  	_ =	strace s18  }
0xb: {  	s1 =	sld [smem:$0x3FFC];
	_ =	sdelay $0x3  }
0xc: {  	_ =	strace s1  }
0xd: {  	s1 =	sld [smem:$0x3FFD];
	_ =	sdelay $0x3  }
0xe: {  	_ =	strace s1  }
0xf: {  	_ =	strace $0x8FFFFFFF  }
0x10: {  	s19 =	sld [smem:$0x3FDB];
	_ =	sdelay $0x1  }
0x11: {  	s20 =	simm.s32 $_scs_section_size  }
0x12: {  	s4 =	simm.s32 $_size__tile_overlayer_lowered;
	s5 =	simm.s32 $_tile_overlayer_lowered  }
0x13: {  	s23 =	simm.s32 $0x1BFF;
	s22 =	sshll.u32 s5, $0x1;
	s1 =	sadd.s32 s20, s19  }
0x14: {  	s6 =	simm.s32 $0x0;
	s21 =	sshll.u32 s4, $0x1;
	s4 =	sadd.s32 s22, s1  }
0x15: {  	[timem:s6], [sflag:s23] =	dma.local [hbm:s4], s21  }
0x16: {  	_ =	swait.ge [sflag:s23], s21  }
0x17: {  	s2 =	ssub.s32 $0x0, s21;
	[sflag:s23] =	ssyncset.done $0x0  }
0x18: {  	[sflag:s23] =	ssyncadd.s32 s2;
	_ =	sdelay $0x1  }
0x19: {  	s24 =	simm.s32 $0x1B8B  }
0x1a: {  	_ =	swait.ge [sflag:s24], $0x1  }
0x1b: {  	[sflag:s24] =	ssyncset.done $0x0  }
0x1c: {  	s26 =	simm.s32 $0x1B8E;
	s25 =	sld [smem:$0x3FFE];
	[sflag:s24] =	ssyncadd.s32 $0xFFFFFFFF  }
0x1d: {  	s27 =	simm.s32 $execute0_lowered;
	[smem:$0x3FD2] =	sst s26  }
0x1e: {  	s4 =	sshll.u32 s27, $0x1;
	_ =	strace $0x80000049;
	[dreg:$0x1] =	wrdreg $0xFFFFFFFF  }
0x1f: {  	s28 =	simm.s32 $_size_execute0_lowered;
	s1 =	sadd.s32 s1, s4;
	[dreg:$0x0] =	wrdreg $0x0  }
0x20: {  	s4 =	sshll.u32 s28, $0x1;
	[dreg:$0x2] =	wrdreg s1  }
0x21: {  	[dreg:$0x3] =	wrdreg s4  }
0x22: {  	[dreg:$0x4] =	wrdreg $0xC0  }
0x23: {  	_ =	task [dreg:s6], $0x5FFFF  }
0x24: {  	[dreg:$0x1] =	wrdreg $0xFFFFFFFF  }
0x25: {  	[dreg:$0x0] =	wrdreg $0x60  }
0x26: {  	[dreg:$0x2] =	wrdreg s25  }
0x27: {  	[dreg:$0x3] =	wrdreg $0x9  }
0x28: {  	_ =	task.clear_ibuf [dreg:s6], $0x4FFFF;
	_ =	strace $0x90000049  }
0x29: {  	s29 =	simm.s32 $0x9;
	_ =	strace $0x8000004B  }
0x2a: {  	_ =	swait.ge [sflag:s29], $0x1  }
0x2b: {  	[sflag:s29] =	ssyncadd.s32 $0xFFFFFFFF  }
0x2c: {  	_ =	strace $0x9000004B  }
0x2d: {  	_ =	sfence  }
0x2e: {  	s30 =	sld [smem:$0x0];
	_ =	sdelay $0x2  }
0x2f: {  	s31 =	sshll.u32 s3, $0xD;
	s3 =	sshrl.u32 s3, $0x2  }
0x30: {  	s2 =	sand.u32 $0x4000, s31;
	s1 =	sadd.s32 s3, s30  }
0x31: {  	s0 =	sor.u32 s2, s0;
	s1 =	sshll.u32 s1, $0x11  }
0x32: {  	s0 =	sor.u32 s1, s0  }
0x33: {  	s0 =	sadd.s32 $0x8F2B, s0  }
0x34: {  	[sflag:s0] =	ssyncadd.remote.s32 $0x1  }
0x35: {  	_ =	sfence.sel $0xFFFF  }
0x36: {  	[dreg:$0x0] =	wrdreg $0xFFFFFFFF;
	(pc) =	sbr.abs _section_cstart, $3  }
0x37: {  	[dreg:$0x1] =	wrdreg $0xFFFFFFFF  }
0x38: {  	_ =	task.clear_ibuf [dreg:s6], $0x2FFFF;
	_ =	strace $0x9FFFFFFF  }
0x39: {  	(tm) =	ssettm $0x7FFFFFFF  }
tec
execute0_lowered:
.L_overlay_start_1:
0x0: {  	(tag) =	ssettag $0x1  }
0x1: {  	s0 =	stileid.u32  }
0x2: {  	s1 =	srdreg.scid;
	s4 =	rddreg [dreg:$0x0]  }
0x3: {  	s7 =	simm.s32 $0x1;
	s8 =	simm.s32 $0x2;
	s15 =	simm.s32 $0x0  }
0x4: {  	s9 =	simm.s32 $0x800;
	s2 =	sshll.u32 s0, $0x1;
	s1 =	sshll.u32 s1, $0x5  }
0x5: {  	s10 =	simm.s32 $0x31000;
	s11 =	simm.s32 $0x0;
	s1 =	sor.u32 s2, s1  }
0x6: {  	s16 =	simm.s32 $0x0;
	s14 =	simm.s32 $0x0;
	s2 =	sand.u32 $0x30, s1  }
0x7: {  	s3 =	sadd.s32 $0xF4000, s4;
	s4 =	sadd.s32 $0x404000, s4;
	s6 =	ssub.s32 $0x620, s2  }
.Ltmp0:
0x8: {  	s1 =	rddreg [dreg:$0x1];
	s5 =	sand.u32 $0x30, s6;
	(pc) =	sbr.rel .LBB1_1-.Ltmp0, $4  }
0x9: {  	_ =	strace $0x8000004A;
	s12 =	smov.u32 s2;
	p0 =	sne.s32 s5, $0x0  }
0xa: {  	s6 =	sshrl.u32 s6, $0x6;
	s5 =	simm.s32 $0x1;
	s7 =	simm.s32 @!p0 $0x0  }
0xb: {  	[sflag:s5] =	ssyncpa.u1 $0x0;
	s6 =	sadd.s32 s7, s6;
	s7 =	sand.u32 $0x7, s0  }
0xc: {  	[sflag:s8] =	ssyncpa.u1 $0x0;
	s8 =	sadd.s32 $0x1, s6;
	s13 =	smov.u32 s7  }
.LBB1_7:
0xd: {  	s17 =	sadd.s32 $0x40, s12  }
0xe: {  	s15 =	sadd.s32 $0x8, s13;
	s19 =	smov.u32 s13;
	p1 =	sgt.s32 s17, $0x61F  }
0xf: {  	s19 =	smov.u32 @p1 s15  }
0x10: {  	s17 =	smov.u32 @p1 s2;
	p1 =	sgt.s32 s19, $0x7  }
0x11: {  	s19 =	smov.u32 @p1 s7;
	p1 =	sne.s32 s14, s8  }
.Ltmp1:
0x12: {  	p0 =	slt.u32 s14, $0x2;
	(pc) =	sbr.rel @!p1 .LBB1_8-.Ltmp1, $4  }
0x13: {  	s18 =	simm.s32 @!p0 $0x2  }
0x14: {  	s16 =	smov.u32 s13;
	s11 =	sadd.s32 $0x4000, s11;
	_ =	swait.ge @!p0 [sflag:s18], $0x4000  }
0x15: {  	s15 =	smov.u32 s12;
	[sflag:s18] =	ssyncset.done @!p0 $0x0;
	s12 =	smov.u32 s17  }
0x16: {  	s14 =	sadd.s32 $0x1, s14;
	[sflag:s18] =	ssyncadd.s32 @!p0 $0xFFFFC000;
	s13 =	smov.u32 s19  }
.LBB1_1:
0x17: {  	p0 =	sge.u32 s14, s6  }
0x18: {  	s17 =	smul.u32 @!p0 $0x31000, s13  }
0x19: {  	s31 =	sadd.s32 $0xFFFFFFFF, s14;
	s18 =	sxor.u32 @!p0 $0xFFFFFFFF, s14  }
0x1a: {  	s19 =	sshll.u32 @!p0 s12, $0x7;
	s18 =	sshll.u32 @!p0 s18, $0xE;
	s17 =	sadd.s32 @!p0 s3, s17  }
0x1b: {  	s18 =	sand.u32 @!p0 $0x4000, s18;
	s17 =	sadd.s32 @!p0 s19, s17;
	s19 =	simm.s32 @!p0 $0x0  }
0x1c: {  	[tilespmem:s18], [sflag:$0x1] =	stream.linear.gather @!p0 [hbm4b:s17+s19], $0x4000, $0x38;
	[tilespmem:$0x10000] =	vst v63  }
0x1d: {  	p0 =	sge.u32 s31, s6  }
.Ltmp2:
0x1e: {  	_ = 	snop;
	(pc) =	sbr.rel @p0 .LBB1_7-.Ltmp2, $1  }
0x1f: {  	_ =	sdelay $0x3  }
0x20: {  	s17 =	sand.u32 $0x4000, s11  }
0x21: {  	_ =	swait.ge [sflag:s5], $0x4000;
	s20 =	sshll.u32 s14, $0xE;
	s18 =	sor.u32 $0x8040, s17  }
0x22: {  	s19 =	sor.u32 $0x40, s17;
	[sflag:s5] =	ssyncset.done $0x0;
	s31 =	sand.u32 $0x4000, s20  }
0x23: {  	s20 =	simm.s32 $0x0;
	[sflag:s5] =	ssyncadd.s32 $0xFFFFC000;
	s17 =	sor.u32 $0x8000, s31  }
.LBB1_3:
0x24: {  	v0 =	vmov s19;
	_ =	sdelay $0x3  }
0x25: {  	s22 =	simm.s32 $0x0  }
0x26: {  	v6 =	vld.idx.msk [tilespmem:v0+s22+$0x30 ss:$0x1], $0xffff  }
0x27: {  	v7 =	vld.idx.msk [tilespmem:v0+s22+$0xFFFFFFC0 ss:$0x1], $0xffff  }
0x28: {  	v5 =	vld.idx.msk [tilespmem:v0+s22+$0xFFFFFFD0 ss:$0x1], $0xffff  }
0x29: {  	v4 =	vld.idx.msk [tilespmem:v0+s22+$0xFFFFFFE0 ss:$0x1], $0xffff  }
0x2a: {  	v3 =	vld.idx.msk [tilespmem:v0+s22+$0xFFFFFFF0 ss:$0x1], $0xffff  }
0x2b: {  	v1 =	vld.idx.msk [tilespmem:v0+s22+$0x0 ss:$0x1], $0xffff  }
0x2c: {  	v2 =	vld.idx.msk [tilespmem:v0+s22+$0x10 ss:$0x1], $0xffff;
	[tilespmem:s18+$0x30] =	vst v6  }
0x2d: {  	s21 =	simm.s32 $0x80;
	s23 =	simm.s32 $0x400;
	[tilespmem:s18+$0xFFFFFFC0] =	vst v7;
	v6 =	vld.idx.msk [tilespmem:v0+s22+$0x20 ss:$0x1], $0xffff;
	s22 =	smov.u32 s18  }
.LBB1_4:
0x2e: {  	p0 =	sne.s32 s23, $0xE00;
	v7 =	vld.idx.msk [tilespmem:v0+s21+$0x30 ss:$0x1], $0xffff;
	[tilespmem:s22+$0xFFFFFFD0] =	vst v5  }
0x2f: {  	v8 =	vld.idx.msk [tilespmem:v0+s21+$0xFFFFFFC0 ss:$0x1], $0xffff;
	[tilespmem:s22+$0xFFFFFFE0] =	vst v4  }
0x30: {  	v5 =	vld.idx.msk [tilespmem:v0+s21+$0xFFFFFFD0 ss:$0x1], $0xffff;
	[tilespmem:s22+$0xFFFFFFF0] =	vst v3  }
.Ltmp3:
0x31: {  	v4 =	vld.idx.msk [tilespmem:v0+s21+$0xFFFFFFE0 ss:$0x1], $0xffff;
	[tilespmem:s22+$0x0] =	vst v1;
	(pc) =	sbr.rel @p0 .LBB1_4-.Ltmp3, $4  }
0x32: {  	v3 =	vld.idx.msk [tilespmem:v0+s21+$0xFFFFFFF0 ss:$0x1], $0xffff;
	[tilespmem:s22+$0x10] =	vst v2  }
0x33: {  	v1 =	vld.idx.msk [tilespmem:v0+s21+$0x0 ss:$0x1], $0xffff;
	[tilespmem:s22+$0x20] =	vst v6;
	s22 =	sadd.s32 $0x800, s22  }
0x34: {  	v2 =	vld.idx.msk [tilespmem:v0+s21+$0x10 ss:$0x1], $0xffff;
	[tilespmem:s22+$0x30] =	vst v7  }
0x35: {  	[tilespmem:s22+$0xFFFFFFC0] =	vst v8;
	v6 =	vld.idx.msk [tilespmem:v0+s21+$0x20 ss:$0x1], $0xffff;
	s21 =	sshra.s32 s23, $0x2;
	s23 =	sadd.s32 $0x200, s23  }
0x36: {  	_ =	sdelay $0x2  }
0x37: {  	[tilespmem:s22+$0xFFFFFFD0] =	vst v5  }
0x38: {  	v56 =	vld.idx.msk [tilespmem:v0+s21+$0x30 ss:$0x1], $0xffff;
	[tilespmem:s22+$0xFFFFFFE0] =	vst v4  }
0x39: {  	v57 =	vld.idx.msk [tilespmem:v0+s21+$0xFFFFFFC0 ss:$0x1], $0xffff;
	[tilespmem:s22+$0xFFFFFFF0] =	vst v3  }
0x3a: {  	v58 =	vld.idx.msk [tilespmem:v0+s21+$0xFFFFFFD0 ss:$0x1], $0xffff;
	[tilespmem:s22+$0x0] =	vst v1  }
0x3b: {  	v59 =	vld.idx.msk [tilespmem:v0+s21+$0xFFFFFFE0 ss:$0x1], $0xffff;
	[tilespmem:s22+$0x10] =	vst v2  }
0x3c: {  	v60 =	vld.idx.msk [tilespmem:v0+s21+$0xFFFFFFF0 ss:$0x1], $0xffff;
	s31 =	sadd.s32 $0x800, s22;
	[tilespmem:s22+$0x20] =	vst v6  }
0x3d: {  	v61 =	vld.idx.msk [tilespmem:v0+s21+$0x0 ss:$0x1], $0xffff;
	[tilespmem:s31+$0x30] =	vst v56  }
0x3e: {  	v62 =	vld.idx.msk [tilespmem:v0+s21+$0x10 ss:$0x1], $0xffff;
	s20 =	sadd.s32 $0x1, s20;
	[tilespmem:s31+$0xFFFFFFC0] =	vst v57  }
0x3f: {  	v63 =	vld.idx.msk [tilespmem:v0+s21+$0x20 ss:$0x1], $0xffff;
	p0 =	sne.s32 s20, $0x10;
	[tilespmem:s31+$0xFFFFFFD0] =	vst v58  }
.Ltmp4:
0x40: {  	[tilespmem:s31+$0xFFFFFFE0] =	vst v59;
	(pc) =	sbr.rel @p0 .LBB1_3-.Ltmp4, $4  }
0x41: {  	[tilespmem:s31+$0xFFFFFFF0] =	vst v60  }
0x42: {  	[tilespmem:s31+$0x0] =	vst v61  }
0x43: {  	[tilespmem:s31+$0x10] =	vst v62  }
0x44: {  	s18 =	sadd.s32 $0x80, s18;
	s19 =	sadd.s32 $0x400, s19;
	[tilespmem:s31+$0x20] =	vst v63  }
0x45: {  	s15 =	sand.u32 $0x1FFFFFF, s15  }
0x46: {  	s18 =	smulhi.u32 $0x14E5E0B, s15;
	_ =	sdelay $0x1  }
0x47: {  	s16 =	smul.u32 $0x31000, s16;
	s18 =	sshrl.u32 s18, $0x3  }
0x48: {  	s18 =	smul.u32 $0x620, s18  }
.Ltmp5:
0x49: {  	_ = 	snop;
	(pc) =	sbr.rel .LBB1_7-.Ltmp5, $4  }
0x4a: {  	s15 =	ssub.s32 s15, s18  }
0x4b: {  	s16 =	sadd.s32 s4, s16;
	s15 =	sshll.u32 s15, $0x4  }
0x4c: {  	s15 =	sadd.s32 s15, s16  }
0x4d: {  	[hbm4b:s15+s9] =	stream.strided.scatter [tilespmem:s17], [sflag:$0x2], $0x4000, s10, s9, $0x38;
	[tilespmem:$0x10000] =	vst v63  }
.LBB1_8:
0x4e: {  	_ =	sfence.sel $0x180000  }
0x4f: {  	s2 =	simm.s32 $0x1;
	[bflag:$0x0] =	sbarrier.arrive $0xFFFF  }
0x50: {  	s31 =	simm.s32 $0x2;
	[sflag:s2] =	ssyncpa.u1 $0x1  }
0x51: {  	[sflag:s31] =	ssyncpa.u1 $0x1  }
0x52: {  	p0 =	sne.s32 s0, $0x0;
	_ =	strace $0x9000004A  }
0x53: {  	s0 =	sadd.s32 @!p0 $0x100000, s1;
	[bflag:$0x2] =	sbarrier.arrive $0xFFFF  }
0x54: {  	[sflag:s0] =	ssyncadd.tile.s32 @!p0 $0x1;
	_ =	shalt  }
.Lfunc_end1:
_tile_overlayer_lowered:
.L_overlay_start_2:
0x55: {  	(tag) =	ssettag $0x2  }
0x56: {  	s0 =	rddreg [dreg:$0x0];
	s2 =	stileid.u32  }
0x57: {  	s1 =	rddreg [dreg:$0x1];
	p0 =	sne.s32 s2, $0x0  }
0x58: {  	s3 =	rddreg [dreg:$0x2];
	[bflag:$0x3] =	sbarrier.arrive $0xFFFF;
	s2 =	simm.s32 @!p0 $0x1C01  }
0x59: {  	[timem:s3], [sflag:s2] =	dma.local @!p0 [hbm:s0], s1  }
0x5a: {  	s0 =	simm.s32 @!p0 $0x1  }
0x5b: {  	_ =	swait.ge @!p0 [sflag:s0], s1  }
0x5c: {  	s1 =	ssub.s32 @!p0 $0x0, s1;
	[sflag:s0] =	ssyncset.done @!p0 $0x0  }
0x5d: {  	[sflag:s0] =	ssyncadd.s32 @!p0 s1  }
0x5e: {  	[bflag:$0x3] =	sbarrier.arrive $0xFFFF  }
0x5f: {  	_ =	shalt  }

</sc_bundles>
